<compile_context>
chip_gen: v7x
topology: tpu7x:2x2x1
jax: 0.10.2.dev20260603
libtpu: 0.0.44.dev20260713+nightly
codegen_flags: <defaults>
</compile_context>

<pallas_src>
import jax
import jax.numpy as jnp
from jax import lax
from jax.experimental import pallas as pl
from jax.experimental.pallas import tpu as pltpu
from jax.experimental.pallas import tpu_sc as plsc

VOCAB = 1000000
DIM = 64
BATCH = 4096
HIST = 50

_INFO = plsc.get_sparse_core_info()
NC = _INFO.num_cores
NS = _INFO.num_subcores
NW = NC * NS
B_TOTAL = BATCH * HIST
B_PER_W = B_TOTAL // NW
CHUNK = 128
NG = B_PER_W // CHUNK
NBUF = 5
LANE_GROUPS = DIM // 16

def _emb_body(pt_hbm, it_hbm, idx_hbm, out_hbm, idx_v, va, vb, vst,
              sem_a, sem_b, sem_st):
    wid = lax.axis_index("s") * NC + lax.axis_index("c")
    out_base = wid * B_PER_W
    pltpu.sync_copy(idx_hbm.at[wid], idx_v)

    def fire_gathers(g, b):
        pltpu.async_copy(pt_hbm.at[idx_v.at[g]], va.at[b], sem_a[b])
        pltpu.async_copy(it_hbm.at[idx_v.at[g]], vb.at[b], sem_b[b])

    def wait_gathers(g, b):
        pltpu.make_async_copy(pt_hbm.at[idx_v.at[g]], va.at[b],
                              sem_a[b]).wait()
        pltpu.make_async_copy(it_hbm.at[idx_v.at[g]], vb.at[b],
                              sem_b[b]).wait()

    def out_slice(g):
        return out_hbm.at[pl.ds(out_base + g * CHUNK, CHUNK)]

    def add_and_store(g, b):
        def add_body(i, c):
            for j in range(LANE_GROUPS):
                s = pl.ds(j * 16, 16)
                vst[b, i, s] = va[b, i, s] + vb[b, i, s]
            return c

        lax.fori_loop(0, CHUNK, add_body, 0)
        pltpu.async_copy(vst.at[b], out_slice(g), sem_st[b])

    for b in range(NBUF):
        fire_gathers(b, b)

    for b in range(NBUF):
        wait_gathers(b, b)
        add_and_store(b, b)
        fire_gathers(b + NBUF, b)

    def outer_body(o, carry):
        for b in range(NBUF):
            g = o * NBUF + b
            wait_gathers(g, b)
            pltpu.make_async_copy(vst.at[b], out_slice(g - NBUF),
                                  sem_st[b]).wait()
            add_and_store(g, b)
            fire_gathers(g + NBUF, b)
        return carry

    lax.fori_loop(1, NG // NBUF - 1, outer_body, 0)

    for b in range(NBUF):
        g = NG - NBUF + b
        wait_gathers(g, b)
        pltpu.make_async_copy(vst.at[b], out_slice(g - NBUF),
                              sem_st[b]).wait()
        add_and_store(g, b)

    for b in range(NBUF):
        g = NG - NBUF + b
        pltpu.make_async_copy(vst.at[b], out_slice(g), sem_st[b]).wait()


@jax.jit
def _emb(pretrain_table, id_table, idx):
    mesh = plsc.VectorSubcoreMesh(core_axis_name="c", subcore_axis_name="s")
    gather = pl.kernel(
        _emb_body,
        out_type=jax.ShapeDtypeStruct((B_TOTAL, DIM), jnp.float32),
        mesh=mesh,
        scratch_types=[
            pltpu.VMEM((NG, CHUNK), jnp.int32),
            pltpu.VMEM((NBUF, CHUNK, DIM), jnp.float32),
            pltpu.VMEM((NBUF, CHUNK, DIM), jnp.float32),
            pltpu.VMEM((NBUF, CHUNK, DIM), jnp.float32),
            [pltpu.SemaphoreType.DMA] * NBUF,
            [pltpu.SemaphoreType.DMA] * NBUF,
            [pltpu.SemaphoreType.DMA] * NBUF,
        ],
        compiler_params=pltpu.CompilerParams(
            use_tc_tiling_on_sc=False, needs_layout_passes=False),
    )
    return gather(pretrain_table, id_table, idx)


def kernel(inputs, pretrain_table, id_table):
    idx = inputs.reshape(NW, NG, CHUNK)
    out = _emb(pretrain_table, id_table, idx)
    return out.reshape(BATCH, HIST, DIM)

# --- scband reference (transcript-rebuilt; emitter-appended) ---
"""Pipeline reference for scband-pretrained-embedding-44100724195969 (READ-ONLY COPY).

The authoritative reference and input builder live on the scoring server;
editing this copy changes nothing except your own understanding.
"""

import jax, jax.numpy as jnp
import numpy as np

VOCAB = 1000000
DIM = 64
BATCH = 4096
HIST = 50
PADDING_IDX = 0


def setup_inputs(seed: int = 0) -> dict:
    key = jax.random.key(seed)
    k1, k2, k3 = jax.random.split(key, 3)
    inputs = jax.random.randint(k1, (BATCH, HIST), 0, VOCAB, dtype=jnp.int32)
    pretrain_table = (jax.random.normal(k2, (VOCAB, DIM), dtype=jnp.float32) * 0.02)
    # padding_idx row is zeroed in the pretrained table (matches torch loader)
    pretrain_table = pretrain_table.at[PADDING_IDX].set(0.0)
    id_table = jax.random.normal(k3, (VOCAB, DIM), dtype=jnp.float32) * 0.02
    id_table = id_table.at[PADDING_IDX].set(0.0)
    return {"inputs": inputs, "pretrain_table": pretrain_table, "id_table": id_table}


def reference(inputs, pretrain_table, id_table):
    # pretrain_usage == 'sum' with embedding_dim == pretrain_dim -> proj_1 is None
    pretrain_emb = jnp.take(pretrain_table, inputs, axis=0)
    id_emb = jnp.take(id_table, inputs, axis=0)
    feature_emb = pretrain_emb + id_emb
    return feature_emb

if __name__ == "__main__":
    import jax
    _d = setup_inputs()
    print(jax.jit(kernel)(*tuple(_d.values())))

</pallas_src>

<mosaic_0001>
#map = affine_map<(d0, d1) -> (0, 0)>
#map1 = affine_map<(d0, d1) -> (0, 0, 0)>
module attributes {stable_mosaic.version = 14 : i64} {
  func.func @_emb_body(%arg0: i32, %arg1: i32, %arg2: memref<1000000x64xf32, #tpu.memory_space<hbm>>, %arg3: memref<1000000x64xf32, #tpu.memory_space<hbm>>, %arg4: memref<32x50x128xi32, #tpu.memory_space<hbm>>, %arg5: memref<204800x64xf32, #tpu.memory_space<hbm>>, %arg6: memref<50x128xi32, #tpu.memory_space<vmem>>, %arg7: memref<5x128x64xf32, #tpu.memory_space<vmem>>, %arg8: memref<5x128x64xf32, #tpu.memory_space<vmem>>, %arg9: memref<5x128x64xf32, #tpu.memory_space<vmem>>, %arg10: memref<!tpu.dma_semaphore, #tpu.memory_space<semaphore_mem>>, %arg11: memref<!tpu.dma_semaphore, #tpu.memory_space<semaphore_mem>>, %arg12: memref<!tpu.dma_semaphore, #tpu.memory_space<semaphore_mem>>, %arg13: memref<!tpu.dma_semaphore, #tpu.memory_space<semaphore_mem>>, %arg14: memref<!tpu.dma_semaphore, #tpu.memory_space<semaphore_mem>>, %arg15: memref<!tpu.dma_semaphore, #tpu.memory_space<semaphore_mem>>, %arg16: memref<!tpu.dma_semaphore, #tpu.memory_space<semaphore_mem>>, %arg17: memref<!tpu.dma_semaphore, #tpu.memory_space<semaphore_mem>>, %arg18: memref<!tpu.dma_semaphore, #tpu.memory_space<semaphore_mem>>, %arg19: memref<!tpu.dma_semaphore, #tpu.memory_space<semaphore_mem>>, %arg20: memref<!tpu.dma_semaphore, #tpu.memory_space<semaphore_mem>>, %arg21: memref<!tpu.dma_semaphore, #tpu.memory_space<semaphore_mem>>, %arg22: memref<!tpu.dma_semaphore, #tpu.memory_space<semaphore_mem>>, %arg23: memref<!tpu.dma_semaphore, #tpu.memory_space<semaphore_mem>>, %arg24: memref<!tpu.dma_semaphore, #tpu.memory_space<semaphore_mem>>) attributes {dimension_semantics = [#tpu.dimension_semantics<core_parallel>, #tpu.dimension_semantics<subcore_parallel>], iteration_bounds = array<i64: 2, 16>, scalar_prefetch = 0 : i64, scratch_operands = 19 : i64, tpu.core_type = #tpu.core_type<sc_vector_subcore>, window_params = [{transform_indices = #map}, {transform_indices = #map}, {transform_indices = #map1}, {transform_indices = #map}]} {
    %mul3A = arith.constant 2 : i32
    %mul3A_0 = arith.muli %arg1, %mul3A : i32
    %add3A = arith.addi %mul3A_0, %arg0 : i32
    %mul3A_1 = arith.constant 6400 : i32
    %mul3A_2 = arith.muli %add3A, %mul3A_1 : i32
    "tpu.region"() ({
      %run_scoped3A = tpu.sem_alloc : memref<!tpu.dma_semaphore, #tpu.memory_space<semaphore_mem>>
      %dma_start3A_846 = arith.constant 0 : i32
      %dma_start3A_847 = arith.constant 0 : i32
      %dma_start3A_848 = tpu.memref_slice %arg4[%add3A, %dma_start3A_846, %dma_start3A_847] : memref<32x50x128xi32, #tpu.memory_space<hbm>> -> memref<1x50x128xi32, #tpu.memory_space<hbm>>
      %dma_start3A_849 = tpu.memref_squeeze %dma_start3A_848 : memref<1x50x128xi32, #tpu.memory_space<hbm>> -> memref<50x128xi32, #tpu.memory_space<hbm>>
      %dma_start3A_850 = arith.constant 0 : i32
      %dma_start3A_851 = arith.constant 0 : i32
      %dma_start3A_852 = tpu.memref_slice %arg4[%add3A, %dma_start3A_850, %dma_start3A_851] : memref<32x50x128xi32, #tpu.memory_space<hbm>> -> memref<1x50x128xi32, #tpu.memory_space<hbm>>
      %dma_start3A_853 = tpu.memref_squeeze %dma_start3A_852 : memref<1x50x128xi32, #tpu.memory_space<hbm>> -> memref<50x128xi32, #tpu.memory_space<hbm>>
      tpu.enqueue_dma source(%dma_start3A_853 : memref<50x128xi32, #tpu.memory_space<hbm>>) target(%arg6 : memref<50x128xi32, #tpu.memory_space<vmem>>) target_semaphore(%run_scoped3A : memref<!tpu.dma_semaphore, #tpu.memory_space<semaphore_mem>>)
      %dma_wait3A_854 = arith.constant 0 : i32
      %dma_wait3A_855 = arith.constant 0 : i32
      %dma_wait3A_856 = tpu.memref_slice %arg4[%add3A, %dma_wait3A_854, %dma_wait3A_855] : memref<32x50x128xi32, #tpu.memory_space<hbm>> -> memref<1x50x128xi32, #tpu.memory_space<hbm>>
      %dma_wait3A_857 = tpu.memref_squeeze %dma_wait3A_856 : memref<1x50x128xi32, #tpu.memory_space<hbm>> -> memref<50x128xi32, #tpu.memory_space<hbm>>
      %dma_wait3A_858 = arith.constant 0 : i32
      %dma_wait3A_859 = arith.constant 0 : i32
      %dma_wait3A_860 = tpu.memref_slice %arg4[%add3A, %dma_wait3A_858, %dma_wait3A_859] : memref<32x50x128xi32, #tpu.memory_space<hbm>> -> memref<1x50x128xi32, #tpu.memory_space<hbm>>
      %dma_wait3A_861 = tpu.memref_squeeze %dma_wait3A_860 : memref<1x50x128xi32, #tpu.memory_space<hbm>> -> memref<50x128xi32, #tpu.memory_space<hbm>>
      tpu.wait_dma2 semaphore(%run_scoped3A : memref<!tpu.dma_semaphore, #tpu.memory_space<semaphore_mem>>) src(%dma_wait3A_861 : memref<50x128xi32, #tpu.memory_space<hbm>>) dst(%arg6 : memref<50x128xi32, #tpu.memory_space<vmem>>)
      tpu.yield
    }) : () -> ()
    %dma_start3A = arith.constant 0 : i32
    %dma_start3A_3 = arith.constant 0 : i32
    %dma_start3A_4 = arith.constant 0 : i32
    %dma_start3A_5 = arith.constant 0 : i32
    %dma_start3A_6 = tpu.memref_slice %arg7[%dma_start3A_3, %dma_start3A_4, %dma_start3A_5] : memref<5x128x64xf32, #tpu.memory_space<vmem>> -> memref<1x128x64xf32, #tpu.memory_space<vmem>>
    %dma_start3A_7 = tpu.memref_squeeze %dma_start3A_6 : memref<1x128x64xf32, #tpu.memory_space<vmem>> -> memref<128x64xf32, #tpu.memory_space<vmem>>
    %dma_start3A_8 = arith.constant 0 : i32
    %dma_start3A_9 = tpu.memref_slice %arg6[%dma_start3A, %dma_start3A_8] : memref<50x128xi32, #tpu.memory_space<vmem>> -> memref<1x128xi32, #tpu.memory_space<vmem>>
    %dma_start3A_10 = tpu.memref_squeeze %dma_start3A_9 : memref<1x128xi32, #tpu.memory_space<vmem>> -> memref<128xi32, #tpu.memory_space<vmem>>
    %dma_start3A_11 = arith.constant 0 : i32
    %dma_start3A_12 = arith.constant 0 : i32
    %dma_start3A_13 = tpu.memref_slice %arg2[%dma_start3A_11, %dma_start3A_12] : memref<1000000x64xf32, #tpu.memory_space<hbm>> -> memref<1000000x64xf32, #tpu.memory_space<hbm>>
    tpu.enqueue_indirect_dma source(%dma_start3A_13 : memref<1000000x64xf32, #tpu.memory_space<hbm>>) target(%dma_start3A_7 : memref<128x64xf32, #tpu.memory_space<vmem>>) offsets(%dma_start3A_10 : memref<128xi32, #tpu.memory_space<vmem>>) semaphore(%arg10 : memref<!tpu.dma_semaphore, #tpu.memory_space<semaphore_mem>>)
    %dma_start3A_14 = arith.constant 0 : i32
    %dma_start3A_15 = arith.constant 0 : i32
    %dma_start3A_16 = arith.constant 0 : i32
    %dma_start3A_17 = arith.constant 0 : i32
    %dma_start3A_18 = tpu.memref_slice %arg8[%dma_start3A_15, %dma_start3A_16, %dma_start3A_17] : memref<5x128x64xf32, #tpu.memory_space<vmem>> -> memref<1x128x64xf32, #tpu.memory_space<vmem>>
    %dma_start3A_19 = tpu.memref_squeeze %dma_start3A_18 : memref<1x128x64xf32, #tpu.memory_space<vmem>> -> memref<128x64xf32, #tpu.memory_space<vmem>>
    %dma_start3A_20 = arith.constant 0 : i32
    %dma_start3A_21 = tpu.memref_slice %arg6[%dma_start3A_14, %dma_start3A_20] : memref<50x128xi32, #tpu.memory_space<vmem>> -> memref<1x128xi32, #tpu.memory_space<vmem>>
    %dma_start3A_22 = tpu.memref_squeeze %dma_start3A_21 : memref<1x128xi32, #tpu.memory_space<vmem>> -> memref<128xi32, #tpu.memory_space<vmem>>
    %dma_start3A_23 = arith.constant 0 : i32
    %dma_start3A_24 = arith.constant 0 : i32
    %dma_start3A_25 = tpu.memref_slice %arg3[%dma_start3A_23, %dma_start3A_24] : memref<1000000x64xf32, #tpu.memory_space<hbm>> -> memref<1000000x64xf32, #tpu.memory_space<hbm>>
    tpu.enqueue_indirect_dma source(%dma_start3A_25 : memref<1000000x64xf32, #tpu.memory_space<hbm>>) target(%dma_start3A_19 : memref<128x64xf32, #tpu.memory_space<vmem>>) offsets(%dma_start3A_22 : memref<128xi32, #tpu.memory_space<vmem>>) semaphore(%arg15 : memref<!tpu.dma_semaphore, #tpu.memory_space<semaphore_mem>>)
    %dma_start3A_26 = arith.constant 1 : i32
    %dma_start3A_27 = arith.constant 1 : i32
    %dma_start3A_28 = arith.constant 0 : i32
    %dma_start3A_29 = arith.constant 0 : i32
    %dma_start3A_30 = tpu.memref_slice %arg7[%dma_start3A_27, %dma_start3A_28, %dma_start3A_29] : memref<5x128x64xf32, #tpu.memory_space<vmem>> -> memref<1x128x64xf32, #tpu.memory_space<vmem>>
    %dma_start3A_31 = tpu.memref_squeeze %dma_start3A_30 : memref<1x128x64xf32, #tpu.memory_space<vmem>> -> memref<128x64xf32, #tpu.memory_space<vmem>>
    %dma_start3A_32 = arith.constant 0 : i32
    %dma_start3A_33 = tpu.memref_slice %arg6[%dma_start3A_26, %dma_start3A_32] : memref<50x128xi32, #tpu.memory_space<vmem>> -> memref<1x128xi32, #tpu.memory_space<vmem>>
    %dma_start3A_34 = tpu.memref_squeeze %dma_start3A_33 : memref<1x128xi32, #tpu.memory_space<vmem>> -> memref<128xi32, #tpu.memory_space<vmem>>
    %dma_start3A_35 = arith.constant 0 : i32
    %dma_start3A_36 = arith.constant 0 : i32
    %dma_start3A_37 = tpu.memref_slice %arg2[%dma_start3A_35, %dma_start3A_36] : memref<1000000x64xf32, #tpu.memory_space<hbm>> -> memref<1000000x64xf32, #tpu.memory_space<hbm>>
    tpu.enqueue_indirect_dma source(%dma_start3A_37 : memref<1000000x64xf32, #tpu.memory_space<hbm>>) target(%dma_start3A_31 : memref<128x64xf32, #tpu.memory_space<vmem>>) offsets(%dma_start3A_34 : memref<128xi32, #tpu.memory_space<vmem>>) semaphore(%arg11 : memref<!tpu.dma_semaphore, #tpu.memory_space<semaphore_mem>>)
    %dma_start3A_38 = arith.constant 1 : i32
    %dma_start3A_39 = arith.constant 1 : i32
    %dma_start3A_40 = arith.constant 0 : i32
    %dma_start3A_41 = arith.constant 0 : i32
    %dma_start3A_42 = tpu.memref_slice %arg8[%dma_start3A_39, %dma_start3A_40, %dma_start3A_41] : memref<5x128x64xf32, #tpu.memory_space<vmem>> -> memref<1x128x64xf32, #tpu.memory_space<vmem>>
    %dma_start3A_43 = tpu.memref_squeeze %dma_start3A_42 : memref<1x128x64xf32, #tpu.memory_space<vmem>> -> memref<128x64xf32, #tpu.memory_space<vmem>>
    %dma_start3A_44 = arith.constant 0 : i32
    %dma_start3A_45 = tpu.memref_slice %arg6[%dma_start3A_38, %dma_start3A_44] : memref<50x128xi32, #tpu.memory_space<vmem>> -> memref<1x128xi32, #tpu.memory_space<vmem>>
    %dma_start3A_46 = tpu.memref_squeeze %dma_start3A_45 : memref<1x128xi32, #tpu.memory_space<vmem>> -> memref<128xi32, #tpu.memory_space<vmem>>
    %dma_start3A_47 = arith.constant 0 : i32
    %dma_start3A_48 = arith.constant 0 : i32
    %dma_start3A_49 = tpu.memref_slice %arg3[%dma_start3A_47, %dma_start3A_48] : memref<1000000x64xf32, #tpu.memory_space<hbm>> -> memref<1000000x64xf32, #tpu.memory_space<hbm>>
    tpu.enqueue_indirect_dma source(%dma_start3A_49 : memref<1000000x64xf32, #tpu.memory_space<hbm>>) target(%dma_start3A_43 : memref<128x64xf32, #tpu.memory_space<vmem>>) offsets(%dma_start3A_46 : memref<128xi32, #tpu.memory_space<vmem>>) semaphore(%arg16 : memref<!tpu.dma_semaphore, #tpu.memory_space<semaphore_mem>>)
    %dma_start3A_50 = arith.constant 2 : i32
    %dma_start3A_51 = arith.constant 2 : i32
    %dma_start3A_52 = arith.constant 0 : i32
    %dma_start3A_53 = arith.constant 0 : i32
    %dma_start3A_54 = tpu.memref_slice %arg7[%dma_start3A_51, %dma_start3A_52, %dma_start3A_53] : memref<5x128x64xf32, #tpu.memory_space<vmem>> -> memref<1x128x64xf32, #tpu.memory_space<vmem>>
    %dma_start3A_55 = tpu.memref_squeeze %dma_start3A_54 : memref<1x128x64xf32, #tpu.memory_space<vmem>> -> memref<128x64xf32, #tpu.memory_space<vmem>>
    %dma_start3A_56 = arith.constant 0 : i32
    %dma_start3A_57 = tpu.memref_slice %arg6[%dma_start3A_50, %dma_start3A_56] : memref<50x128xi32, #tpu.memory_space<vmem>> -> memref<1x128xi32, #tpu.memory_space<vmem>>
    %dma_start3A_58 = tpu.memref_squeeze %dma_start3A_57 : memref<1x128xi32, #tpu.memory_space<vmem>> -> memref<128xi32, #tpu.memory_space<vmem>>
    %dma_start3A_59 = arith.constant 0 : i32
    %dma_start3A_60 = arith.constant 0 : i32
    %dma_start3A_61 = tpu.memref_slice %arg2[%dma_start3A_59, %dma_start3A_60] : memref<1000000x64xf32, #tpu.memory_space<hbm>> -> memref<1000000x64xf32, #tpu.memory_space<hbm>>
    tpu.enqueue_indirect_dma source(%dma_start3A_61 : memref<1000000x64xf32, #tpu.memory_space<hbm>>) target(%dma_start3A_55 : memref<128x64xf32, #tpu.memory_space<vmem>>) offsets(%dma_start3A_58 : memref<128xi32, #tpu.memory_space<vmem>>) semaphore(%arg12 : memref<!tpu.dma_semaphore, #tpu.memory_space<semaphore_mem>>)
    %dma_start3A_62 = arith.constant 2 : i32
    %dma_start3A_63 = arith.constant 2 : i32
    %dma_start3A_64 = arith.constant 0 : i32
    %dma_start3A_65 = arith.constant 0 : i32
    %dma_start3A_66 = tpu.memref_slice %arg8[%dma_start3A_63, %dma_start3A_64, %dma_start3A_65] : memref<5x128x64xf32, #tpu.memory_space<vmem>> -> memref<1x128x64xf32, #tpu.memory_space<vmem>>
    %dma_start3A_67 = tpu.memref_squeeze %dma_start3A_66 : memref<1x128x64xf32, #tpu.memory_space<vmem>> -> memref<128x64xf32, #tpu.memory_space<vmem>>
    %dma_start3A_68 = arith.constant 0 : i32
    %dma_start3A_69 = tpu.memref_slice %arg6[%dma_start3A_62, %dma_start3A_68] : memref<50x128xi32, #tpu.memory_space<vmem>> -> memref<1x128xi32, #tpu.memory_space<vmem>>
    %dma_start3A_70 = tpu.memref_squeeze %dma_start3A_69 : memref<1x128xi32, #tpu.memory_space<vmem>> -> memref<128xi32, #tpu.memory_space<vmem>>
    %dma_start3A_71 = arith.constant 0 : i32
    %dma_start3A_72 = arith.constant 0 : i32
    %dma_start3A_73 = tpu.memref_slice %arg3[%dma_start3A_71, %dma_start3A_72] : memref<1000000x64xf32, #tpu.memory_space<hbm>> -> memref<1000000x64xf32, #tpu.memory_space<hbm>>
    tpu.enqueue_indirect_dma source(%dma_start3A_73 : memref<1000000x64xf32, #tpu.memory_space<hbm>>) target(%dma_start3A_67 : memref<128x64xf32, #tpu.memory_space<vmem>>) offsets(%dma_start3A_70 : memref<128xi32, #tpu.memory_space<vmem>>) semaphore(%arg17 : memref<!tpu.dma_semaphore, #tpu.memory_space<semaphore_mem>>)
    %dma_start3A_74 = arith.constant 3 : i32
    %dma_start3A_75 = arith.constant 3 : i32
    %dma_start3A_76 = arith.constant 0 : i32
    %dma_start3A_77 = arith.constant 0 : i32
    %dma_start3A_78 = tpu.memref_slice %arg7[%dma_start3A_75, %dma_start3A_76, %dma_start3A_77] : memref<5x128x64xf32, #tpu.memory_space<vmem>> -> memref<1x128x64xf32, #tpu.memory_space<vmem>>
    %dma_start3A_79 = tpu.memref_squeeze %dma_start3A_78 : memref<1x128x64xf32, #tpu.memory_space<vmem>> -> memref<128x64xf32, #tpu.memory_space<vmem>>
    %dma_start3A_80 = arith.constant 0 : i32
    %dma_start3A_81 = tpu.memref_slice %arg6[%dma_start3A_74, %dma_start3A_80] : memref<50x128xi32, #tpu.memory_space<vmem>> -> memref<1x128xi32, #tpu.memory_space<vmem>>
    %dma_start3A_82 = tpu.memref_squeeze %dma_start3A_81 : memref<1x128xi32, #tpu.memory_space<vmem>> -> memref<128xi32, #tpu.memory_space<vmem>>
    %dma_start3A_83 = arith.constant 0 : i32
    %dma_start3A_84 = arith.constant 0 : i32
    %dma_start3A_85 = tpu.memref_slice %arg2[%dma_start3A_83, %dma_start3A_84] : memref<1000000x64xf32, #tpu.memory_space<hbm>> -> memref<1000000x64xf32, #tpu.memory_space<hbm>>
    tpu.enqueue_indirect_dma source(%dma_start3A_85 : memref<1000000x64xf32, #tpu.memory_space<hbm>>) target(%dma_start3A_79 : memref<128x64xf32, #tpu.memory_space<vmem>>) offsets(%dma_start3A_82 : memref<128xi32, #tpu.memory_space<vmem>>) semaphore(%arg13 : memref<!tpu.dma_semaphore, #tpu.memory_space<semaphore_mem>>)
    %dma_start3A_86 = arith.constant 3 : i32
    %dma_start3A_87 = arith.constant 3 : i32
    %dma_start3A_88 = arith.constant 0 : i32
    %dma_start3A_89 = arith.constant 0 : i32
    %dma_start3A_90 = tpu.memref_slice %arg8[%dma_start3A_87, %dma_start3A_88, %dma_start3A_89] : memref<5x128x64xf32, #tpu.memory_space<vmem>> -> memref<1x128x64xf32, #tpu.memory_space<vmem>>
    %dma_start3A_91 = tpu.memref_squeeze %dma_start3A_90 : memref<1x128x64xf32, #tpu.memory_space<vmem>> -> memref<128x64xf32, #tpu.memory_space<vmem>>
    %dma_start3A_92 = arith.constant 0 : i32
    %dma_start3A_93 = tpu.memref_slice %arg6[%dma_start3A_86, %dma_start3A_92] : memref<50x128xi32, #tpu.memory_space<vmem>> -> memref<1x128xi32, #tpu.memory_space<vmem>>
    %dma_start3A_94 = tpu.memref_squeeze %dma_start3A_93 : memref<1x128xi32, #tpu.memory_space<vmem>> -> memref<128xi32, #tpu.memory_space<vmem>>
    %dma_start3A_95 = arith.constant 0 : i32
    %dma_start3A_96 = arith.constant 0 : i32
    %dma_start3A_97 = tpu.memref_slice %arg3[%dma_start3A_95, %dma_start3A_96] : memref<1000000x64xf32, #tpu.memory_space<hbm>> -> memref<1000000x64xf32, #tpu.memory_space<hbm>>
    tpu.enqueue_indirect_dma source(%dma_start3A_97 : memref<1000000x64xf32, #tpu.memory_space<hbm>>) target(%dma_start3A_91 : memref<128x64xf32, #tpu.memory_space<vmem>>) offsets(%dma_start3A_94 : memref<128xi32, #tpu.memory_space<vmem>>) semaphore(%arg18 : memref<!tpu.dma_semaphore, #tpu.memory_space<semaphore_mem>>)
    %dma_start3A_98 = arith.constant 4 : i32
    %dma_start3A_99 = arith.constant 4 : i32
    %dma_start3A_100 = arith.constant 0 : i32
    %dma_start3A_101 = arith.constant 0 : i32
    %dma_start3A_102 = tpu.memref_slice %arg7[%dma_start3A_99, %dma_start3A_100, %dma_start3A_101] : memref<5x128x64xf32, #tpu.memory_space<vmem>> -> memref<1x128x64xf32, #tpu.memory_space<vmem>>
    %dma_start3A_103 = tpu.memref_squeeze %dma_start3A_102 : memref<1x128x64xf32, #tpu.memory_space<vmem>> -> memref<128x64xf32, #tpu.memory_space<vmem>>
    %dma_start3A_104 = arith.constant 0 : i32
    %dma_start3A_105 = tpu.memref_slice %arg6[%dma_start3A_98, %dma_start3A_104] : memref<50x128xi32, #tpu.memory_space<vmem>> -> memref<1x128xi32, #tpu.memory_space<vmem>>
    %dma_start3A_106 = tpu.memref_squeeze %dma_start3A_105 : memref<1x128xi32, #tpu.memory_space<vmem>> -> memref<128xi32, #tpu.memory_space<vmem>>
    %dma_start3A_107 = arith.constant 0 : i32
    %dma_start3A_108 = arith.constant 0 : i32
    %dma_start3A_109 = tpu.memref_slice %arg2[%dma_start3A_107, %dma_start3A_108] : memref<1000000x64xf32, #tpu.memory_space<hbm>> -> memref<1000000x64xf32, #tpu.memory_space<hbm>>
    tpu.enqueue_indirect_dma source(%dma_start3A_109 : memref<1000000x64xf32, #tpu.memory_space<hbm>>) target(%dma_start3A_103 : memref<128x64xf32, #tpu.memory_space<vmem>>) offsets(%dma_start3A_106 : memref<128xi32, #tpu.memory_space<vmem>>) semaphore(%arg14 : memref<!tpu.dma_semaphore, #tpu.memory_space<semaphore_mem>>)
    %dma_start3A_110 = arith.constant 4 : i32
    %dma_start3A_111 = arith.constant 4 : i32
    %dma_start3A_112 = arith.constant 0 : i32
    %dma_start3A_113 = arith.constant 0 : i32
    %dma_start3A_114 = tpu.memref_slice %arg8[%dma_start3A_111, %dma_start3A_112, %dma_start3A_113] : memref<5x128x64xf32, #tpu.memory_space<vmem>> -> memref<1x128x64xf32, #tpu.memory_space<vmem>>
    %dma_start3A_115 = tpu.memref_squeeze %dma_start3A_114 : memref<1x128x64xf32, #tpu.memory_space<vmem>> -> memref<128x64xf32, #tpu.memory_space<vmem>>
    %dma_start3A_116 = arith.constant 0 : i32
    %dma_start3A_117 = tpu.memref_slice %arg6[%dma_start3A_110, %dma_start3A_116] : memref<50x128xi32, #tpu.memory_space<vmem>> -> memref<1x128xi32, #tpu.memory_space<vmem>>
    %dma_start3A_118 = tpu.memref_squeeze %dma_start3A_117 : memref<1x128xi32, #tpu.memory_space<vmem>> -> memref<128xi32, #tpu.memory_space<vmem>>
    %dma_start3A_119 = arith.constant 0 : i32
    %dma_start3A_120 = arith.constant 0 : i32
    %dma_start3A_121 = tpu.memref_slice %arg3[%dma_start3A_119, %dma_start3A_120] : memref<1000000x64xf32, #tpu.memory_space<hbm>> -> memref<1000000x64xf32, #tpu.memory_space<hbm>>
    tpu.enqueue_indirect_dma source(%dma_start3A_121 : memref<1000000x64xf32, #tpu.memory_space<hbm>>) target(%dma_start3A_115 : memref<128x64xf32, #tpu.memory_space<vmem>>) offsets(%dma_start3A_118 : memref<128xi32, #tpu.memory_space<vmem>>) semaphore(%arg19 : memref<!tpu.dma_semaphore, #tpu.memory_space<semaphore_mem>>)
    %dma_wait3A = arith.constant 0 : i32
    %dma_wait3A_122 = arith.constant 0 : i32
    %dma_wait3A_123 = arith.constant 0 : i32
    %dma_wait3A_124 = arith.constant 0 : i32
    %dma_wait3A_125 = tpu.memref_slice %arg7[%dma_wait3A_122, %dma_wait3A_123, %dma_wait3A_124] : memref<5x128x64xf32, #tpu.memory_space<vmem>> -> memref<1x128x64xf32, #tpu.memory_space<vmem>>
    %dma_wait3A_126 = tpu.memref_squeeze %dma_wait3A_125 : memref<1x128x64xf32, #tpu.memory_space<vmem>> -> memref<128x64xf32, #tpu.memory_space<vmem>>
    %dma_wait3A_127 = arith.constant 0 : i32
    %dma_wait3A_128 = tpu.memref_slice %arg6[%dma_wait3A, %dma_wait3A_127] : memref<50x128xi32, #tpu.memory_space<vmem>> -> memref<1x128xi32, #tpu.memory_space<vmem>>
    %dma_wait3A_129 = tpu.memref_squeeze %dma_wait3A_128 : memref<1x128xi32, #tpu.memory_space<vmem>> -> memref<128xi32, #tpu.memory_space<vmem>>
    %dma_wait3A_130 = arith.constant 0 : i32
    %dma_wait3A_131 = arith.constant 0 : i32
    %dma_wait3A_132 = tpu.memref_slice %arg2[%dma_wait3A_130, %dma_wait3A_131] : memref<1000000x64xf32, #tpu.memory_space<hbm>> -> memref<1000000x64xf32, #tpu.memory_space<hbm>>
    tpu.wait_indirect_dma semaphore(%arg10 : memref<!tpu.dma_semaphore, #tpu.memory_space<semaphore_mem>>) src(%dma_wait3A_132 : memref<1000000x64xf32, #tpu.memory_space<hbm>>) dst(%dma_wait3A_126 : memref<128x64xf32, #tpu.memory_space<vmem>>)
    %dma_wait3A_133 = arith.constant 0 : i32
    %dma_wait3A_134 = arith.constant 0 : i32
    %dma_wait3A_135 = arith.constant 0 : i32
    %dma_wait3A_136 = arith.constant 0 : i32
    %dma_wait3A_137 = tpu.memref_slice %arg8[%dma_wait3A_134, %dma_wait3A_135, %dma_wait3A_136] : memref<5x128x64xf32, #tpu.memory_space<vmem>> -> memref<1x128x64xf32, #tpu.memory_space<vmem>>
    %dma_wait3A_138 = tpu.memref_squeeze %dma_wait3A_137 : memref<1x128x64xf32, #tpu.memory_space<vmem>> -> memref<128x64xf32, #tpu.memory_space<vmem>>
    %dma_wait3A_139 = arith.constant 0 : i32
    %dma_wait3A_140 = tpu.memref_slice %arg6[%dma_wait3A_133, %dma_wait3A_139] : memref<50x128xi32, #tpu.memory_space<vmem>> -> memref<1x128xi32, #tpu.memory_space<vmem>>
    %dma_wait3A_141 = tpu.memref_squeeze %dma_wait3A_140 : memref<1x128xi32, #tpu.memory_space<vmem>> -> memref<128xi32, #tpu.memory_space<vmem>>
    %dma_wait3A_142 = arith.constant 0 : i32
    %dma_wait3A_143 = arith.constant 0 : i32
    %dma_wait3A_144 = tpu.memref_slice %arg3[%dma_wait3A_142, %dma_wait3A_143] : memref<1000000x64xf32, #tpu.memory_space<hbm>> -> memref<1000000x64xf32, #tpu.memory_space<hbm>>
    tpu.wait_indirect_dma semaphore(%arg15 : memref<!tpu.dma_semaphore, #tpu.memory_space<semaphore_mem>>) src(%dma_wait3A_144 : memref<1000000x64xf32, #tpu.memory_space<hbm>>) dst(%dma_wait3A_138 : memref<128x64xf32, #tpu.memory_space<vmem>>)
    %scan3A = arith.constant 0 : i32
    %scan3A_145 = arith.constant 0 : i32
    %scan3A_146 = arith.constant 128 : i32
    %scan3A_147 = arith.addi %scan3A_145, %scan3A_146 : i32
    %scan3A_148 = arith.constant 1 : i32
    scf.for %scan3A_846 = %scan3A_145 to %scan3A_147 step %scan3A_148  : i32 {
      %get3A = arith.constant 0 : i32
      %get3A_847 = arith.index_cast %get3A : i32 to index
      %get3A_848 = arith.index_cast %scan3A_846 : i32 to index
      %get3A_849 = arith.constant 0 : index
      %get3A_850 = tpu.vector_load %arg7[%get3A_847, %get3A_848, %get3A_849] {strides = array<i32>} : memref<5x128x64xf32, #tpu.memory_space<vmem>>, vector<16xf32>,
      %get3A_851 = arith.constant 0 : i32
      %get3A_852 = arith.index_cast %get3A_851 : i32 to index
      %get3A_853 = arith.index_cast %scan3A_846 : i32 to index
      %get3A_854 = arith.constant 0 : index
      %get3A_855 = tpu.vector_load %arg8[%get3A_852, %get3A_853, %get3A_854] {strides = array<i32>} : memref<5x128x64xf32, #tpu.memory_space<vmem>>, vector<16xf32>,
      %add3A_856 = arith.addf %get3A_850, %get3A_855 : vector<16xf32>
      %swap3A = arith.constant 0 : i32
      %swap3A_857 = arith.index_cast %swap3A : i32 to index
      %swap3A_858 = arith.index_cast %scan3A_846 : i32 to index
      %swap3A_859 = arith.constant 0 : index
      %swap3A_860 = tpu.vector_load %arg9[%swap3A_857, %swap3A_858, %swap3A_859] {strides = array<i32>} : memref<5x128x64xf32, #tpu.memory_space<vmem>>, vector<16xf32>,
      tpu.vector_store %arg9[%swap3A_857, %swap3A_858, %swap3A_859], %add3A_856 {strides = array<i32>} : memref<5x128x64xf32, #tpu.memory_space<vmem>>, vector<16xf32>,
      %get3A_861 = arith.constant 0 : i32
      %get3A_862 = arith.index_cast %get3A_861 : i32 to index
      %get3A_863 = arith.index_cast %scan3A_846 : i32 to index
      %get3A_864 = arith.constant 16 : index
      %get3A_865 = tpu.vector_load %arg7[%get3A_862, %get3A_863, %get3A_864] {strides = array<i32>} : memref<5x128x64xf32, #tpu.memory_space<vmem>>, vector<16xf32>,
      %get3A_866 = arith.constant 0 : i32
      %get3A_867 = arith.index_cast %get3A_866 : i32 to index
      %get3A_868 = arith.index_cast %scan3A_846 : i32 to index
      %get3A_869 = arith.constant 16 : index
      %get3A_870 = tpu.vector_load %arg8[%get3A_867, %get3A_868, %get3A_869] {strides = array<i32>} : memref<5x128x64xf32, #tpu.memory_space<vmem>>, vector<16xf32>,
      %add3A_871 = arith.addf %get3A_865, %get3A_870 : vector<16xf32>
      %swap3A_872 = arith.constant 0 : i32
      %swap3A_873 = arith.index_cast %swap3A_872 : i32 to index
      %swap3A_874 = arith.index_cast %scan3A_846 : i32 to index
      %swap3A_875 = arith.constant 16 : index
      %swap3A_876 = tpu.vector_load %arg9[%swap3A_873, %swap3A_874, %swap3A_875] {strides = array<i32>} : memref<5x128x64xf32, #tpu.memory_space<vmem>>, vector<16xf32>,
      tpu.vector_store %arg9[%swap3A_873, %swap3A_874, %swap3A_875], %add3A_871 {strides = array<i32>} : memref<5x128x64xf32, #tpu.memory_space<vmem>>, vector<16xf32>,
      %get3A_877 = arith.constant 0 : i32
      %get3A_878 = arith.index_cast %get3A_877 : i32 to index
      %get3A_879 = arith.index_cast %scan3A_846 : i32 to index
      %get3A_880 = arith.constant 32 : index
      %get3A_881 = tpu.vector_load %arg7[%get3A_878, %get3A_879, %get3A_880] {strides = array<i32>} : memref<5x128x64xf32, #tpu.memory_space<vmem>>, vector<16xf32>,
      %get3A_882 = arith.constant 0 : i32
      %get3A_883 = arith.index_cast %get3A_882 : i32 to index
      %get3A_884 = arith.index_cast %scan3A_846 : i32 to index
      %get3A_885 = arith.constant 32 : index
      %get3A_886 = tpu.vector_load %arg8[%get3A_883, %get3A_884, %get3A_885] {strides = array<i32>} : memref<5x128x64xf32, #tpu.memory_space<vmem>>, vector<16xf32>,
      %add3A_887 = arith.addf %get3A_881, %get3A_886 : vector<16xf32>
      %swap3A_888 = arith.constant 0 : i32
      %swap3A_889 = arith.index_cast %swap3A_888 : i32 to index
      %swap3A_890 = arith.index_cast %scan3A_846 : i32 to index
      %swap3A_891 = arith.constant 32 : index
      %swap3A_892 = tpu.vector_load %arg9[%swap3A_889, %swap3A_890, %swap3A_891] {strides = array<i32>} : memref<5x128x64xf32, #tpu.memory_space<vmem>>, vector<16xf32>,
      tpu.vector_store %arg9[%swap3A_889, %swap3A_890, %swap3A_891], %add3A_887 {strides = array<i32>} : memref<5x128x64xf32, #tpu.memory_space<vmem>>, vector<16xf32>,
      %get3A_893 = arith.constant 0 : i32
      %get3A_894 = arith.index_cast %get3A_893 : i32 to index
      %get3A_895 = arith.index_cast %scan3A_846 : i32 to index
      %get3A_896 = arith.constant 48 : index
      %get3A_897 = tpu.vector_load %arg7[%get3A_894, %get3A_895, %get3A_896] {strides = array<i32>} : memref<5x128x64xf32, #tpu.memory_space<vmem>>, vector<16xf32>,
      %get3A_898 = arith.constant 0 : i32
      %get3A_899 = arith.index_cast %get3A_898 : i32 to index
      %get3A_900 = arith.index_cast %scan3A_846 : i32 to index
      %get3A_901 = arith.constant 48 : index
      %get3A_902 = tpu.vector_load %arg8[%get3A_899, %get3A_900, %get3A_901] {strides = array<i32>} : memref<5x128x64xf32, #tpu.memory_space<vmem>>, vector<16xf32>,
      %add3A_903 = arith.addf %get3A_897, %get3A_902 : vector<16xf32>
      %swap3A_904 = arith.constant 0 : i32
      %swap3A_905 = arith.index_cast %swap3A_904 : i32 to index
      %swap3A_906 = arith.index_cast %scan3A_846 : i32 to index
      %swap3A_907 = arith.constant 48 : index
      %swap3A_908 = tpu.vector_load %arg9[%swap3A_905, %swap3A_906, %swap3A_907] {strides = array<i32>} : memref<5x128x64xf32, #tpu.memory_space<vmem>>, vector<16xf32>,
      tpu.vector_store %arg9[%swap3A_905, %swap3A_906, %swap3A_907], %add3A_903 {strides = array<i32>} : memref<5x128x64xf32, #tpu.memory_space<vmem>>, vector<16xf32>,
    }
    %scan3A_149 = arith.constant 128 : i32
    %add3A_150 = arith.constant 0 : i32
    %add3A_151 = arith.addi %mul3A_2, %add3A_150 : i32
    %dma_start3A_152 = arith.constant 0 : i32
    %dma_start3A_153 = arith.constant 0 : i32
    %dma_start3A_154 = arith.constant 0 : i32
    %dma_start3A_155 = tpu.memref_slice %arg9[%dma_start3A_152, %dma_start3A_153, %dma_start3A_154] : memref<5x128x64xf32, #tpu.memory_space<vmem>> -> memref<1x128x64xf32, #tpu.memory_space<vmem>>
    %dma_start3A_156 = tpu.memref_squeeze %dma_start3A_155 : memref<1x128x64xf32, #tpu.memory_space<vmem>> -> memref<128x64xf32, #tpu.memory_space<vmem>>
    %dma_start3A_157 = arith.constant 0 : i32
    %dma_start3A_158 = tpu.memref_slice %arg5[%add3A_151, %dma_start3A_157] : memref<204800x64xf32, #tpu.memory_space<hbm>> -> memref<128x64xf32, #tpu.memory_space<hbm>>
    %dma_start3A_159 = arith.constant 0 : i32
    %dma_start3A_160 = tpu.memref_slice %arg5[%add3A_151, %dma_start3A_159] : memref<204800x64xf32, #tpu.memory_space<hbm>> -> memref<128x64xf32, #tpu.memory_space<hbm>>
    %dma_start3A_161 = arith.constant 0 : i32
    %dma_start3A_162 = arith.constant 0 : i32
    %dma_start3A_163 = tpu.memref_slice %arg9[%dma_start3A_152, %dma_start3A_161, %dma_start3A_162] : memref<5x128x64xf32, #tpu.memory_space<vmem>> -> memref<1x128x64xf32, #tpu.memory_space<vmem>>
    %dma_start3A_164 = tpu.memref_squeeze %dma_start3A_163 : memref<1x128x64xf32, #tpu.memory_space<vmem>> -> memref<128x64xf32, #tpu.memory_space<vmem>>
    tpu.enqueue_dma source(%dma_start3A_164 : memref<128x64xf32, #tpu.memory_space<vmem>>) target(%dma_start3A_160 : memref<128x64xf32, #tpu.memory_space<hbm>>) target_semaphore(%arg20 : memref<!tpu.dma_semaphore, #tpu.memory_space<semaphore_mem>>)
    %dma_start3A_165 = arith.constant 5 : i32
    %dma_start3A_166 = arith.constant 0 : i32
    %dma_start3A_167 = arith.constant 0 : i32
    %dma_start3A_168 = arith.constant 0 : i32
    %dma_start3A_169 = tpu.memref_slice %arg7[%dma_start3A_166, %dma_start3A_167, %dma_start3A_168] : memref<5x128x64xf32, #tpu.memory_space<vmem>> -> memref<1x128x64xf32, #tpu.memory_space<vmem>>
    %dma_start3A_170 = tpu.memref_squeeze %dma_start3A_169 : memref<1x128x64xf32, #tpu.memory_space<vmem>> -> memref<128x64xf32, #tpu.memory_space<vmem>>
    %dma_start3A_171 = arith.constant 0 : i32
    %dma_start3A_172 = tpu.memref_slice %arg6[%dma_start3A_165, %dma_start3A_171] : memref<50x128xi32, #tpu.memory_space<vmem>> -> memref<1x128xi32, #tpu.memory_space<vmem>>
    %dma_start3A_173 = tpu.memref_squeeze %dma_start3A_172 : memref<1x128xi32, #tpu.memory_space<vmem>> -> memref<128xi32, #tpu.memory_space<vmem>>
    %dma_start3A_174 = arith.constant 0 : i32
    %dma_start3A_175 = arith.constant 0 : i32
    %dma_start3A_176 = tpu.memref_slice %arg2[%dma_start3A_174, %dma_start3A_175] : memref<1000000x64xf32, #tpu.memory_space<hbm>> -> memref<1000000x64xf32, #tpu.memory_space<hbm>>
    tpu.enqueue_indirect_dma source(%dma_start3A_176 : memref<1000000x64xf32, #tpu.memory_space<hbm>>) target(%dma_start3A_170 : memref<128x64xf32, #tpu.memory_space<vmem>>) offsets(%dma_start3A_173 : memref<128xi32, #tpu.memory_space<vmem>>) semaphore(%arg10 : memref<!tpu.dma_semaphore, #tpu.memory_space<semaphore_mem>>)
    %dma_start3A_177 = arith.constant 5 : i32
    %dma_start3A_178 = arith.constant 0 : i32
    %dma_start3A_179 = arith.constant 0 : i32
    %dma_start3A_180 = arith.constant 0 : i32
    %dma_start3A_181 = tpu.memref_slice %arg8[%dma_start3A_178, %dma_start3A_179, %dma_start3A_180] : memref<5x128x64xf32, #tpu.memory_space<vmem>> -> memref<1x128x64xf32, #tpu.memory_space<vmem>>
    %dma_start3A_182 = tpu.memref_squeeze %dma_start3A_181 : memref<1x128x64xf32, #tpu.memory_space<vmem>> -> memref<128x64xf32, #tpu.memory_space<vmem>>
    %dma_start3A_183 = arith.constant 0 : i32
    %dma_start3A_184 = tpu.memref_slice %arg6[%dma_start3A_177, %dma_start3A_183] : memref<50x128xi32, #tpu.memory_space<vmem>> -> memref<1x128xi32, #tpu.memory_space<vmem>>
    %dma_start3A_185 = tpu.memref_squeeze %dma_start3A_184 : memref<1x128xi32, #tpu.memory_space<vmem>> -> memref<128xi32, #tpu.memory_space<vmem>>
    %dma_start3A_186 = arith.constant 0 : i32
    %dma_start3A_187 = arith.constant 0 : i32
    %dma_start3A_188 = tpu.memref_slice %arg3[%dma_start3A_186, %dma_start3A_187] : memref<1000000x64xf32, #tpu.memory_space<hbm>> -> memref<1000000x64xf32, #tpu.memory_space<hbm>>
    tpu.enqueue_indirect_dma source(%dma_start3A_188 : memref<1000000x64xf32, #tpu.memory_space<hbm>>) target(%dma_start3A_182 : memref<128x64xf32, #tpu.memory_space<vmem>>) offsets(%dma_start3A_185 : memref<128xi32, #tpu.memory_space<vmem>>) semaphore(%arg15 : memref<!tpu.dma_semaphore, #tpu.memory_space<semaphore_mem>>)
    %dma_wait3A_189 = arith.constant 1 : i32
    %dma_wait3A_190 = arith.constant 1 : i32
    %dma_wait3A_191 = arith.constant 0 : i32
    %dma_wait3A_192 = arith.constant 0 : i32
    %dma_wait3A_193 = tpu.memref_slice %arg7[%dma_wait3A_190, %dma_wait3A_191, %dma_wait3A_192] : memref<5x128x64xf32, #tpu.memory_space<vmem>> -> memref<1x128x64xf32, #tpu.memory_space<vmem>>
    %dma_wait3A_194 = tpu.memref_squeeze %dma_wait3A_193 : memref<1x128x64xf32, #tpu.memory_space<vmem>> -> memref<128x64xf32, #tpu.memory_space<vmem>>
    %dma_wait3A_195 = arith.constant 0 : i32
    %dma_wait3A_196 = tpu.memref_slice %arg6[%dma_wait3A_189, %dma_wait3A_195] : memref<50x128xi32, #tpu.memory_space<vmem>> -> memref<1x128xi32, #tpu.memory_space<vmem>>
    %dma_wait3A_197 = tpu.memref_squeeze %dma_wait3A_196 : memref<1x128xi32, #tpu.memory_space<vmem>> -> memref<128xi32, #tpu.memory_space<vmem>>
    %dma_wait3A_198 = arith.constant 0 : i32
    %dma_wait3A_199 = arith.constant 0 : i32
    %dma_wait3A_200 = tpu.memref_slice %arg2[%dma_wait3A_198, %dma_wait3A_199] : memref<1000000x64xf32, #tpu.memory_space<hbm>> -> memref<1000000x64xf32, #tpu.memory_space<hbm>>
    tpu.wait_indirect_dma semaphore(%arg11 : memref<!tpu.dma_semaphore, #tpu.memory_space<semaphore_mem>>) src(%dma_wait3A_200 : memref<1000000x64xf32, #tpu.memory_space<hbm>>) dst(%dma_wait3A_194 : memref<128x64xf32, #tpu.memory_space<vmem>>)
    %dma_wait3A_201 = arith.constant 1 : i32
    %dma_wait3A_202 = arith.constant 1 : i32
    %dma_wait3A_203 = arith.constant 0 : i32
    %dma_wait3A_204 = arith.constant 0 : i32
    %dma_wait3A_205 = tpu.memref_slice %arg8[%dma_wait3A_202, %dma_wait3A_203, %dma_wait3A_204] : memref<5x128x64xf32, #tpu.memory_space<vmem>> -> memref<1x128x64xf32, #tpu.memory_space<vmem>>
    %dma_wait3A_206 = tpu.memref_squeeze %dma_wait3A_205 : memref<1x128x64xf32, #tpu.memory_space<vmem>> -> memref<128x64xf32, #tpu.memory_space<vmem>>
    %dma_wait3A_207 = arith.constant 0 : i32
    %dma_wait3A_208 = tpu.memref_slice %arg6[%dma_wait3A_201, %dma_wait3A_207] : memref<50x128xi32, #tpu.memory_space<vmem>> -> memref<1x128xi32, #tpu.memory_space<vmem>>
    %dma_wait3A_209 = tpu.memref_squeeze %dma_wait3A_208 : memref<1x128xi32, #tpu.memory_space<vmem>> -> memref<128xi32, #tpu.memory_space<vmem>>
    %dma_wait3A_210 = arith.constant 0 : i32
    %dma_wait3A_211 = arith.constant 0 : i32
    %dma_wait3A_212 = tpu.memref_slice %arg3[%dma_wait3A_210, %dma_wait3A_211] : memref<1000000x64xf32, #tpu.memory_space<hbm>> -> memref<1000000x64xf32, #tpu.memory_space<hbm>>
    tpu.wait_indirect_dma semaphore(%arg16 : memref<!tpu.dma_semaphore, #tpu.memory_space<semaphore_mem>>) src(%dma_wait3A_212 : memref<1000000x64xf32, #tpu.memory_space<hbm>>) dst(%dma_wait3A_206 : memref<128x64xf32, #tpu.memory_space<vmem>>)
    %scan3A_213 = arith.constant 0 : i32
    %scan3A_214 = arith.constant 0 : i32
    %scan3A_215 = arith.constant 128 : i32
    %scan3A_216 = arith.addi %scan3A_214, %scan3A_215 : i32
    %scan3A_217 = arith.constant 1 : i32
    scf.for %scan3A_846 = %scan3A_214 to %scan3A_216 step %scan3A_217  : i32 {
      %get3A = arith.constant 1 : i32
      %get3A_847 = arith.index_cast %get3A : i32 to index
      %get3A_848 = arith.index_cast %scan3A_846 : i32 to index
      %get3A_849 = arith.constant 0 : index
      %get3A_850 = tpu.vector_load %arg7[%get3A_847, %get3A_848, %get3A_849] {strides = array<i32>} : memref<5x128x64xf32, #tpu.memory_space<vmem>>, vector<16xf32>,
      %get3A_851 = arith.constant 1 : i32
      %get3A_852 = arith.index_cast %get3A_851 : i32 to index
      %get3A_853 = arith.index_cast %scan3A_846 : i32 to index
      %get3A_854 = arith.constant 0 : index
      %get3A_855 = tpu.vector_load %arg8[%get3A_852, %get3A_853, %get3A_854] {strides = array<i32>} : memref<5x128x64xf32, #tpu.memory_space<vmem>>, vector<16xf32>,
      %add3A_856 = arith.addf %get3A_850, %get3A_855 : vector<16xf32>
      %swap3A = arith.constant 1 : i32
      %swap3A_857 = arith.index_cast %swap3A : i32 to index
      %swap3A_858 = arith.index_cast %scan3A_846 : i32 to index
      %swap3A_859 = arith.constant 0 : index
      %swap3A_860 = tpu.vector_load %arg9[%swap3A_857, %swap3A_858, %swap3A_859] {strides = array<i32>} : memref<5x128x64xf32, #tpu.memory_space<vmem>>, vector<16xf32>,
      tpu.vector_store %arg9[%swap3A_857, %swap3A_858, %swap3A_859], %add3A_856 {strides = array<i32>} : memref<5x128x64xf32, #tpu.memory_space<vmem>>, vector<16xf32>,
      %get3A_861 = arith.constant 1 : i32
      %get3A_862 = arith.index_cast %get3A_861 : i32 to index
      %get3A_863 = arith.index_cast %scan3A_846 : i32 to index
      %get3A_864 = arith.constant 16 : index
      %get3A_865 = tpu.vector_load %arg7[%get3A_862, %get3A_863, %get3A_864] {strides = array<i32>} : memref<5x128x64xf32, #tpu.memory_space<vmem>>, vector<16xf32>,
      %get3A_866 = arith.constant 1 : i32
      %get3A_867 = arith.index_cast %get3A_866 : i32 to index
      %get3A_868 = arith.index_cast %scan3A_846 : i32 to index
      %get3A_869 = arith.constant 16 : index
      %get3A_870 = tpu.vector_load %arg8[%get3A_867, %get3A_868, %get3A_869] {strides = array<i32>} : memref<5x128x64xf32, #tpu.memory_space<vmem>>, vector<16xf32>,
      %add3A_871 = arith.addf %get3A_865, %get3A_870 : vector<16xf32>
      %swap3A_872 = arith.constant 1 : i32
      %swap3A_873 = arith.index_cast %swap3A_872 : i32 to index
      %swap3A_874 = arith.index_cast %scan3A_846 : i32 to index
      %swap3A_875 = arith.constant 16 : index
      %swap3A_876 = tpu.vector_load %arg9[%swap3A_873, %swap3A_874, %swap3A_875] {strides = array<i32>} : memref<5x128x64xf32, #tpu.memory_space<vmem>>, vector<16xf32>,
      tpu.vector_store %arg9[%swap3A_873, %swap3A_874, %swap3A_875], %add3A_871 {strides = array<i32>} : memref<5x128x64xf32, #tpu.memory_space<vmem>>, vector<16xf32>,
      %get3A_877 = arith.constant 1 : i32
      %get3A_878 = arith.index_cast %get3A_877 : i32 to index
      %get3A_879 = arith.index_cast %scan3A_846 : i32 to index
      %get3A_880 = arith.constant 32 : index
      %get3A_881 = tpu.vector_load %arg7[%get3A_878, %get3A_879, %get3A_880] {strides = array<i32>} : memref<5x128x64xf32, #tpu.memory_space<vmem>>, vector<16xf32>,
      %get3A_882 = arith.constant 1 : i32
      %get3A_883 = arith.index_cast %get3A_882 : i32 to index
      %get3A_884 = arith.index_cast %scan3A_846 : i32 to index
      %get3A_885 = arith.constant 32 : index
      %get3A_886 = tpu.vector_load %arg8[%get3A_883, %get3A_884, %get3A_885] {strides = array<i32>} : memref<5x128x64xf32, #tpu.memory_space<vmem>>, vector<16xf32>,
      %add3A_887 = arith.addf %get3A_881, %get3A_886 : vector<16xf32>
      %swap3A_888 = arith.constant 1 : i32
      %swap3A_889 = arith.index_cast %swap3A_888 : i32 to index
      %swap3A_890 = arith.index_cast %scan3A_846 : i32 to index
      %swap3A_891 = arith.constant 32 : index
      %swap3A_892 = tpu.vector_load %arg9[%swap3A_889, %swap3A_890, %swap3A_891] {strides = array<i32>} : memref<5x128x64xf32, #tpu.memory_space<vmem>>, vector<16xf32>,
      tpu.vector_store %arg9[%swap3A_889, %swap3A_890, %swap3A_891], %add3A_887 {strides = array<i32>} : memref<5x128x64xf32, #tpu.memory_space<vmem>>, vector<16xf32>,
      %get3A_893 = arith.constant 1 : i32
      %get3A_894 = arith.index_cast %get3A_893 : i32 to index
      %get3A_895 = arith.index_cast %scan3A_846 : i32 to index
      %get3A_896 = arith.constant 48 : index
      %get3A_897 = tpu.vector_load %arg7[%get3A_894, %get3A_895, %get3A_896] {strides = array<i32>} : memref<5x128x64xf32, #tpu.memory_space<vmem>>, vector<16xf32>,
      %get3A_898 = arith.constant 1 : i32
      %get3A_899 = arith.index_cast %get3A_898 : i32 to index
      %get3A_900 = arith.index_cast %scan3A_846 : i32 to index
      %get3A_901 = arith.constant 48 : index
      %get3A_902 = tpu.vector_load %arg8[%get3A_899, %get3A_900, %get3A_901] {strides = array<i32>} : memref<5x128x64xf32, #tpu.memory_space<vmem>>, vector<16xf32>,
      %add3A_903 = arith.addf %get3A_897, %get3A_902 : vector<16xf32>
      %swap3A_904 = arith.constant 1 : i32
      %swap3A_905 = arith.index_cast %swap3A_904 : i32 to index
      %swap3A_906 = arith.index_cast %scan3A_846 : i32 to index
      %swap3A_907 = arith.constant 48 : index
      %swap3A_908 = tpu.vector_load %arg9[%swap3A_905, %swap3A_906, %swap3A_907] {strides = array<i32>} : memref<5x128x64xf32, #tpu.memory_space<vmem>>, vector<16xf32>,
      tpu.vector_store %arg9[%swap3A_905, %swap3A_906, %swap3A_907], %add3A_903 {strides = array<i32>} : memref<5x128x64xf32, #tpu.memory_space<vmem>>, vector<16xf32>,
    }
    %scan3A_218 = arith.constant 128 : i32
    %add3A_219 = arith.constant 128 : i32
    %add3A_220 = arith.addi %mul3A_2, %add3A_219 : i32
    %dma_start3A_221 = arith.constant 1 : i32
    %dma_start3A_222 = arith.constant 0 : i32
    %dma_start3A_223 = arith.constant 0 : i32
    %dma_start3A_224 = tpu.memref_slice %arg9[%dma_start3A_221, %dma_start3A_222, %dma_start3A_223] : memref<5x128x64xf32, #tpu.memory_space<vmem>> -> memref<1x128x64xf32, #tpu.memory_space<vmem>>
    %dma_start3A_225 = tpu.memref_squeeze %dma_start3A_224 : memref<1x128x64xf32, #tpu.memory_space<vmem>> -> memref<128x64xf32, #tpu.memory_space<vmem>>
    %dma_start3A_226 = arith.constant 0 : i32
    %dma_start3A_227 = tpu.memref_slice %arg5[%add3A_220, %dma_start3A_226] : memref<204800x64xf32, #tpu.memory_space<hbm>> -> memref<128x64xf32, #tpu.memory_space<hbm>>
    %dma_start3A_228 = arith.constant 0 : i32
    %dma_start3A_229 = tpu.memref_slice %arg5[%add3A_220, %dma_start3A_228] : memref<204800x64xf32, #tpu.memory_space<hbm>> -> memref<128x64xf32, #tpu.memory_space<hbm>>
    %dma_start3A_230 = arith.constant 0 : i32
    %dma_start3A_231 = arith.constant 0 : i32
    %dma_start3A_232 = tpu.memref_slice %arg9[%dma_start3A_221, %dma_start3A_230, %dma_start3A_231] : memref<5x128x64xf32, #tpu.memory_space<vmem>> -> memref<1x128x64xf32, #tpu.memory_space<vmem>>
    %dma_start3A_233 = tpu.memref_squeeze %dma_start3A_232 : memref<1x128x64xf32, #tpu.memory_space<vmem>> -> memref<128x64xf32, #tpu.memory_space<vmem>>
    tpu.enqueue_dma source(%dma_start3A_233 : memref<128x64xf32, #tpu.memory_space<vmem>>) target(%dma_start3A_229 : memref<128x64xf32, #tpu.memory_space<hbm>>) target_semaphore(%arg21 : memref<!tpu.dma_semaphore, #tpu.memory_space<semaphore_mem>>)
    %dma_start3A_234 = arith.constant 6 : i32
    %dma_start3A_235 = arith.constant 1 : i32
    %dma_start3A_236 = arith.constant 0 : i32
    %dma_start3A_237 = arith.constant 0 : i32
    %dma_start3A_238 = tpu.memref_slice %arg7[%dma_start3A_235, %dma_start3A_236, %dma_start3A_237] : memref<5x128x64xf32, #tpu.memory_space<vmem>> -> memref<1x128x64xf32, #tpu.memory_space<vmem>>
    %dma_start3A_239 = tpu.memref_squeeze %dma_start3A_238 : memref<1x128x64xf32, #tpu.memory_space<vmem>> -> memref<128x64xf32, #tpu.memory_space<vmem>>
    %dma_start3A_240 = arith.constant 0 : i32
    %dma_start3A_241 = tpu.memref_slice %arg6[%dma_start3A_234, %dma_start3A_240] : memref<50x128xi32, #tpu.memory_space<vmem>> -> memref<1x128xi32, #tpu.memory_space<vmem>>
    %dma_start3A_242 = tpu.memref_squeeze %dma_start3A_241 : memref<1x128xi32, #tpu.memory_space<vmem>> -> memref<128xi32, #tpu.memory_space<vmem>>
    %dma_start3A_243 = arith.constant 0 : i32
    %dma_start3A_244 = arith.constant 0 : i32
    %dma_start3A_245 = tpu.memref_slice %arg2[%dma_start3A_243, %dma_start3A_244] : memref<1000000x64xf32, #tpu.memory_space<hbm>> -> memref<1000000x64xf32, #tpu.memory_space<hbm>>
    tpu.enqueue_indirect_dma source(%dma_start3A_245 : memref<1000000x64xf32, #tpu.memory_space<hbm>>) target(%dma_start3A_239 : memref<128x64xf32, #tpu.memory_space<vmem>>) offsets(%dma_start3A_242 : memref<128xi32, #tpu.memory_space<vmem>>) semaphore(%arg11 : memref<!tpu.dma_semaphore, #tpu.memory_space<semaphore_mem>>)
    %dma_start3A_246 = arith.constant 6 : i32
    %dma_start3A_247 = arith.constant 1 : i32
    %dma_start3A_248 = arith.constant 0 : i32
    %dma_start3A_249 = arith.constant 0 : i32
    %dma_start3A_250 = tpu.memref_slice %arg8[%dma_start3A_247, %dma_start3A_248, %dma_start3A_249] : memref<5x128x64xf32, #tpu.memory_space<vmem>> -> memref<1x128x64xf32, #tpu.memory_space<vmem>>
    %dma_start3A_251 = tpu.memref_squeeze %dma_start3A_250 : memref<1x128x64xf32, #tpu.memory_space<vmem>> -> memref<128x64xf32, #tpu.memory_space<vmem>>
    %dma_start3A_252 = arith.constant 0 : i32
    %dma_start3A_253 = tpu.memref_slice %arg6[%dma_start3A_246, %dma_start3A_252] : memref<50x128xi32, #tpu.memory_space<vmem>> -> memref<1x128xi32, #tpu.memory_space<vmem>>
    %dma_start3A_254 = tpu.memref_squeeze %dma_start3A_253 : memref<1x128xi32, #tpu.memory_space<vmem>> -> memref<128xi32, #tpu.memory_space<vmem>>
    %dma_start3A_255 = arith.constant 0 : i32
    %dma_start3A_256 = arith.constant 0 : i32
    %dma_start3A_257 = tpu.memref_slice %arg3[%dma_start3A_255, %dma_start3A_256] : memref<1000000x64xf32, #tpu.memory_space<hbm>> -> memref<1000000x64xf32, #tpu.memory_space<hbm>>
    tpu.enqueue_indirect_dma source(%dma_start3A_257 : memref<1000000x64xf32, #tpu.memory_space<hbm>>) target(%dma_start3A_251 : memref<128x64xf32, #tpu.memory_space<vmem>>) offsets(%dma_start3A_254 : memref<128xi32, #tpu.memory_space<vmem>>) semaphore(%arg16 : memref<!tpu.dma_semaphore, #tpu.memory_space<semaphore_mem>>)
    %dma_wait3A_258 = arith.constant 2 : i32
    %dma_wait3A_259 = arith.constant 2 : i32
    %dma_wait3A_260 = arith.constant 0 : i32
    %dma_wait3A_261 = arith.constant 0 : i32
    %dma_wait3A_262 = tpu.memref_slice %arg7[%dma_wait3A_259, %dma_wait3A_260, %dma_wait3A_261] : memref<5x128x64xf32, #tpu.memory_space<vmem>> -> memref<1x128x64xf32, #tpu.memory_space<vmem>>
    %dma_wait3A_263 = tpu.memref_squeeze %dma_wait3A_262 : memref<1x128x64xf32, #tpu.memory_space<vmem>> -> memref<128x64xf32, #tpu.memory_space<vmem>>
    %dma_wait3A_264 = arith.constant 0 : i32
    %dma_wait3A_265 = tpu.memref_slice %arg6[%dma_wait3A_258, %dma_wait3A_264] : memref<50x128xi32, #tpu.memory_space<vmem>> -> memref<1x128xi32, #tpu.memory_space<vmem>>
    %dma_wait3A_266 = tpu.memref_squeeze %dma_wait3A_265 : memref<1x128xi32, #tpu.memory_space<vmem>> -> memref<128xi32, #tpu.memory_space<vmem>>
    %dma_wait3A_267 = arith.constant 0 : i32
    %dma_wait3A_268 = arith.constant 0 : i32
    %dma_wait3A_269 = tpu.memref_slice %arg2[%dma_wait3A_267, %dma_wait3A_268] : memref<1000000x64xf32, #tpu.memory_space<hbm>> -> memref<1000000x64xf32, #tpu.memory_space<hbm>>
    tpu.wait_indirect_dma semaphore(%arg12 : memref<!tpu.dma_semaphore, #tpu.memory_space<semaphore_mem>>) src(%dma_wait3A_269 : memref<1000000x64xf32, #tpu.memory_space<hbm>>) dst(%dma_wait3A_263 : memref<128x64xf32, #tpu.memory_space<vmem>>)
    %dma_wait3A_270 = arith.constant 2 : i32
    %dma_wait3A_271 = arith.constant 2 : i32
    %dma_wait3A_272 = arith.constant 0 : i32
    %dma_wait3A_273 = arith.constant 0 : i32
    %dma_wait3A_274 = tpu.memref_slice %arg8[%dma_wait3A_271, %dma_wait3A_272, %dma_wait3A_273] : memref<5x128x64xf32, #tpu.memory_space<vmem>> -> memref<1x128x64xf32, #tpu.memory_space<vmem>>
    %dma_wait3A_275 = tpu.memref_squeeze %dma_wait3A_274 : memref<1x128x64xf32, #tpu.memory_space<vmem>> -> memref<128x64xf32, #tpu.memory_space<vmem>>
    %dma_wait3A_276 = arith.constant 0 : i32
    %dma_wait3A_277 = tpu.memref_slice %arg6[%dma_wait3A_270, %dma_wait3A_276] : memref<50x128xi32, #tpu.memory_space<vmem>> -> memref<1x128xi32, #tpu.memory_space<vmem>>
    %dma_wait3A_278 = tpu.memref_squeeze %dma_wait3A_277 : memref<1x128xi32, #tpu.memory_space<vmem>> -> memref<128xi32, #tpu.memory_space<vmem>>
    %dma_wait3A_279 = arith.constant 0 : i32
    %dma_wait3A_280 = arith.constant 0 : i32
    %dma_wait3A_281 = tpu.memref_slice %arg3[%dma_wait3A_279, %dma_wait3A_280] : memref<1000000x64xf32, #tpu.memory_space<hbm>> -> memref<1000000x64xf32, #tpu.memory_space<hbm>>
    tpu.wait_indirect_dma semaphore(%arg17 : memref<!tpu.dma_semaphore, #tpu.memory_space<semaphore_mem>>) src(%dma_wait3A_281 : memref<1000000x64xf32, #tpu.memory_space<hbm>>) dst(%dma_wait3A_275 : memref<128x64xf32, #tpu.memory_space<vmem>>)
    %scan3A_282 = arith.constant 0 : i32
    %scan3A_283 = arith.constant 0 : i32
    %scan3A_284 = arith.constant 128 : i32
    %scan3A_285 = arith.addi %scan3A_283, %scan3A_284 : i32
    %scan3A_286 = arith.constant 1 : i32
    scf.for %scan3A_846 = %scan3A_283 to %scan3A_285 step %scan3A_286  : i32 {
      %get3A = arith.constant 2 : i32
      %get3A_847 = arith.index_cast %get3A : i32 to index
      %get3A_848 = arith.index_cast %scan3A_846 : i32 to index
      %get3A_849 = arith.constant 0 : index
      %get3A_850 = tpu.vector_load %arg7[%get3A_847, %get3A_848, %get3A_849] {strides = array<i32>} : memref<5x128x64xf32, #tpu.memory_space<vmem>>, vector<16xf32>,
      %get3A_851 = arith.constant 2 : i32
      %get3A_852 = arith.index_cast %get3A_851 : i32 to index
      %get3A_853 = arith.index_cast %scan3A_846 : i32 to index
      %get3A_854 = arith.constant 0 : index
      %get3A_855 = tpu.vector_load %arg8[%get3A_852, %get3A_853, %get3A_854] {strides = array<i32>} : memref<5x128x64xf32, #tpu.memory_space<vmem>>, vector<16xf32>,
      %add3A_856 = arith.addf %get3A_850, %get3A_855 : vector<16xf32>
      %swap3A = arith.constant 2 : i32
      %swap3A_857 = arith.index_cast %swap3A : i32 to index
      %swap3A_858 = arith.index_cast %scan3A_846 : i32 to index
      %swap3A_859 = arith.constant 0 : index
      %swap3A_860 = tpu.vector_load %arg9[%swap3A_857, %swap3A_858, %swap3A_859] {strides = array<i32>} : memref<5x128x64xf32, #tpu.memory_space<vmem>>, vector<16xf32>,
      tpu.vector_store %arg9[%swap3A_857, %swap3A_858, %swap3A_859], %add3A_856 {strides = array<i32>} : memref<5x128x64xf32, #tpu.memory_space<vmem>>, vector<16xf32>,
      %get3A_861 = arith.constant 2 : i32
      %get3A_862 = arith.index_cast %get3A_861 : i32 to index
      %get3A_863 = arith.index_cast %scan3A_846 : i32 to index
      %get3A_864 = arith.constant 16 : index
      %get3A_865 = tpu.vector_load %arg7[%get3A_862, %get3A_863, %get3A_864] {strides = array<i32>} : memref<5x128x64xf32, #tpu.memory_space<vmem>>, vector<16xf32>,
      %get3A_866 = arith.constant 2 : i32
      %get3A_867 = arith.index_cast %get3A_866 : i32 to index
      %get3A_868 = arith.index_cast %scan3A_846 : i32 to index
      %get3A_869 = arith.constant 16 : index
      %get3A_870 = tpu.vector_load %arg8[%get3A_867, %get3A_868, %get3A_869] {strides = array<i32>} : memref<5x128x64xf32, #tpu.memory_space<vmem>>, vector<16xf32>,
      %add3A_871 = arith.addf %get3A_865, %get3A_870 : vector<16xf32>
      %swap3A_872 = arith.constant 2 : i32
      %swap3A_873 = arith.index_cast %swap3A_872 : i32 to index
      %swap3A_874 = arith.index_cast %scan3A_846 : i32 to index
      %swap3A_875 = arith.constant 16 : index
      %swap3A_876 = tpu.vector_load %arg9[%swap3A_873, %swap3A_874, %swap3A_875] {strides = array<i32>} : memref<5x128x64xf32, #tpu.memory_space<vmem>>, vector<16xf32>,
      tpu.vector_store %arg9[%swap3A_873, %swap3A_874, %swap3A_875], %add3A_871 {strides = array<i32>} : memref<5x128x64xf32, #tpu.memory_space<vmem>>, vector<16xf32>,
      %get3A_877 = arith.constant 2 : i32
      %get3A_878 = arith.index_cast %get3A_877 : i32 to index
      %get3A_879 = arith.index_cast %scan3A_846 : i32 to index
      %get3A_880 = arith.constant 32 : index
      %get3A_881 = tpu.vector_load %arg7[%get3A_878, %get3A_879, %get3A_880] {strides = array<i32>} : memref<5x128x64xf32, #tpu.memory_space<vmem>>, vector<16xf32>,
      %get3A_882 = arith.constant 2 : i32
      %get3A_883 = arith.index_cast %get3A_882 : i32 to index
      %get3A_884 = arith.index_cast %scan3A_846 : i32 to index
      %get3A_885 = arith.constant 32 : index
      %get3A_886 = tpu.vector_load %arg8[%get3A_883, %get3A_884, %get3A_885] {strides = array<i32>} : memref<5x128x64xf32, #tpu.memory_space<vmem>>, vector<16xf32>,
      %add3A_887 = arith.addf %get3A_881, %get3A_886 : vector<16xf32>
      %swap3A_888 = arith.constant 2 : i32
      %swap3A_889 = arith.index_cast %swap3A_888 : i32 to index
      %swap3A_890 = arith.index_cast %scan3A_846 : i32 to index
      %swap3A_891 = arith.constant 32 : index
      %swap3A_892 = tpu.vector_load %arg9[%swap3A_889, %swap3A_890, %swap3A_891] {strides = array<i32>} : memref<5x128x64xf32, #tpu.memory_space<vmem>>, vector<16xf32>,
      tpu.vector_store %arg9[%swap3A_889, %swap3A_890, %swap3A_891], %add3A_887 {strides = array<i32>} : memref<5x128x64xf32, #tpu.memory_space<vmem>>, vector<16xf32>,
      %get3A_893 = arith.constant 2 : i32
      %get3A_894 = arith.index_cast %get3A_893 : i32 to index
      %get3A_895 = arith.index_cast %scan3A_846 : i32 to index
      %get3A_896 = arith.constant 48 : index
      %get3A_897 = tpu.vector_load %arg7[%get3A_894, %get3A_895, %get3A_896] {strides = array<i32>} : memref<5x128x64xf32, #tpu.memory_space<vmem>>, vector<16xf32>,
      %get3A_898 = arith.constant 2 : i32
      %get3A_899 = arith.index_cast %get3A_898 : i32 to index
      %get3A_900 = arith.index_cast %scan3A_846 : i32 to index
      %get3A_901 = arith.constant 48 : index
      %get3A_902 = tpu.vector_load %arg8[%get3A_899, %get3A_900, %get3A_901] {strides = array<i32>} : memref<5x128x64xf32, #tpu.memory_space<vmem>>, vector<16xf32>,
      %add3A_903 = arith.addf %get3A_897, %get3A_902 : vector<16xf32>
      %swap3A_904 = arith.constant 2 : i32
      %swap3A_905 = arith.index_cast %swap3A_904 : i32 to index
      %swap3A_906 = arith.index_cast %scan3A_846 : i32 to index
      %swap3A_907 = arith.constant 48 : index
      %swap3A_908 = tpu.vector_load %arg9[%swap3A_905, %swap3A_906, %swap3A_907] {strides = array<i32>} : memref<5x128x64xf32, #tpu.memory_space<vmem>>, vector<16xf32>,
      tpu.vector_store %arg9[%swap3A_905, %swap3A_906, %swap3A_907], %add3A_903 {strides = array<i32>} : memref<5x128x64xf32, #tpu.memory_space<vmem>>, vector<16xf32>,
    }
    %scan3A_287 = arith.constant 128 : i32
    %add3A_288 = arith.constant 256 : i32
    %add3A_289 = arith.addi %mul3A_2, %add3A_288 : i32
    %dma_start3A_290 = arith.constant 2 : i32
    %dma_start3A_291 = arith.constant 0 : i32
    %dma_start3A_292 = arith.constant 0 : i32
    %dma_start3A_293 = tpu.memref_slice %arg9[%dma_start3A_290, %dma_start3A_291, %dma_start3A_292] : memref<5x128x64xf32, #tpu.memory_space<vmem>> -> memref<1x128x64xf32, #tpu.memory_space<vmem>>
    %dma_start3A_294 = tpu.memref_squeeze %dma_start3A_293 : memref<1x128x64xf32, #tpu.memory_space<vmem>> -> memref<128x64xf32, #tpu.memory_space<vmem>>
    %dma_start3A_295 = arith.constant 0 : i32
    %dma_start3A_296 = tpu.memref_slice %arg5[%add3A_289, %dma_start3A_295] : memref<204800x64xf32, #tpu.memory_space<hbm>> -> memref<128x64xf32, #tpu.memory_space<hbm>>
    %dma_start3A_297 = arith.constant 0 : i32
    %dma_start3A_298 = tpu.memref_slice %arg5[%add3A_289, %dma_start3A_297] : memref<204800x64xf32, #tpu.memory_space<hbm>> -> memref<128x64xf32, #tpu.memory_space<hbm>>
    %dma_start3A_299 = arith.constant 0 : i32
    %dma_start3A_300 = arith.constant 0 : i32
    %dma_start3A_301 = tpu.memref_slice %arg9[%dma_start3A_290, %dma_start3A_299, %dma_start3A_300] : memref<5x128x64xf32, #tpu.memory_space<vmem>> -> memref<1x128x64xf32, #tpu.memory_space<vmem>>
    %dma_start3A_302 = tpu.memref_squeeze %dma_start3A_301 : memref<1x128x64xf32, #tpu.memory_space<vmem>> -> memref<128x64xf32, #tpu.memory_space<vmem>>
    tpu.enqueue_dma source(%dma_start3A_302 : memref<128x64xf32, #tpu.memory_space<vmem>>) target(%dma_start3A_298 : memref<128x64xf32, #tpu.memory_space<hbm>>) target_semaphore(%arg22 : memref<!tpu.dma_semaphore, #tpu.memory_space<semaphore_mem>>)
    %dma_start3A_303 = arith.constant 7 : i32
    %dma_start3A_304 = arith.constant 2 : i32
    %dma_start3A_305 = arith.constant 0 : i32
    %dma_start3A_306 = arith.constant 0 : i32
    %dma_start3A_307 = tpu.memref_slice %arg7[%dma_start3A_304, %dma_start3A_305, %dma_start3A_306] : memref<5x128x64xf32, #tpu.memory_space<vmem>> -> memref<1x128x64xf32, #tpu.memory_space<vmem>>
    %dma_start3A_308 = tpu.memref_squeeze %dma_start3A_307 : memref<1x128x64xf32, #tpu.memory_space<vmem>> -> memref<128x64xf32, #tpu.memory_space<vmem>>
    %dma_start3A_309 = arith.constant 0 : i32
    %dma_start3A_310 = tpu.memref_slice %arg6[%dma_start3A_303, %dma_start3A_309] : memref<50x128xi32, #tpu.memory_space<vmem>> -> memref<1x128xi32, #tpu.memory_space<vmem>>
    %dma_start3A_311 = tpu.memref_squeeze %dma_start3A_310 : memref<1x128xi32, #tpu.memory_space<vmem>> -> memref<128xi32, #tpu.memory_space<vmem>>
    %dma_start3A_312 = arith.constant 0 : i32
    %dma_start3A_313 = arith.constant 0 : i32
    %dma_start3A_314 = tpu.memref_slice %arg2[%dma_start3A_312, %dma_start3A_313] : memref<1000000x64xf32, #tpu.memory_space<hbm>> -> memref<1000000x64xf32, #tpu.memory_space<hbm>>
    tpu.enqueue_indirect_dma source(%dma_start3A_314 : memref<1000000x64xf32, #tpu.memory_space<hbm>>) target(%dma_start3A_308 : memref<128x64xf32, #tpu.memory_space<vmem>>) offsets(%dma_start3A_311 : memref<128xi32, #tpu.memory_space<vmem>>) semaphore(%arg12 : memref<!tpu.dma_semaphore, #tpu.memory_space<semaphore_mem>>)
    %dma_start3A_315 = arith.constant 7 : i32
    %dma_start3A_316 = arith.constant 2 : i32
    %dma_start3A_317 = arith.constant 0 : i32
    %dma_start3A_318 = arith.constant 0 : i32
    %dma_start3A_319 = tpu.memref_slice %arg8[%dma_start3A_316, %dma_start3A_317, %dma_start3A_318] : memref<5x128x64xf32, #tpu.memory_space<vmem>> -> memref<1x128x64xf32, #tpu.memory_space<vmem>>
    %dma_start3A_320 = tpu.memref_squeeze %dma_start3A_319 : memref<1x128x64xf32, #tpu.memory_space<vmem>> -> memref<128x64xf32, #tpu.memory_space<vmem>>
    %dma_start3A_321 = arith.constant 0 : i32
    %dma_start3A_322 = tpu.memref_slice %arg6[%dma_start3A_315, %dma_start3A_321] : memref<50x128xi32, #tpu.memory_space<vmem>> -> memref<1x128xi32, #tpu.memory_space<vmem>>
    %dma_start3A_323 = tpu.memref_squeeze %dma_start3A_322 : memref<1x128xi32, #tpu.memory_space<vmem>> -> memref<128xi32, #tpu.memory_space<vmem>>
    %dma_start3A_324 = arith.constant 0 : i32
    %dma_start3A_325 = arith.constant 0 : i32
    %dma_start3A_326 = tpu.memref_slice %arg3[%dma_start3A_324, %dma_start3A_325] : memref<1000000x64xf32, #tpu.memory_space<hbm>> -> memref<1000000x64xf32, #tpu.memory_space<hbm>>
    tpu.enqueue_indirect_dma source(%dma_start3A_326 : memref<1000000x64xf32, #tpu.memory_space<hbm>>) target(%dma_start3A_320 : memref<128x64xf32, #tpu.memory_space<vmem>>) offsets(%dma_start3A_323 : memref<128xi32, #tpu.memory_space<vmem>>) semaphore(%arg17 : memref<!tpu.dma_semaphore, #tpu.memory_space<semaphore_mem>>)
    %dma_wait3A_327 = arith.constant 3 : i32
    %dma_wait3A_328 = arith.constant 3 : i32
    %dma_wait3A_329 = arith.constant 0 : i32
    %dma_wait3A_330 = arith.constant 0 : i32
    %dma_wait3A_331 = tpu.memref_slice %arg7[%dma_wait3A_328, %dma_wait3A_329, %dma_wait3A_330] : memref<5x128x64xf32, #tpu.memory_space<vmem>> -> memref<1x128x64xf32, #tpu.memory_space<vmem>>
    %dma_wait3A_332 = tpu.memref_squeeze %dma_wait3A_331 : memref<1x128x64xf32, #tpu.memory_space<vmem>> -> memref<128x64xf32, #tpu.memory_space<vmem>>
    %dma_wait3A_333 = arith.constant 0 : i32
    %dma_wait3A_334 = tpu.memref_slice %arg6[%dma_wait3A_327, %dma_wait3A_333] : memref<50x128xi32, #tpu.memory_space<vmem>> -> memref<1x128xi32, #tpu.memory_space<vmem>>
    %dma_wait3A_335 = tpu.memref_squeeze %dma_wait3A_334 : memref<1x128xi32, #tpu.memory_space<vmem>> -> memref<128xi32, #tpu.memory_space<vmem>>
    %dma_wait3A_336 = arith.constant 0 : i32
    %dma_wait3A_337 = arith.constant 0 : i32
    %dma_wait3A_338 = tpu.memref_slice %arg2[%dma_wait3A_336, %dma_wait3A_337] : memref<1000000x64xf32, #tpu.memory_space<hbm>> -> memref<1000000x64xf32, #tpu.memory_space<hbm>>
    tpu.wait_indirect_dma semaphore(%arg13 : memref<!tpu.dma_semaphore, #tpu.memory_space<semaphore_mem>>) src(%dma_wait3A_338 : memref<1000000x64xf32, #tpu.memory_space<hbm>>) dst(%dma_wait3A_332 : memref<128x64xf32, #tpu.memory_space<vmem>>)
    %dma_wait3A_339 = arith.constant 3 : i32
    %dma_wait3A_340 = arith.constant 3 : i32
    %dma_wait3A_341 = arith.constant 0 : i32
    %dma_wait3A_342 = arith.constant 0 : i32
    %dma_wait3A_343 = tpu.memref_slice %arg8[%dma_wait3A_340, %dma_wait3A_341, %dma_wait3A_342] : memref<5x128x64xf32, #tpu.memory_space<vmem>> -> memref<1x128x64xf32, #tpu.memory_space<vmem>>
    %dma_wait3A_344 = tpu.memref_squeeze %dma_wait3A_343 : memref<1x128x64xf32, #tpu.memory_space<vmem>> -> memref<128x64xf32, #tpu.memory_space<vmem>>
    %dma_wait3A_345 = arith.constant 0 : i32
    %dma_wait3A_346 = tpu.memref_slice %arg6[%dma_wait3A_339, %dma_wait3A_345] : memref<50x128xi32, #tpu.memory_space<vmem>> -> memref<1x128xi32, #tpu.memory_space<vmem>>
    %dma_wait3A_347 = tpu.memref_squeeze %dma_wait3A_346 : memref<1x128xi32, #tpu.memory_space<vmem>> -> memref<128xi32, #tpu.memory_space<vmem>>
    %dma_wait3A_348 = arith.constant 0 : i32
    %dma_wait3A_349 = arith.constant 0 : i32
    %dma_wait3A_350 = tpu.memref_slice %arg3[%dma_wait3A_348, %dma_wait3A_349] : memref<1000000x64xf32, #tpu.memory_space<hbm>> -> memref<1000000x64xf32, #tpu.memory_space<hbm>>
    tpu.wait_indirect_dma semaphore(%arg18 : memref<!tpu.dma_semaphore, #tpu.memory_space<semaphore_mem>>) src(%dma_wait3A_350 : memref<1000000x64xf32, #tpu.memory_space<hbm>>) dst(%dma_wait3A_344 : memref<128x64xf32, #tpu.memory_space<vmem>>)
    %scan3A_351 = arith.constant 0 : i32
    %scan3A_352 = arith.constant 0 : i32
    %scan3A_353 = arith.constant 128 : i32
    %scan3A_354 = arith.addi %scan3A_352, %scan3A_353 : i32
    %scan3A_355 = arith.constant 1 : i32
    scf.for %scan3A_846 = %scan3A_352 to %scan3A_354 step %scan3A_355  : i32 {
      %get3A = arith.constant 3 : i32
      %get3A_847 = arith.index_cast %get3A : i32 to index
      %get3A_848 = arith.index_cast %scan3A_846 : i32 to index
      %get3A_849 = arith.constant 0 : index
      %get3A_850 = tpu.vector_load %arg7[%get3A_847, %get3A_848, %get3A_849] {strides = array<i32>} : memref<5x128x64xf32, #tpu.memory_space<vmem>>, vector<16xf32>,
      %get3A_851 = arith.constant 3 : i32
      %get3A_852 = arith.index_cast %get3A_851 : i32 to index
      %get3A_853 = arith.index_cast %scan3A_846 : i32 to index
      %get3A_854 = arith.constant 0 : index
      %get3A_855 = tpu.vector_load %arg8[%get3A_852, %get3A_853, %get3A_854] {strides = array<i32>} : memref<5x128x64xf32, #tpu.memory_space<vmem>>, vector<16xf32>,
      %add3A_856 = arith.addf %get3A_850, %get3A_855 : vector<16xf32>
      %swap3A = arith.constant 3 : i32
      %swap3A_857 = arith.index_cast %swap3A : i32 to index
      %swap3A_858 = arith.index_cast %scan3A_846 : i32 to index
      %swap3A_859 = arith.constant 0 : index
      %swap3A_860 = tpu.vector_load %arg9[%swap3A_857, %swap3A_858, %swap3A_859] {strides = array<i32>} : memref<5x128x64xf32, #tpu.memory_space<vmem>>, vector<16xf32>,
      tpu.vector_store %arg9[%swap3A_857, %swap3A_858, %swap3A_859], %add3A_856 {strides = array<i32>} : memref<5x128x64xf32, #tpu.memory_space<vmem>>, vector<16xf32>,
      %get3A_861 = arith.constant 3 : i32
      %get3A_862 = arith.index_cast %get3A_861 : i32 to index
      %get3A_863 = arith.index_cast %scan3A_846 : i32 to index
      %get3A_864 = arith.constant 16 : index
      %get3A_865 = tpu.vector_load %arg7[%get3A_862, %get3A_863, %get3A_864] {strides = array<i32>} : memref<5x128x64xf32, #tpu.memory_space<vmem>>, vector<16xf32>,
      %get3A_866 = arith.constant 3 : i32
      %get3A_867 = arith.index_cast %get3A_866 : i32 to index
      %get3A_868 = arith.index_cast %scan3A_846 : i32 to index
      %get3A_869 = arith.constant 16 : index
      %get3A_870 = tpu.vector_load %arg8[%get3A_867, %get3A_868, %get3A_869] {strides = array<i32>} : memref<5x128x64xf32, #tpu.memory_space<vmem>>, vector<16xf32>,
      %add3A_871 = arith.addf %get3A_865, %get3A_870 : vector<16xf32>
      %swap3A_872 = arith.constant 3 : i32
      %swap3A_873 = arith.index_cast %swap3A_872 : i32 to index
      %swap3A_874 = arith.index_cast %scan3A_846 : i32 to index
      %swap3A_875 = arith.constant 16 : index
      %swap3A_876 = tpu.vector_load %arg9[%swap3A_873, %swap3A_874, %swap3A_875] {strides = array<i32>} : memref<5x128x64xf32, #tpu.memory_space<vmem>>, vector<16xf32>,
      tpu.vector_store %arg9[%swap3A_873, %swap3A_874, %swap3A_875], %add3A_871 {strides = array<i32>} : memref<5x128x64xf32, #tpu.memory_space<vmem>>, vector<16xf32>,
      %get3A_877 = arith.constant 3 : i32
      %get3A_878 = arith.index_cast %get3A_877 : i32 to index
      %get3A_879 = arith.index_cast %scan3A_846 : i32 to index
      %get3A_880 = arith.constant 32 : index
      %get3A_881 = tpu.vector_load %arg7[%get3A_878, %get3A_879, %get3A_880] {strides = array<i32>} : memref<5x128x64xf32, #tpu.memory_space<vmem>>, vector<16xf32>,
      %get3A_882 = arith.constant 3 : i32
      %get3A_883 = arith.index_cast %get3A_882 : i32 to index
      %get3A_884 = arith.index_cast %scan3A_846 : i32 to index
      %get3A_885 = arith.constant 32 : index
      %get3A_886 = tpu.vector_load %arg8[%get3A_883, %get3A_884, %get3A_885] {strides = array<i32>} : memref<5x128x64xf32, #tpu.memory_space<vmem>>, vector<16xf32>,
      %add3A_887 = arith.addf %get3A_881, %get3A_886 : vector<16xf32>
      %swap3A_888 = arith.constant 3 : i32
      %swap3A_889 = arith.index_cast %swap3A_888 : i32 to index
      %swap3A_890 = arith.index_cast %scan3A_846 : i32 to index
      %swap3A_891 = arith.constant 32 : index
      %swap3A_892 = tpu.vector_load %arg9[%swap3A_889, %swap3A_890, %swap3A_891] {strides = array<i32>} : memref<5x128x64xf32, #tpu.memory_space<vmem>>, vector<16xf32>,
      tpu.vector_store %arg9[%swap3A_889, %swap3A_890, %swap3A_891], %add3A_887 {strides = array<i32>} : memref<5x128x64xf32, #tpu.memory_space<vmem>>, vector<16xf32>,
      %get3A_893 = arith.constant 3 : i32
      %get3A_894 = arith.index_cast %get3A_893 : i32 to index
      %get3A_895 = arith.index_cast %scan3A_846 : i32 to index
      %get3A_896 = arith.constant 48 : index
      %get3A_897 = tpu.vector_load %arg7[%get3A_894, %get3A_895, %get3A_896] {strides = array<i32>} : memref<5x128x64xf32, #tpu.memory_space<vmem>>, vector<16xf32>,
      %get3A_898 = arith.constant 3 : i32
      %get3A_899 = arith.index_cast %get3A_898 : i32 to index
      %get3A_900 = arith.index_cast %scan3A_846 : i32 to index
      %get3A_901 = arith.constant 48 : index
      %get3A_902 = tpu.vector_load %arg8[%get3A_899, %get3A_900, %get3A_901] {strides = array<i32>} : memref<5x128x64xf32, #tpu.memory_space<vmem>>, vector<16xf32>,
      %add3A_903 = arith.addf %get3A_897, %get3A_902 : vector<16xf32>
      %swap3A_904 = arith.constant 3 : i32
      %swap3A_905 = arith.index_cast %swap3A_904 : i32 to index
      %swap3A_906 = arith.index_cast %scan3A_846 : i32 to index
      %swap3A_907 = arith.constant 48 : index
      %swap3A_908 = tpu.vector_load %arg9[%swap3A_905, %swap3A_906, %swap3A_907] {strides = array<i32>} : memref<5x128x64xf32, #tpu.memory_space<vmem>>, vector<16xf32>,
      tpu.vector_store %arg9[%swap3A_905, %swap3A_906, %swap3A_907], %add3A_903 {strides = array<i32>} : memref<5x128x64xf32, #tpu.memory_space<vmem>>, vector<16xf32>,
    }
    %scan3A_356 = arith.constant 128 : i32
    %add3A_357 = arith.constant 384 : i32
    %add3A_358 = arith.addi %mul3A_2, %add3A_357 : i32
    %dma_start3A_359 = arith.constant 3 : i32
    %dma_start3A_360 = arith.constant 0 : i32
    %dma_start3A_361 = arith.constant 0 : i32
    %dma_start3A_362 = tpu.memref_slice %arg9[%dma_start3A_359, %dma_start3A_360, %dma_start3A_361] : memref<5x128x64xf32, #tpu.memory_space<vmem>> -> memref<1x128x64xf32, #tpu.memory_space<vmem>>
    %dma_start3A_363 = tpu.memref_squeeze %dma_start3A_362 : memref<1x128x64xf32, #tpu.memory_space<vmem>> -> memref<128x64xf32, #tpu.memory_space<vmem>>
    %dma_start3A_364 = arith.constant 0 : i32
    %dma_start3A_365 = tpu.memref_slice %arg5[%add3A_358, %dma_start3A_364] : memref<204800x64xf32, #tpu.memory_space<hbm>> -> memref<128x64xf32, #tpu.memory_space<hbm>>
    %dma_start3A_366 = arith.constant 0 : i32
    %dma_start3A_367 = tpu.memref_slice %arg5[%add3A_358, %dma_start3A_366] : memref<204800x64xf32, #tpu.memory_space<hbm>> -> memref<128x64xf32, #tpu.memory_space<hbm>>
    %dma_start3A_368 = arith.constant 0 : i32
    %dma_start3A_369 = arith.constant 0 : i32
    %dma_start3A_370 = tpu.memref_slice %arg9[%dma_start3A_359, %dma_start3A_368, %dma_start3A_369] : memref<5x128x64xf32, #tpu.memory_space<vmem>> -> memref<1x128x64xf32, #tpu.memory_space<vmem>>
    %dma_start3A_371 = tpu.memref_squeeze %dma_start3A_370 : memref<1x128x64xf32, #tpu.memory_space<vmem>> -> memref<128x64xf32, #tpu.memory_space<vmem>>
    tpu.enqueue_dma source(%dma_start3A_371 : memref<128x64xf32, #tpu.memory_space<vmem>>) target(%dma_start3A_367 : memref<128x64xf32, #tpu.memory_space<hbm>>) target_semaphore(%arg23 : memref<!tpu.dma_semaphore, #tpu.memory_space<semaphore_mem>>)
    %dma_start3A_372 = arith.constant 8 : i32
    %dma_start3A_373 = arith.constant 3 : i32
    %dma_start3A_374 = arith.constant 0 : i32
    %dma_start3A_375 = arith.constant 0 : i32
    %dma_start3A_376 = tpu.memref_slice %arg7[%dma_start3A_373, %dma_start3A_374, %dma_start3A_375] : memref<5x128x64xf32, #tpu.memory_space<vmem>> -> memref<1x128x64xf32, #tpu.memory_space<vmem>>
    %dma_start3A_377 = tpu.memref_squeeze %dma_start3A_376 : memref<1x128x64xf32, #tpu.memory_space<vmem>> -> memref<128x64xf32, #tpu.memory_space<vmem>>
    %dma_start3A_378 = arith.constant 0 : i32
    %dma_start3A_379 = tpu.memref_slice %arg6[%dma_start3A_372, %dma_start3A_378] : memref<50x128xi32, #tpu.memory_space<vmem>> -> memref<1x128xi32, #tpu.memory_space<vmem>>
    %dma_start3A_380 = tpu.memref_squeeze %dma_start3A_379 : memref<1x128xi32, #tpu.memory_space<vmem>> -> memref<128xi32, #tpu.memory_space<vmem>>
    %dma_start3A_381 = arith.constant 0 : i32
    %dma_start3A_382 = arith.constant 0 : i32
    %dma_start3A_383 = tpu.memref_slice %arg2[%dma_start3A_381, %dma_start3A_382] : memref<1000000x64xf32, #tpu.memory_space<hbm>> -> memref<1000000x64xf32, #tpu.memory_space<hbm>>
    tpu.enqueue_indirect_dma source(%dma_start3A_383 : memref<1000000x64xf32, #tpu.memory_space<hbm>>) target(%dma_start3A_377 : memref<128x64xf32, #tpu.memory_space<vmem>>) offsets(%dma_start3A_380 : memref<128xi32, #tpu.memory_space<vmem>>) semaphore(%arg13 : memref<!tpu.dma_semaphore, #tpu.memory_space<semaphore_mem>>)
    %dma_start3A_384 = arith.constant 8 : i32
    %dma_start3A_385 = arith.constant 3 : i32
    %dma_start3A_386 = arith.constant 0 : i32
    %dma_start3A_387 = arith.constant 0 : i32
    %dma_start3A_388 = tpu.memref_slice %arg8[%dma_start3A_385, %dma_start3A_386, %dma_start3A_387] : memref<5x128x64xf32, #tpu.memory_space<vmem>> -> memref<1x128x64xf32, #tpu.memory_space<vmem>>
    %dma_start3A_389 = tpu.memref_squeeze %dma_start3A_388 : memref<1x128x64xf32, #tpu.memory_space<vmem>> -> memref<128x64xf32, #tpu.memory_space<vmem>>
    %dma_start3A_390 = arith.constant 0 : i32
    %dma_start3A_391 = tpu.memref_slice %arg6[%dma_start3A_384, %dma_start3A_390] : memref<50x128xi32, #tpu.memory_space<vmem>> -> memref<1x128xi32, #tpu.memory_space<vmem>>
    %dma_start3A_392 = tpu.memref_squeeze %dma_start3A_391 : memref<1x128xi32, #tpu.memory_space<vmem>> -> memref<128xi32, #tpu.memory_space<vmem>>
    %dma_start3A_393 = arith.constant 0 : i32
    %dma_start3A_394 = arith.constant 0 : i32
    %dma_start3A_395 = tpu.memref_slice %arg3[%dma_start3A_393, %dma_start3A_394] : memref<1000000x64xf32, #tpu.memory_space<hbm>> -> memref<1000000x64xf32, #tpu.memory_space<hbm>>
    tpu.enqueue_indirect_dma source(%dma_start3A_395 : memref<1000000x64xf32, #tpu.memory_space<hbm>>) target(%dma_start3A_389 : memref<128x64xf32, #tpu.memory_space<vmem>>) offsets(%dma_start3A_392 : memref<128xi32, #tpu.memory_space<vmem>>) semaphore(%arg18 : memref<!tpu.dma_semaphore, #tpu.memory_space<semaphore_mem>>)
    %dma_wait3A_396 = arith.constant 4 : i32
    %dma_wait3A_397 = arith.constant 4 : i32
    %dma_wait3A_398 = arith.constant 0 : i32
    %dma_wait3A_399 = arith.constant 0 : i32
    %dma_wait3A_400 = tpu.memref_slice %arg7[%dma_wait3A_397, %dma_wait3A_398, %dma_wait3A_399] : memref<5x128x64xf32, #tpu.memory_space<vmem>> -> memref<1x128x64xf32, #tpu.memory_space<vmem>>
    %dma_wait3A_401 = tpu.memref_squeeze %dma_wait3A_400 : memref<1x128x64xf32, #tpu.memory_space<vmem>> -> memref<128x64xf32, #tpu.memory_space<vmem>>
    %dma_wait3A_402 = arith.constant 0 : i32
    %dma_wait3A_403 = tpu.memref_slice %arg6[%dma_wait3A_396, %dma_wait3A_402] : memref<50x128xi32, #tpu.memory_space<vmem>> -> memref<1x128xi32, #tpu.memory_space<vmem>>
    %dma_wait3A_404 = tpu.memref_squeeze %dma_wait3A_403 : memref<1x128xi32, #tpu.memory_space<vmem>> -> memref<128xi32, #tpu.memory_space<vmem>>
    %dma_wait3A_405 = arith.constant 0 : i32
    %dma_wait3A_406 = arith.constant 0 : i32
    %dma_wait3A_407 = tpu.memref_slice %arg2[%dma_wait3A_405, %dma_wait3A_406] : memref<1000000x64xf32, #tpu.memory_space<hbm>> -> memref<1000000x64xf32, #tpu.memory_space<hbm>>
    tpu.wait_indirect_dma semaphore(%arg14 : memref<!tpu.dma_semaphore, #tpu.memory_space<semaphore_mem>>) src(%dma_wait3A_407 : memref<1000000x64xf32, #tpu.memory_space<hbm>>) dst(%dma_wait3A_401 : memref<128x64xf32, #tpu.memory_space<vmem>>)
    %dma_wait3A_408 = arith.constant 4 : i32
    %dma_wait3A_409 = arith.constant 4 : i32
    %dma_wait3A_410 = arith.constant 0 : i32
    %dma_wait3A_411 = arith.constant 0 : i32
    %dma_wait3A_412 = tpu.memref_slice %arg8[%dma_wait3A_409, %dma_wait3A_410, %dma_wait3A_411] : memref<5x128x64xf32, #tpu.memory_space<vmem>> -> memref<1x128x64xf32, #tpu.memory_space<vmem>>
    %dma_wait3A_413 = tpu.memref_squeeze %dma_wait3A_412 : memref<1x128x64xf32, #tpu.memory_space<vmem>> -> memref<128x64xf32, #tpu.memory_space<vmem>>
    %dma_wait3A_414 = arith.constant 0 : i32
    %dma_wait3A_415 = tpu.memref_slice %arg6[%dma_wait3A_408, %dma_wait3A_414] : memref<50x128xi32, #tpu.memory_space<vmem>> -> memref<1x128xi32, #tpu.memory_space<vmem>>
    %dma_wait3A_416 = tpu.memref_squeeze %dma_wait3A_415 : memref<1x128xi32, #tpu.memory_space<vmem>> -> memref<128xi32, #tpu.memory_space<vmem>>
    %dma_wait3A_417 = arith.constant 0 : i32
    %dma_wait3A_418 = arith.constant 0 : i32
    %dma_wait3A_419 = tpu.memref_slice %arg3[%dma_wait3A_417, %dma_wait3A_418] : memref<1000000x64xf32, #tpu.memory_space<hbm>> -> memref<1000000x64xf32, #tpu.memory_space<hbm>>
    tpu.wait_indirect_dma semaphore(%arg19 : memref<!tpu.dma_semaphore, #tpu.memory_space<semaphore_mem>>) src(%dma_wait3A_419 : memref<1000000x64xf32, #tpu.memory_space<hbm>>) dst(%dma_wait3A_413 : memref<128x64xf32, #tpu.memory_space<vmem>>)
    %scan3A_420 = arith.constant 0 : i32
    %scan3A_421 = arith.constant 0 : i32
    %scan3A_422 = arith.constant 128 : i32
    %scan3A_423 = arith.addi %scan3A_421, %scan3A_422 : i32
    %scan3A_424 = arith.constant 1 : i32
    scf.for %scan3A_846 = %scan3A_421 to %scan3A_423 step %scan3A_424  : i32 {
      %get3A = arith.constant 4 : i32
      %get3A_847 = arith.index_cast %get3A : i32 to index
      %get3A_848 = arith.index_cast %scan3A_846 : i32 to index
      %get3A_849 = arith.constant 0 : index
      %get3A_850 = tpu.vector_load %arg7[%get3A_847, %get3A_848, %get3A_849] {strides = array<i32>} : memref<5x128x64xf32, #tpu.memory_space<vmem>>, vector<16xf32>,
      %get3A_851 = arith.constant 4 : i32
      %get3A_852 = arith.index_cast %get3A_851 : i32 to index
      %get3A_853 = arith.index_cast %scan3A_846 : i32 to index
      %get3A_854 = arith.constant 0 : index
      %get3A_855 = tpu.vector_load %arg8[%get3A_852, %get3A_853, %get3A_854] {strides = array<i32>} : memref<5x128x64xf32, #tpu.memory_space<vmem>>, vector<16xf32>,
      %add3A_856 = arith.addf %get3A_850, %get3A_855 : vector<16xf32>
      %swap3A = arith.constant 4 : i32
      %swap3A_857 = arith.index_cast %swap3A : i32 to index
      %swap3A_858 = arith.index_cast %scan3A_846 : i32 to index
      %swap3A_859 = arith.constant 0 : index
      %swap3A_860 = tpu.vector_load %arg9[%swap3A_857, %swap3A_858, %swap3A_859] {strides = array<i32>} : memref<5x128x64xf32, #tpu.memory_space<vmem>>, vector<16xf32>,
      tpu.vector_store %arg9[%swap3A_857, %swap3A_858, %swap3A_859], %add3A_856 {strides = array<i32>} : memref<5x128x64xf32, #tpu.memory_space<vmem>>, vector<16xf32>,
      %get3A_861 = arith.constant 4 : i32
      %get3A_862 = arith.index_cast %get3A_861 : i32 to index
      %get3A_863 = arith.index_cast %scan3A_846 : i32 to index
      %get3A_864 = arith.constant 16 : index
      %get3A_865 = tpu.vector_load %arg7[%get3A_862, %get3A_863, %get3A_864] {strides = array<i32>} : memref<5x128x64xf32, #tpu.memory_space<vmem>>, vector<16xf32>,
      %get3A_866 = arith.constant 4 : i32
      %get3A_867 = arith.index_cast %get3A_866 : i32 to index
      %get3A_868 = arith.index_cast %scan3A_846 : i32 to index
      %get3A_869 = arith.constant 16 : index
      %get3A_870 = tpu.vector_load %arg8[%get3A_867, %get3A_868, %get3A_869] {strides = array<i32>} : memref<5x128x64xf32, #tpu.memory_space<vmem>>, vector<16xf32>,
      %add3A_871 = arith.addf %get3A_865, %get3A_870 : vector<16xf32>
      %swap3A_872 = arith.constant 4 : i32
      %swap3A_873 = arith.index_cast %swap3A_872 : i32 to index
      %swap3A_874 = arith.index_cast %scan3A_846 : i32 to index
      %swap3A_875 = arith.constant 16 : index
      %swap3A_876 = tpu.vector_load %arg9[%swap3A_873, %swap3A_874, %swap3A_875] {strides = array<i32>} : memref<5x128x64xf32, #tpu.memory_space<vmem>>, vector<16xf32>,
      tpu.vector_store %arg9[%swap3A_873, %swap3A_874, %swap3A_875], %add3A_871 {strides = array<i32>} : memref<5x128x64xf32, #tpu.memory_space<vmem>>, vector<16xf32>,
      %get3A_877 = arith.constant 4 : i32
      %get3A_878 = arith.index_cast %get3A_877 : i32 to index
      %get3A_879 = arith.index_cast %scan3A_846 : i32 to index
      %get3A_880 = arith.constant 32 : index
      %get3A_881 = tpu.vector_load %arg7[%get3A_878, %get3A_879, %get3A_880] {strides = array<i32>} : memref<5x128x64xf32, #tpu.memory_space<vmem>>, vector<16xf32>,
      %get3A_882 = arith.constant 4 : i32
      %get3A_883 = arith.index_cast %get3A_882 : i32 to index
      %get3A_884 = arith.index_cast %scan3A_846 : i32 to index
      %get3A_885 = arith.constant 32 : index
      %get3A_886 = tpu.vector_load %arg8[%get3A_883, %get3A_884, %get3A_885] {strides = array<i32>} : memref<5x128x64xf32, #tpu.memory_space<vmem>>, vector<16xf32>,
      %add3A_887 = arith.addf %get3A_881, %get3A_886 : vector<16xf32>
      %swap3A_888 = arith.constant 4 : i32
      %swap3A_889 = arith.index_cast %swap3A_888 : i32 to index
      %swap3A_890 = arith.index_cast %scan3A_846 : i32 to index
      %swap3A_891 = arith.constant 32 : index
      %swap3A_892 = tpu.vector_load %arg9[%swap3A_889, %swap3A_890, %swap3A_891] {strides = array<i32>} : memref<5x128x64xf32, #tpu.memory_space<vmem>>, vector<16xf32>,
      tpu.vector_store %arg9[%swap3A_889, %swap3A_890, %swap3A_891], %add3A_887 {strides = array<i32>} : memref<5x128x64xf32, #tpu.memory_space<vmem>>, vector<16xf32>,
      %get3A_893 = arith.constant 4 : i32
      %get3A_894 = arith.index_cast %get3A_893 : i32 to index
      %get3A_895 = arith.index_cast %scan3A_846 : i32 to index
      %get3A_896 = arith.constant 48 : index
      %get3A_897 = tpu.vector_load %arg7[%get3A_894, %get3A_895, %get3A_896] {strides = array<i32>} : memref<5x128x64xf32, #tpu.memory_space<vmem>>, vector<16xf32>,
      %get3A_898 = arith.constant 4 : i32
      %get3A_899 = arith.index_cast %get3A_898 : i32 to index
      %get3A_900 = arith.index_cast %scan3A_846 : i32 to index
      %get3A_901 = arith.constant 48 : index
      %get3A_902 = tpu.vector_load %arg8[%get3A_899, %get3A_900, %get3A_901] {strides = array<i32>} : memref<5x128x64xf32, #tpu.memory_space<vmem>>, vector<16xf32>,
      %add3A_903 = arith.addf %get3A_897, %get3A_902 : vector<16xf32>
      %swap3A_904 = arith.constant 4 : i32
      %swap3A_905 = arith.index_cast %swap3A_904 : i32 to index
      %swap3A_906 = arith.index_cast %scan3A_846 : i32 to index
      %swap3A_907 = arith.constant 48 : index
      %swap3A_908 = tpu.vector_load %arg9[%swap3A_905, %swap3A_906, %swap3A_907] {strides = array<i32>} : memref<5x128x64xf32, #tpu.memory_space<vmem>>, vector<16xf32>,
      tpu.vector_store %arg9[%swap3A_905, %swap3A_906, %swap3A_907], %add3A_903 {strides = array<i32>} : memref<5x128x64xf32, #tpu.memory_space<vmem>>, vector<16xf32>,
    }
    %scan3A_425 = arith.constant 128 : i32
    %add3A_426 = arith.constant 512 : i32
    %add3A_427 = arith.addi %mul3A_2, %add3A_426 : i32
    %dma_start3A_428 = arith.constant 4 : i32
    %dma_start3A_429 = arith.constant 0 : i32
    %dma_start3A_430 = arith.constant 0 : i32
    %dma_start3A_431 = tpu.memref_slice %arg9[%dma_start3A_428, %dma_start3A_429, %dma_start3A_430] : memref<5x128x64xf32, #tpu.memory_space<vmem>> -> memref<1x128x64xf32, #tpu.memory_space<vmem>>
    %dma_start3A_432 = tpu.memref_squeeze %dma_start3A_431 : memref<1x128x64xf32, #tpu.memory_space<vmem>> -> memref<128x64xf32, #tpu.memory_space<vmem>>
    %dma_start3A_433 = arith.constant 0 : i32
    %dma_start3A_434 = tpu.memref_slice %arg5[%add3A_427, %dma_start3A_433] : memref<204800x64xf32, #tpu.memory_space<hbm>> -> memref<128x64xf32, #tpu.memory_space<hbm>>
    %dma_start3A_435 = arith.constant 0 : i32
    %dma_start3A_436 = tpu.memref_slice %arg5[%add3A_427, %dma_start3A_435] : memref<204800x64xf32, #tpu.memory_space<hbm>> -> memref<128x64xf32, #tpu.memory_space<hbm>>
    %dma_start3A_437 = arith.constant 0 : i32
    %dma_start3A_438 = arith.constant 0 : i32
    %dma_start3A_439 = tpu.memref_slice %arg9[%dma_start3A_428, %dma_start3A_437, %dma_start3A_438] : memref<5x128x64xf32, #tpu.memory_space<vmem>> -> memref<1x128x64xf32, #tpu.memory_space<vmem>>
    %dma_start3A_440 = tpu.memref_squeeze %dma_start3A_439 : memref<1x128x64xf32, #tpu.memory_space<vmem>> -> memref<128x64xf32, #tpu.memory_space<vmem>>
    tpu.enqueue_dma source(%dma_start3A_440 : memref<128x64xf32, #tpu.memory_space<vmem>>) target(%dma_start3A_436 : memref<128x64xf32, #tpu.memory_space<hbm>>) target_semaphore(%arg24 : memref<!tpu.dma_semaphore, #tpu.memory_space<semaphore_mem>>)
    %dma_start3A_441 = arith.constant 9 : i32
    %dma_start3A_442 = arith.constant 4 : i32
    %dma_start3A_443 = arith.constant 0 : i32
    %dma_start3A_444 = arith.constant 0 : i32
    %dma_start3A_445 = tpu.memref_slice %arg7[%dma_start3A_442, %dma_start3A_443, %dma_start3A_444] : memref<5x128x64xf32, #tpu.memory_space<vmem>> -> memref<1x128x64xf32, #tpu.memory_space<vmem>>
    %dma_start3A_446 = tpu.memref_squeeze %dma_start3A_445 : memref<1x128x64xf32, #tpu.memory_space<vmem>> -> memref<128x64xf32, #tpu.memory_space<vmem>>
    %dma_start3A_447 = arith.constant 0 : i32
    %dma_start3A_448 = tpu.memref_slice %arg6[%dma_start3A_441, %dma_start3A_447] : memref<50x128xi32, #tpu.memory_space<vmem>> -> memref<1x128xi32, #tpu.memory_space<vmem>>
    %dma_start3A_449 = tpu.memref_squeeze %dma_start3A_448 : memref<1x128xi32, #tpu.memory_space<vmem>> -> memref<128xi32, #tpu.memory_space<vmem>>
    %dma_start3A_450 = arith.constant 0 : i32
    %dma_start3A_451 = arith.constant 0 : i32
    %dma_start3A_452 = tpu.memref_slice %arg2[%dma_start3A_450, %dma_start3A_451] : memref<1000000x64xf32, #tpu.memory_space<hbm>> -> memref<1000000x64xf32, #tpu.memory_space<hbm>>
    tpu.enqueue_indirect_dma source(%dma_start3A_452 : memref<1000000x64xf32, #tpu.memory_space<hbm>>) target(%dma_start3A_446 : memref<128x64xf32, #tpu.memory_space<vmem>>) offsets(%dma_start3A_449 : memref<128xi32, #tpu.memory_space<vmem>>) semaphore(%arg14 : memref<!tpu.dma_semaphore, #tpu.memory_space<semaphore_mem>>)
    %dma_start3A_453 = arith.constant 9 : i32
    %dma_start3A_454 = arith.constant 4 : i32
    %dma_start3A_455 = arith.constant 0 : i32
    %dma_start3A_456 = arith.constant 0 : i32
    %dma_start3A_457 = tpu.memref_slice %arg8[%dma_start3A_454, %dma_start3A_455, %dma_start3A_456] : memref<5x128x64xf32, #tpu.memory_space<vmem>> -> memref<1x128x64xf32, #tpu.memory_space<vmem>>
    %dma_start3A_458 = tpu.memref_squeeze %dma_start3A_457 : memref<1x128x64xf32, #tpu.memory_space<vmem>> -> memref<128x64xf32, #tpu.memory_space<vmem>>
    %dma_start3A_459 = arith.constant 0 : i32
    %dma_start3A_460 = tpu.memref_slice %arg6[%dma_start3A_453, %dma_start3A_459] : memref<50x128xi32, #tpu.memory_space<vmem>> -> memref<1x128xi32, #tpu.memory_space<vmem>>
    %dma_start3A_461 = tpu.memref_squeeze %dma_start3A_460 : memref<1x128xi32, #tpu.memory_space<vmem>> -> memref<128xi32, #tpu.memory_space<vmem>>
    %dma_start3A_462 = arith.constant 0 : i32
    %dma_start3A_463 = arith.constant 0 : i32
    %dma_start3A_464 = tpu.memref_slice %arg3[%dma_start3A_462, %dma_start3A_463] : memref<1000000x64xf32, #tpu.memory_space<hbm>> -> memref<1000000x64xf32, #tpu.memory_space<hbm>>
    tpu.enqueue_indirect_dma source(%dma_start3A_464 : memref<1000000x64xf32, #tpu.memory_space<hbm>>) target(%dma_start3A_458 : memref<128x64xf32, #tpu.memory_space<vmem>>) offsets(%dma_start3A_461 : memref<128xi32, #tpu.memory_space<vmem>>) semaphore(%arg19 : memref<!tpu.dma_semaphore, #tpu.memory_space<semaphore_mem>>)
    %scan3A_465 = arith.constant 0 : i32
    %scan3A_466 = arith.constant 1 : i32
    %scan3A_467 = arith.constant 8 : i32
    %scan3A_468 = arith.addi %scan3A_466, %scan3A_467 : i32
    %scan3A_469 = arith.constant 1 : i32
    scf.for %scan3A_846 = %scan3A_466 to %scan3A_468 step %scan3A_469  : i32 {
      %mul3A_847 = arith.constant 5 : i32
      %mul3A_848 = arith.muli %scan3A_846, %mul3A_847 : i32
      %add3A_849 = arith.constant 0 : i32
      %add3A_850 = arith.addi %mul3A_848, %add3A_849 : i32
      %dma_wait3A_851 = arith.constant 0 : i32
      %dma_wait3A_852 = arith.constant 0 : i32
      %dma_wait3A_853 = arith.constant 0 : i32
      %dma_wait3A_854 = tpu.memref_slice %arg7[%dma_wait3A_851, %dma_wait3A_852, %dma_wait3A_853] : memref<5x128x64xf32, #tpu.memory_space<vmem>> -> memref<1x128x64xf32, #tpu.memory_space<vmem>>
      %dma_wait3A_855 = tpu.memref_squeeze %dma_wait3A_854 : memref<1x128x64xf32, #tpu.memory_space<vmem>> -> memref<128x64xf32, #tpu.memory_space<vmem>>
      %dma_wait3A_856 = arith.constant 0 : i32
      %dma_wait3A_857 = tpu.memref_slice %arg6[%add3A_850, %dma_wait3A_856] : memref<50x128xi32, #tpu.memory_space<vmem>> -> memref<1x128xi32, #tpu.memory_space<vmem>>
      %dma_wait3A_858 = tpu.memref_squeeze %dma_wait3A_857 : memref<1x128xi32, #tpu.memory_space<vmem>> -> memref<128xi32, #tpu.memory_space<vmem>>
      %dma_wait3A_859 = arith.constant 0 : i32
      %dma_wait3A_860 = arith.constant 0 : i32
      %dma_wait3A_861 = tpu.memref_slice %arg2[%dma_wait3A_859, %dma_wait3A_860] : memref<1000000x64xf32, #tpu.memory_space<hbm>> -> memref<1000000x64xf32, #tpu.memory_space<hbm>>
      tpu.wait_indirect_dma semaphore(%arg10 : memref<!tpu.dma_semaphore, #tpu.memory_space<semaphore_mem>>) src(%dma_wait3A_861 : memref<1000000x64xf32, #tpu.memory_space<hbm>>) dst(%dma_wait3A_855 : memref<128x64xf32, #tpu.memory_space<vmem>>)
      %dma_wait3A_862 = arith.constant 0 : i32
      %dma_wait3A_863 = arith.constant 0 : i32
      %dma_wait3A_864 = arith.constant 0 : i32
      %dma_wait3A_865 = tpu.memref_slice %arg8[%dma_wait3A_862, %dma_wait3A_863, %dma_wait3A_864] : memref<5x128x64xf32, #tpu.memory_space<vmem>> -> memref<1x128x64xf32, #tpu.memory_space<vmem>>
      %dma_wait3A_866 = tpu.memref_squeeze %dma_wait3A_865 : memref<1x128x64xf32, #tpu.memory_space<vmem>> -> memref<128x64xf32, #tpu.memory_space<vmem>>
      %dma_wait3A_867 = arith.constant 0 : i32
      %dma_wait3A_868 = tpu.memref_slice %arg6[%add3A_850, %dma_wait3A_867] : memref<50x128xi32, #tpu.memory_space<vmem>> -> memref<1x128xi32, #tpu.memory_space<vmem>>
      %dma_wait3A_869 = tpu.memref_squeeze %dma_wait3A_868 : memref<1x128xi32, #tpu.memory_space<vmem>> -> memref<128xi32, #tpu.memory_space<vmem>>
      %dma_wait3A_870 = arith.constant 0 : i32
      %dma_wait3A_871 = arith.constant 0 : i32
      %dma_wait3A_872 = tpu.memref_slice %arg3[%dma_wait3A_870, %dma_wait3A_871] : memref<1000000x64xf32, #tpu.memory_space<hbm>> -> memref<1000000x64xf32, #tpu.memory_space<hbm>>
      tpu.wait_indirect_dma semaphore(%arg15 : memref<!tpu.dma_semaphore, #tpu.memory_space<semaphore_mem>>) src(%dma_wait3A_872 : memref<1000000x64xf32, #tpu.memory_space<hbm>>) dst(%dma_wait3A_866 : memref<128x64xf32, #tpu.memory_space<vmem>>)
      %sub3A = arith.constant 5 : i32
      %sub3A_873 = arith.subi %add3A_850, %sub3A : i32
      %mul3A_874 = arith.constant 128 : i32
      %mul3A_875 = arith.muli %sub3A_873, %mul3A_874 : i32
      %add3A_876 = arith.addi %mul3A_2, %mul3A_875 : i32
      %dma_wait3A_877 = arith.constant 0 : i32
      %dma_wait3A_878 = arith.constant 0 : i32
      %dma_wait3A_879 = arith.constant 0 : i32
      %dma_wait3A_880 = tpu.memref_slice %arg9[%dma_wait3A_877, %dma_wait3A_878, %dma_wait3A_879] : memref<5x128x64xf32, #tpu.memory_space<vmem>> -> memref<1x128x64xf32, #tpu.memory_space<vmem>>
      %dma_wait3A_881 = tpu.memref_squeeze %dma_wait3A_880 : memref<1x128x64xf32, #tpu.memory_space<vmem>> -> memref<128x64xf32, #tpu.memory_space<vmem>>
      %dma_wait3A_882 = arith.constant 0 : i32
      %dma_wait3A_883 = tpu.memref_slice %arg5[%add3A_876, %dma_wait3A_882] : memref<204800x64xf32, #tpu.memory_space<hbm>> -> memref<128x64xf32, #tpu.memory_space<hbm>>
      %dma_wait3A_884 = arith.constant 0 : i32
      %dma_wait3A_885 = tpu.memref_slice %arg5[%add3A_876, %dma_wait3A_884] : memref<204800x64xf32, #tpu.memory_space<hbm>> -> memref<128x64xf32, #tpu.memory_space<hbm>>
      %dma_wait3A_886 = arith.constant 0 : i32
      %dma_wait3A_887 = arith.constant 0 : i32
      %dma_wait3A_888 = tpu.memref_slice %arg9[%dma_wait3A_877, %dma_wait3A_886, %dma_wait3A_887] : memref<5x128x64xf32, #tpu.memory_space<vmem>> -> memref<1x128x64xf32, #tpu.memory_space<vmem>>
      %dma_wait3A_889 = tpu.memref_squeeze %dma_wait3A_888 : memref<1x128x64xf32, #tpu.memory_space<vmem>> -> memref<128x64xf32, #tpu.memory_space<vmem>>
      tpu.wait_dma2 semaphore(%arg20 : memref<!tpu.dma_semaphore, #tpu.memory_space<semaphore_mem>>) src(%dma_wait3A_889 : memref<128x64xf32, #tpu.memory_space<vmem>>) dst(%dma_wait3A_885 : memref<128x64xf32, #tpu.memory_space<hbm>>)
      %scan3A_890 = arith.constant 0 : i32
      %scan3A_891 = arith.constant 0 : i32
      %scan3A_892 = arith.constant 128 : i32
      %scan3A_893 = arith.addi %scan3A_891, %scan3A_892 : i32
      %scan3A_894 = arith.constant 1 : i32
      scf.for %scan3A_1296 = %scan3A_891 to %scan3A_893 step %scan3A_894  : i32 {
        %get3A = arith.constant 0 : i32
        %get3A_1297 = arith.index_cast %get3A : i32 to index
        %get3A_1298 = arith.index_cast %scan3A_1296 : i32 to index
        %get3A_1299 = arith.constant 0 : index
        %get3A_1300 = tpu.vector_load %arg7[%get3A_1297, %get3A_1298, %get3A_1299] {strides = array<i32>} : memref<5x128x64xf32, #tpu.memory_space<vmem>>, vector<16xf32>,
        %get3A_1301 = arith.constant 0 : i32
        %get3A_1302 = arith.index_cast %get3A_1301 : i32 to index
        %get3A_1303 = arith.index_cast %scan3A_1296 : i32 to index
        %get3A_1304 = arith.constant 0 : index
        %get3A_1305 = tpu.vector_load %arg8[%get3A_1302, %get3A_1303, %get3A_1304] {strides = array<i32>} : memref<5x128x64xf32, #tpu.memory_space<vmem>>, vector<16xf32>,
        %add3A_1306 = arith.addf %get3A_1300, %get3A_1305 : vector<16xf32>
        %swap3A = arith.constant 0 : i32
        %swap3A_1307 = arith.index_cast %swap3A : i32 to index
        %swap3A_1308 = arith.index_cast %scan3A_1296 : i32 to index
        %swap3A_1309 = arith.constant 0 : index
        %swap3A_1310 = tpu.vector_load %arg9[%swap3A_1307, %swap3A_1308, %swap3A_1309] {strides = array<i32>} : memref<5x128x64xf32, #tpu.memory_space<vmem>>, vector<16xf32>,
        tpu.vector_store %arg9[%swap3A_1307, %swap3A_1308, %swap3A_1309], %add3A_1306 {strides = array<i32>} : memref<5x128x64xf32, #tpu.memory_space<vmem>>, vector<16xf32>,
        %get3A_1311 = arith.constant 0 : i32
        %get3A_1312 = arith.index_cast %get3A_1311 : i32 to index
        %get3A_1313 = arith.index_cast %scan3A_1296 : i32 to index
        %get3A_1314 = arith.constant 16 : index
        %get3A_1315 = tpu.vector_load %arg7[%get3A_1312, %get3A_1313, %get3A_1314] {strides = array<i32>} : memref<5x128x64xf32, #tpu.memory_space<vmem>>, vector<16xf32>,
        %get3A_1316 = arith.constant 0 : i32
        %get3A_1317 = arith.index_cast %get3A_1316 : i32 to index
        %get3A_1318 = arith.index_cast %scan3A_1296 : i32 to index
        %get3A_1319 = arith.constant 16 : index
        %get3A_1320 = tpu.vector_load %arg8[%get3A_1317, %get3A_1318, %get3A_1319] {strides = array<i32>} : memref<5x128x64xf32, #tpu.memory_space<vmem>>, vector<16xf32>,
        %add3A_1321 = arith.addf %get3A_1315, %get3A_1320 : vector<16xf32>
        %swap3A_1322 = arith.constant 0 : i32
        %swap3A_1323 = arith.index_cast %swap3A_1322 : i32 to index
        %swap3A_1324 = arith.index_cast %scan3A_1296 : i32 to index
        %swap3A_1325 = arith.constant 16 : index
        %swap3A_1326 = tpu.vector_load %arg9[%swap3A_1323, %swap3A_1324, %swap3A_1325] {strides = array<i32>} : memref<5x128x64xf32, #tpu.memory_space<vmem>>, vector<16xf32>,
        tpu.vector_store %arg9[%swap3A_1323, %swap3A_1324, %swap3A_1325], %add3A_1321 {strides = array<i32>} : memref<5x128x64xf32, #tpu.memory_space<vmem>>, vector<16xf32>,
        %get3A_1327 = arith.constant 0 : i32
        %get3A_1328 = arith.index_cast %get3A_1327 : i32 to index
        %get3A_1329 = arith.index_cast %scan3A_1296 : i32 to index
        %get3A_1330 = arith.constant 32 : index
        %get3A_1331 = tpu.vector_load %arg7[%get3A_1328, %get3A_1329, %get3A_1330] {strides = array<i32>} : memref<5x128x64xf32, #tpu.memory_space<vmem>>, vector<16xf32>,
        %get3A_1332 = arith.constant 0 : i32
        %get3A_1333 = arith.index_cast %get3A_1332 : i32 to index
        %get3A_1334 = arith.index_cast %scan3A_1296 : i32 to index
        %get3A_1335 = arith.constant 32 : index
        %get3A_1336 = tpu.vector_load %arg8[%get3A_1333, %get3A_1334, %get3A_1335] {strides = array<i32>} : memref<5x128x64xf32, #tpu.memory_space<vmem>>, vector<16xf32>,
        %add3A_1337 = arith.addf %get3A_1331, %get3A_1336 : vector<16xf32>
        %swap3A_1338 = arith.constant 0 : i32
        %swap3A_1339 = arith.index_cast %swap3A_1338 : i32 to index
        %swap3A_1340 = arith.index_cast %scan3A_1296 : i32 to index
        %swap3A_1341 = arith.constant 32 : index
        %swap3A_1342 = tpu.vector_load %arg9[%swap3A_1339, %swap3A_1340, %swap3A_1341] {strides = array<i32>} : memref<5x128x64xf32, #tpu.memory_space<vmem>>, vector<16xf32>,
        tpu.vector_store %arg9[%swap3A_1339, %swap3A_1340, %swap3A_1341], %add3A_1337 {strides = array<i32>} : memref<5x128x64xf32, #tpu.memory_space<vmem>>, vector<16xf32>,
        %get3A_1343 = arith.constant 0 : i32
        %get3A_1344 = arith.index_cast %get3A_1343 : i32 to index
        %get3A_1345 = arith.index_cast %scan3A_1296 : i32 to index
        %get3A_1346 = arith.constant 48 : index
        %get3A_1347 = tpu.vector_load %arg7[%get3A_1344, %get3A_1345, %get3A_1346] {strides = array<i32>} : memref<5x128x64xf32, #tpu.memory_space<vmem>>, vector<16xf32>,
        %get3A_1348 = arith.constant 0 : i32
        %get3A_1349 = arith.index_cast %get3A_1348 : i32 to index
        %get3A_1350 = arith.index_cast %scan3A_1296 : i32 to index
        %get3A_1351 = arith.constant 48 : index
        %get3A_1352 = tpu.vector_load %arg8[%get3A_1349, %get3A_1350, %get3A_1351] {strides = array<i32>} : memref<5x128x64xf32, #tpu.memory_space<vmem>>, vector<16xf32>,
        %add3A_1353 = arith.addf %get3A_1347, %get3A_1352 : vector<16xf32>
        %swap3A_1354 = arith.constant 0 : i32
        %swap3A_1355 = arith.index_cast %swap3A_1354 : i32 to index
        %swap3A_1356 = arith.index_cast %scan3A_1296 : i32 to index
        %swap3A_1357 = arith.constant 48 : index
        %swap3A_1358 = tpu.vector_load %arg9[%swap3A_1355, %swap3A_1356, %swap3A_1357] {strides = array<i32>} : memref<5x128x64xf32, #tpu.memory_space<vmem>>, vector<16xf32>,
        tpu.vector_store %arg9[%swap3A_1355, %swap3A_1356, %swap3A_1357], %add3A_1353 {strides = array<i32>} : memref<5x128x64xf32, #tpu.memory_space<vmem>>, vector<16xf32>,
      }
      %scan3A_895 = arith.constant 128 : i32
      %mul3A_896 = arith.constant 128 : i32
      %mul3A_897 = arith.muli %add3A_850, %mul3A_896 : i32
      %add3A_898 = arith.addi %mul3A_2, %mul3A_897 : i32
      %dma_start3A_899 = arith.constant 0 : i32
      %dma_start3A_900 = arith.constant 0 : i32
      %dma_start3A_901 = arith.constant 0 : i32
      %dma_start3A_902 = tpu.memref_slice %arg9[%dma_start3A_899, %dma_start3A_900, %dma_start3A_901] : memref<5x128x64xf32, #tpu.memory_space<vmem>> -> memref<1x128x64xf32, #tpu.memory_space<vmem>>
      %dma_start3A_903 = tpu.memref_squeeze %dma_start3A_902 : memref<1x128x64xf32, #tpu.memory_space<vmem>> -> memref<128x64xf32, #tpu.memory_space<vmem>>
      %dma_start3A_904 = arith.constant 0 : i32
      %dma_start3A_905 = tpu.memref_slice %arg5[%add3A_898, %dma_start3A_904] : memref<204800x64xf32, #tpu.memory_space<hbm>> -> memref<128x64xf32, #tpu.memory_space<hbm>>
      %dma_start3A_906 = arith.constant 0 : i32
      %dma_start3A_907 = tpu.memref_slice %arg5[%add3A_898, %dma_start3A_906] : memref<204800x64xf32, #tpu.memory_space<hbm>> -> memref<128x64xf32, #tpu.memory_space<hbm>>
      %dma_start3A_908 = arith.constant 0 : i32
      %dma_start3A_909 = arith.constant 0 : i32
      %dma_start3A_910 = tpu.memref_slice %arg9[%dma_start3A_899, %dma_start3A_908, %dma_start3A_909] : memref<5x128x64xf32, #tpu.memory_space<vmem>> -> memref<1x128x64xf32, #tpu.memory_space<vmem>>
      %dma_start3A_911 = tpu.memref_squeeze %dma_start3A_910 : memref<1x128x64xf32, #tpu.memory_space<vmem>> -> memref<128x64xf32, #tpu.memory_space<vmem>>
      tpu.enqueue_dma source(%dma_start3A_911 : memref<128x64xf32, #tpu.memory_space<vmem>>) target(%dma_start3A_907 : memref<128x64xf32, #tpu.memory_space<hbm>>) target_semaphore(%arg20 : memref<!tpu.dma_semaphore, #tpu.memory_space<semaphore_mem>>)
      %add3A_912 = arith.constant 5 : i32
      %add3A_913 = arith.addi %add3A_850, %add3A_912 : i32
      %dma_start3A_914 = arith.constant 0 : i32
      %dma_start3A_915 = arith.constant 0 : i32
      %dma_start3A_916 = arith.constant 0 : i32
      %dma_start3A_917 = tpu.memref_slice %arg7[%dma_start3A_914, %dma_start3A_915, %dma_start3A_916] : memref<5x128x64xf32, #tpu.memory_space<vmem>> -> memref<1x128x64xf32, #tpu.memory_space<vmem>>
      %dma_start3A_918 = tpu.memref_squeeze %dma_start3A_917 : memref<1x128x64xf32, #tpu.memory_space<vmem>> -> memref<128x64xf32, #tpu.memory_space<vmem>>
      %dma_start3A_919 = arith.constant 0 : i32
      %dma_start3A_920 = tpu.memref_slice %arg6[%add3A_913, %dma_start3A_919] : memref<50x128xi32, #tpu.memory_space<vmem>> -> memref<1x128xi32, #tpu.memory_space<vmem>>
      %dma_start3A_921 = tpu.memref_squeeze %dma_start3A_920 : memref<1x128xi32, #tpu.memory_space<vmem>> -> memref<128xi32, #tpu.memory_space<vmem>>
      %dma_start3A_922 = arith.constant 0 : i32
      %dma_start3A_923 = arith.constant 0 : i32
      %dma_start3A_924 = tpu.memref_slice %arg2[%dma_start3A_922, %dma_start3A_923] : memref<1000000x64xf32, #tpu.memory_space<hbm>> -> memref<1000000x64xf32, #tpu.memory_space<hbm>>
      tpu.enqueue_indirect_dma source(%dma_start3A_924 : memref<1000000x64xf32, #tpu.memory_space<hbm>>) target(%dma_start3A_918 : memref<128x64xf32, #tpu.memory_space<vmem>>) offsets(%dma_start3A_921 : memref<128xi32, #tpu.memory_space<vmem>>) semaphore(%arg10 : memref<!tpu.dma_semaphore, #tpu.memory_space<semaphore_mem>>)
      %dma_start3A_925 = arith.constant 0 : i32
      %dma_start3A_926 = arith.constant 0 : i32
      %dma_start3A_927 = arith.constant 0 : i32
      %dma_start3A_928 = tpu.memref_slice %arg8[%dma_start3A_925, %dma_start3A_926, %dma_start3A_927] : memref<5x128x64xf32, #tpu.memory_space<vmem>> -> memref<1x128x64xf32, #tpu.memory_space<vmem>>
      %dma_start3A_929 = tpu.memref_squeeze %dma_start3A_928 : memref<1x128x64xf32, #tpu.memory_space<vmem>> -> memref<128x64xf32, #tpu.memory_space<vmem>>
      %dma_start3A_930 = arith.constant 0 : i32
      %dma_start3A_931 = tpu.memref_slice %arg6[%add3A_913, %dma_start3A_930] : memref<50x128xi32, #tpu.memory_space<vmem>> -> memref<1x128xi32, #tpu.memory_space<vmem>>
      %dma_start3A_932 = tpu.memref_squeeze %dma_start3A_931 : memref<1x128xi32, #tpu.memory_space<vmem>> -> memref<128xi32, #tpu.memory_space<vmem>>
      %dma_start3A_933 = arith.constant 0 : i32
      %dma_start3A_934 = arith.constant 0 : i32
      %dma_start3A_935 = tpu.memref_slice %arg3[%dma_start3A_933, %dma_start3A_934] : memref<1000000x64xf32, #tpu.memory_space<hbm>> -> memref<1000000x64xf32, #tpu.memory_space<hbm>>
      tpu.enqueue_indirect_dma source(%dma_start3A_935 : memref<1000000x64xf32, #tpu.memory_space<hbm>>) target(%dma_start3A_929 : memref<128x64xf32, #tpu.memory_space<vmem>>) offsets(%dma_start3A_932 : memref<128xi32, #tpu.memory_space<vmem>>) semaphore(%arg15 : memref<!tpu.dma_semaphore, #tpu.memory_space<semaphore_mem>>)
      %mul3A_936 = arith.constant 5 : i32
      %mul3A_937 = arith.muli %scan3A_846, %mul3A_936 : i32
      %add3A_938 = arith.constant 1 : i32
      %add3A_939 = arith.addi %mul3A_937, %add3A_938 : i32
      %dma_wait3A_940 = arith.constant 1 : i32
      %dma_wait3A_941 = arith.constant 0 : i32
      %dma_wait3A_942 = arith.constant 0 : i32
      %dma_wait3A_943 = tpu.memref_slice %arg7[%dma_wait3A_940, %dma_wait3A_941, %dma_wait3A_942] : memref<5x128x64xf32, #tpu.memory_space<vmem>> -> memref<1x128x64xf32, #tpu.memory_space<vmem>>
      %dma_wait3A_944 = tpu.memref_squeeze %dma_wait3A_943 : memref<1x128x64xf32, #tpu.memory_space<vmem>> -> memref<128x64xf32, #tpu.memory_space<vmem>>
      %dma_wait3A_945 = arith.constant 0 : i32
      %dma_wait3A_946 = tpu.memref_slice %arg6[%add3A_939, %dma_wait3A_945] : memref<50x128xi32, #tpu.memory_space<vmem>> -> memref<1x128xi32, #tpu.memory_space<vmem>>
      %dma_wait3A_947 = tpu.memref_squeeze %dma_wait3A_946 : memref<1x128xi32, #tpu.memory_space<vmem>> -> memref<128xi32, #tpu.memory_space<vmem>>
      %dma_wait3A_948 = arith.constant 0 : i32
      %dma_wait3A_949 = arith.constant 0 : i32
      %dma_wait3A_950 = tpu.memref_slice %arg2[%dma_wait3A_948, %dma_wait3A_949] : memref<1000000x64xf32, #tpu.memory_space<hbm>> -> memref<1000000x64xf32, #tpu.memory_space<hbm>>
      tpu.wait_indirect_dma semaphore(%arg11 : memref<!tpu.dma_semaphore, #tpu.memory_space<semaphore_mem>>) src(%dma_wait3A_950 : memref<1000000x64xf32, #tpu.memory_space<hbm>>) dst(%dma_wait3A_944 : memref<128x64xf32, #tpu.memory_space<vmem>>)
      %dma_wait3A_951 = arith.constant 1 : i32
      %dma_wait3A_952 = arith.constant 0 : i32
      %dma_wait3A_953 = arith.constant 0 : i32
      %dma_wait3A_954 = tpu.memref_slice %arg8[%dma_wait3A_951, %dma_wait3A_952, %dma_wait3A_953] : memref<5x128x64xf32, #tpu.memory_space<vmem>> -> memref<1x128x64xf32, #tpu.memory_space<vmem>>
      %dma_wait3A_955 = tpu.memref_squeeze %dma_wait3A_954 : memref<1x128x64xf32, #tpu.memory_space<vmem>> -> memref<128x64xf32, #tpu.memory_space<vmem>>
      %dma_wait3A_956 = arith.constant 0 : i32
      %dma_wait3A_957 = tpu.memref_slice %arg6[%add3A_939, %dma_wait3A_956] : memref<50x128xi32, #tpu.memory_space<vmem>> -> memref<1x128xi32, #tpu.memory_space<vmem>>
      %dma_wait3A_958 = tpu.memref_squeeze %dma_wait3A_957 : memref<1x128xi32, #tpu.memory_space<vmem>> -> memref<128xi32, #tpu.memory_space<vmem>>
      %dma_wait3A_959 = arith.constant 0 : i32
      %dma_wait3A_960 = arith.constant 0 : i32
      %dma_wait3A_961 = tpu.memref_slice %arg3[%dma_wait3A_959, %dma_wait3A_960] : memref<1000000x64xf32, #tpu.memory_space<hbm>> -> memref<1000000x64xf32, #tpu.memory_space<hbm>>
      tpu.wait_indirect_dma semaphore(%arg16 : memref<!tpu.dma_semaphore, #tpu.memory_space<semaphore_mem>>) src(%dma_wait3A_961 : memref<1000000x64xf32, #tpu.memory_space<hbm>>) dst(%dma_wait3A_955 : memref<128x64xf32, #tpu.memory_space<vmem>>)
      %sub3A_962 = arith.constant 5 : i32
      %sub3A_963 = arith.subi %add3A_939, %sub3A_962 : i32
      %mul3A_964 = arith.constant 128 : i32
      %mul3A_965 = arith.muli %sub3A_963, %mul3A_964 : i32
      %add3A_966 = arith.addi %mul3A_2, %mul3A_965 : i32
      %dma_wait3A_967 = arith.constant 1 : i32
      %dma_wait3A_968 = arith.constant 0 : i32
      %dma_wait3A_969 = arith.constant 0 : i32
      %dma_wait3A_970 = tpu.memref_slice %arg9[%dma_wait3A_967, %dma_wait3A_968, %dma_wait3A_969] : memref<5x128x64xf32, #tpu.memory_space<vmem>> -> memref<1x128x64xf32, #tpu.memory_space<vmem>>
      %dma_wait3A_971 = tpu.memref_squeeze %dma_wait3A_970 : memref<1x128x64xf32, #tpu.memory_space<vmem>> -> memref<128x64xf32, #tpu.memory_space<vmem>>
      %dma_wait3A_972 = arith.constant 0 : i32
      %dma_wait3A_973 = tpu.memref_slice %arg5[%add3A_966, %dma_wait3A_972] : memref<204800x64xf32, #tpu.memory_space<hbm>> -> memref<128x64xf32, #tpu.memory_space<hbm>>
      %dma_wait3A_974 = arith.constant 0 : i32
      %dma_wait3A_975 = tpu.memref_slice %arg5[%add3A_966, %dma_wait3A_974] : memref<204800x64xf32, #tpu.memory_space<hbm>> -> memref<128x64xf32, #tpu.memory_space<hbm>>
      %dma_wait3A_976 = arith.constant 0 : i32
      %dma_wait3A_977 = arith.constant 0 : i32
      %dma_wait3A_978 = tpu.memref_slice %arg9[%dma_wait3A_967, %dma_wait3A_976, %dma_wait3A_977] : memref<5x128x64xf32, #tpu.memory_space<vmem>> -> memref<1x128x64xf32, #tpu.memory_space<vmem>>
      %dma_wait3A_979 = tpu.memref_squeeze %dma_wait3A_978 : memref<1x128x64xf32, #tpu.memory_space<vmem>> -> memref<128x64xf32, #tpu.memory_space<vmem>>
      tpu.wait_dma2 semaphore(%arg21 : memref<!tpu.dma_semaphore, #tpu.memory_space<semaphore_mem>>) src(%dma_wait3A_979 : memref<128x64xf32, #tpu.memory_space<vmem>>) dst(%dma_wait3A_975 : memref<128x64xf32, #tpu.memory_space<hbm>>)
      %scan3A_980 = arith.constant 0 : i32
      %scan3A_981 = arith.constant 0 : i32
      %scan3A_982 = arith.constant 128 : i32
      %scan3A_983 = arith.addi %scan3A_981, %scan3A_982 : i32
      %scan3A_984 = arith.constant 1 : i32
      scf.for %scan3A_1296 = %scan3A_981 to %scan3A_983 step %scan3A_984  : i32 {
        %get3A = arith.constant 1 : i32
        %get3A_1297 = arith.index_cast %get3A : i32 to index
        %get3A_1298 = arith.index_cast %scan3A_1296 : i32 to index
        %get3A_1299 = arith.constant 0 : index
        %get3A_1300 = tpu.vector_load %arg7[%get3A_1297, %get3A_1298, %get3A_1299] {strides = array<i32>} : memref<5x128x64xf32, #tpu.memory_space<vmem>>, vector<16xf32>,
        %get3A_1301 = arith.constant 1 : i32
        %get3A_1302 = arith.index_cast %get3A_1301 : i32 to index
        %get3A_1303 = arith.index_cast %scan3A_1296 : i32 to index
        %get3A_1304 = arith.constant 0 : index
        %get3A_1305 = tpu.vector_load %arg8[%get3A_1302, %get3A_1303, %get3A_1304] {strides = array<i32>} : memref<5x128x64xf32, #tpu.memory_space<vmem>>, vector<16xf32>,
        %add3A_1306 = arith.addf %get3A_1300, %get3A_1305 : vector<16xf32>
        %swap3A = arith.constant 1 : i32
        %swap3A_1307 = arith.index_cast %swap3A : i32 to index
        %swap3A_1308 = arith.index_cast %scan3A_1296 : i32 to index
        %swap3A_1309 = arith.constant 0 : index
        %swap3A_1310 = tpu.vector_load %arg9[%swap3A_1307, %swap3A_1308, %swap3A_1309] {strides = array<i32>} : memref<5x128x64xf32, #tpu.memory_space<vmem>>, vector<16xf32>,
        tpu.vector_store %arg9[%swap3A_1307, %swap3A_1308, %swap3A_1309], %add3A_1306 {strides = array<i32>} : memref<5x128x64xf32, #tpu.memory_space<vmem>>, vector<16xf32>,
        %get3A_1311 = arith.constant 1 : i32
        %get3A_1312 = arith.index_cast %get3A_1311 : i32 to index
        %get3A_1313 = arith.index_cast %scan3A_1296 : i32 to index
        %get3A_1314 = arith.constant 16 : index
        %get3A_1315 = tpu.vector_load %arg7[%get3A_1312, %get3A_1313, %get3A_1314] {strides = array<i32>} : memref<5x128x64xf32, #tpu.memory_space<vmem>>, vector<16xf32>,
        %get3A_1316 = arith.constant 1 : i32
        %get3A_1317 = arith.index_cast %get3A_1316 : i32 to index
        %get3A_1318 = arith.index_cast %scan3A_1296 : i32 to index
        %get3A_1319 = arith.constant 16 : index
        %get3A_1320 = tpu.vector_load %arg8[%get3A_1317, %get3A_1318, %get3A_1319] {strides = array<i32>} : memref<5x128x64xf32, #tpu.memory_space<vmem>>, vector<16xf32>,
        %add3A_1321 = arith.addf %get3A_1315, %get3A_1320 : vector<16xf32>
        %swap3A_1322 = arith.constant 1 : i32
        %swap3A_1323 = arith.index_cast %swap3A_1322 : i32 to index
        %swap3A_1324 = arith.index_cast %scan3A_1296 : i32 to index
        %swap3A_1325 = arith.constant 16 : index
        %swap3A_1326 = tpu.vector_load %arg9[%swap3A_1323, %swap3A_1324, %swap3A_1325] {strides = array<i32>} : memref<5x128x64xf32, #tpu.memory_space<vmem>>, vector<16xf32>,
        tpu.vector_store %arg9[%swap3A_1323, %swap3A_1324, %swap3A_1325], %add3A_1321 {strides = array<i32>} : memref<5x128x64xf32, #tpu.memory_space<vmem>>, vector<16xf32>,
        %get3A_1327 = arith.constant 1 : i32
        %get3A_1328 = arith.index_cast %get3A_1327 : i32 to index
        %get3A_1329 = arith.index_cast %scan3A_1296 : i32 to index
        %get3A_1330 = arith.constant 32 : index
        %get3A_1331 = tpu.vector_load %arg7[%get3A_1328, %get3A_1329, %get3A_1330] {strides = array<i32>} : memref<5x128x64xf32, #tpu.memory_space<vmem>>, vector<16xf32>,
        %get3A_1332 = arith.constant 1 : i32
        %get3A_1333 = arith.index_cast %get3A_1332 : i32 to index
        %get3A_1334 = arith.index_cast %scan3A_1296 : i32 to index
        %get3A_1335 = arith.constant 32 : index
        %get3A_1336 = tpu.vector_load %arg8[%get3A_1333, %get3A_1334, %get3A_1335] {strides = array<i32>} : memref<5x128x64xf32, #tpu.memory_space<vmem>>, vector<16xf32>,
        %add3A_1337 = arith.addf %get3A_1331, %get3A_1336 : vector<16xf32>
        %swap3A_1338 = arith.constant 1 : i32
        %swap3A_1339 = arith.index_cast %swap3A_1338 : i32 to index
        %swap3A_1340 = arith.index_cast %scan3A_1296 : i32 to index
        %swap3A_1341 = arith.constant 32 : index
        %swap3A_1342 = tpu.vector_load %arg9[%swap3A_1339, %swap3A_1340, %swap3A_1341] {strides = array<i32>} : memref<5x128x64xf32, #tpu.memory_space<vmem>>, vector<16xf32>,
        tpu.vector_store %arg9[%swap3A_1339, %swap3A_1340, %swap3A_1341], %add3A_1337 {strides = array<i32>} : memref<5x128x64xf32, #tpu.memory_space<vmem>>, vector<16xf32>,
        %get3A_1343 = arith.constant 1 : i32
        %get3A_1344 = arith.index_cast %get3A_1343 : i32 to index
        %get3A_1345 = arith.index_cast %scan3A_1296 : i32 to index
        %get3A_1346 = arith.constant 48 : index
        %get3A_1347 = tpu.vector_load %arg7[%get3A_1344, %get3A_1345, %get3A_1346] {strides = array<i32>} : memref<5x128x64xf32, #tpu.memory_space<vmem>>, vector<16xf32>,
        %get3A_1348 = arith.constant 1 : i32
        %get3A_1349 = arith.index_cast %get3A_1348 : i32 to index
        %get3A_1350 = arith.index_cast %scan3A_1296 : i32 to index
        %get3A_1351 = arith.constant 48 : index
        %get3A_1352 = tpu.vector_load %arg8[%get3A_1349, %get3A_1350, %get3A_1351] {strides = array<i32>} : memref<5x128x64xf32, #tpu.memory_space<vmem>>, vector<16xf32>,
        %add3A_1353 = arith.addf %get3A_1347, %get3A_1352 : vector<16xf32>
        %swap3A_1354 = arith.constant 1 : i32
        %swap3A_1355 = arith.index_cast %swap3A_1354 : i32 to index
        %swap3A_1356 = arith.index_cast %scan3A_1296 : i32 to index
        %swap3A_1357 = arith.constant 48 : index
        %swap3A_1358 = tpu.vector_load %arg9[%swap3A_1355, %swap3A_1356, %swap3A_1357] {strides = array<i32>} : memref<5x128x64xf32, #tpu.memory_space<vmem>>, vector<16xf32>,
        tpu.vector_store %arg9[%swap3A_1355, %swap3A_1356, %swap3A_1357], %add3A_1353 {strides = array<i32>} : memref<5x128x64xf32, #tpu.memory_space<vmem>>, vector<16xf32>,
      }
      %scan3A_985 = arith.constant 128 : i32
      %mul3A_986 = arith.constant 128 : i32
      %mul3A_987 = arith.muli %add3A_939, %mul3A_986 : i32
      %add3A_988 = arith.addi %mul3A_2, %mul3A_987 : i32
      %dma_start3A_989 = arith.constant 1 : i32
      %dma_start3A_990 = arith.constant 0 : i32
      %dma_start3A_991 = arith.constant 0 : i32
      %dma_start3A_992 = tpu.memref_slice %arg9[%dma_start3A_989, %dma_start3A_990, %dma_start3A_991] : memref<5x128x64xf32, #tpu.memory_space<vmem>> -> memref<1x128x64xf32, #tpu.memory_space<vmem>>
      %dma_start3A_993 = tpu.memref_squeeze %dma_start3A_992 : memref<1x128x64xf32, #tpu.memory_space<vmem>> -> memref<128x64xf32, #tpu.memory_space<vmem>>
      %dma_start3A_994 = arith.constant 0 : i32
      %dma_start3A_995 = tpu.memref_slice %arg5[%add3A_988, %dma_start3A_994] : memref<204800x64xf32, #tpu.memory_space<hbm>> -> memref<128x64xf32, #tpu.memory_space<hbm>>
      %dma_start3A_996 = arith.constant 0 : i32
      %dma_start3A_997 = tpu.memref_slice %arg5[%add3A_988, %dma_start3A_996] : memref<204800x64xf32, #tpu.memory_space<hbm>> -> memref<128x64xf32, #tpu.memory_space<hbm>>
      %dma_start3A_998 = arith.constant 0 : i32
      %dma_start3A_999 = arith.constant 0 : i32
      %dma_start3A_1000 = tpu.memref_slice %arg9[%dma_start3A_989, %dma_start3A_998, %dma_start3A_999] : memref<5x128x64xf32, #tpu.memory_space<vmem>> -> memref<1x128x64xf32, #tpu.memory_space<vmem>>
      %dma_start3A_1001 = tpu.memref_squeeze %dma_start3A_1000 : memref<1x128x64xf32, #tpu.memory_space<vmem>> -> memref<128x64xf32, #tpu.memory_space<vmem>>
      tpu.enqueue_dma source(%dma_start3A_1001 : memref<128x64xf32, #tpu.memory_space<vmem>>) target(%dma_start3A_997 : memref<128x64xf32, #tpu.memory_space<hbm>>) target_semaphore(%arg21 : memref<!tpu.dma_semaphore, #tpu.memory_space<semaphore_mem>>)
      %add3A_1002 = arith.constant 5 : i32
      %add3A_1003 = arith.addi %add3A_939, %add3A_1002 : i32
      %dma_start3A_1004 = arith.constant 1 : i32
      %dma_start3A_1005 = arith.constant 0 : i32
      %dma_start3A_1006 = arith.constant 0 : i32
      %dma_start3A_1007 = tpu.memref_slice %arg7[%dma_start3A_1004, %dma_start3A_1005, %dma_start3A_1006] : memref<5x128x64xf32, #tpu.memory_space<vmem>> -> memref<1x128x64xf32, #tpu.memory_space<vmem>>
      %dma_start3A_1008 = tpu.memref_squeeze %dma_start3A_1007 : memref<1x128x64xf32, #tpu.memory_space<vmem>> -> memref<128x64xf32, #tpu.memory_space<vmem>>
      %dma_start3A_1009 = arith.constant 0 : i32
      %dma_start3A_1010 = tpu.memref_slice %arg6[%add3A_1003, %dma_start3A_1009] : memref<50x128xi32, #tpu.memory_space<vmem>> -> memref<1x128xi32, #tpu.memory_space<vmem>>
      %dma_start3A_1011 = tpu.memref_squeeze %dma_start3A_1010 : memref<1x128xi32, #tpu.memory_space<vmem>> -> memref<128xi32, #tpu.memory_space<vmem>>
      %dma_start3A_1012 = arith.constant 0 : i32
      %dma_start3A_1013 = arith.constant 0 : i32
      %dma_start3A_1014 = tpu.memref_slice %arg2[%dma_start3A_1012, %dma_start3A_1013] : memref<1000000x64xf32, #tpu.memory_space<hbm>> -> memref<1000000x64xf32, #tpu.memory_space<hbm>>
      tpu.enqueue_indirect_dma source(%dma_start3A_1014 : memref<1000000x64xf32, #tpu.memory_space<hbm>>) target(%dma_start3A_1008 : memref<128x64xf32, #tpu.memory_space<vmem>>) offsets(%dma_start3A_1011 : memref<128xi32, #tpu.memory_space<vmem>>) semaphore(%arg11 : memref<!tpu.dma_semaphore, #tpu.memory_space<semaphore_mem>>)
      %dma_start3A_1015 = arith.constant 1 : i32
      %dma_start3A_1016 = arith.constant 0 : i32
      %dma_start3A_1017 = arith.constant 0 : i32
      %dma_start3A_1018 = tpu.memref_slice %arg8[%dma_start3A_1015, %dma_start3A_1016, %dma_start3A_1017] : memref<5x128x64xf32, #tpu.memory_space<vmem>> -> memref<1x128x64xf32, #tpu.memory_space<vmem>>
      %dma_start3A_1019 = tpu.memref_squeeze %dma_start3A_1018 : memref<1x128x64xf32, #tpu.memory_space<vmem>> -> memref<128x64xf32, #tpu.memory_space<vmem>>
      %dma_start3A_1020 = arith.constant 0 : i32
      %dma_start3A_1021 = tpu.memref_slice %arg6[%add3A_1003, %dma_start3A_1020] : memref<50x128xi32, #tpu.memory_space<vmem>> -> memref<1x128xi32, #tpu.memory_space<vmem>>
      %dma_start3A_1022 = tpu.memref_squeeze %dma_start3A_1021 : memref<1x128xi32, #tpu.memory_space<vmem>> -> memref<128xi32, #tpu.memory_space<vmem>>
      %dma_start3A_1023 = arith.constant 0 : i32
      %dma_start3A_1024 = arith.constant 0 : i32
      %dma_start3A_1025 = tpu.memref_slice %arg3[%dma_start3A_1023, %dma_start3A_1024] : memref<1000000x64xf32, #tpu.memory_space<hbm>> -> memref<1000000x64xf32, #tpu.memory_space<hbm>>
      tpu.enqueue_indirect_dma source(%dma_start3A_1025 : memref<1000000x64xf32, #tpu.memory_space<hbm>>) target(%dma_start3A_1019 : memref<128x64xf32, #tpu.memory_space<vmem>>) offsets(%dma_start3A_1022 : memref<128xi32, #tpu.memory_space<vmem>>) semaphore(%arg16 : memref<!tpu.dma_semaphore, #tpu.memory_space<semaphore_mem>>)
      %mul3A_1026 = arith.constant 5 : i32
      %mul3A_1027 = arith.muli %scan3A_846, %mul3A_1026 : i32
      %add3A_1028 = arith.constant 2 : i32
      %add3A_1029 = arith.addi %mul3A_1027, %add3A_1028 : i32
      %dma_wait3A_1030 = arith.constant 2 : i32
      %dma_wait3A_1031 = arith.constant 0 : i32
      %dma_wait3A_1032 = arith.constant 0 : i32
      %dma_wait3A_1033 = tpu.memref_slice %arg7[%dma_wait3A_1030, %dma_wait3A_1031, %dma_wait3A_1032] : memref<5x128x64xf32, #tpu.memory_space<vmem>> -> memref<1x128x64xf32, #tpu.memory_space<vmem>>
      %dma_wait3A_1034 = tpu.memref_squeeze %dma_wait3A_1033 : memref<1x128x64xf32, #tpu.memory_space<vmem>> -> memref<128x64xf32, #tpu.memory_space<vmem>>
      %dma_wait3A_1035 = arith.constant 0 : i32
      %dma_wait3A_1036 = tpu.memref_slice %arg6[%add3A_1029, %dma_wait3A_1035] : memref<50x128xi32, #tpu.memory_space<vmem>> -> memref<1x128xi32, #tpu.memory_space<vmem>>
      %dma_wait3A_1037 = tpu.memref_squeeze %dma_wait3A_1036 : memref<1x128xi32, #tpu.memory_space<vmem>> -> memref<128xi32, #tpu.memory_space<vmem>>
      %dma_wait3A_1038 = arith.constant 0 : i32
      %dma_wait3A_1039 = arith.constant 0 : i32
      %dma_wait3A_1040 = tpu.memref_slice %arg2[%dma_wait3A_1038, %dma_wait3A_1039] : memref<1000000x64xf32, #tpu.memory_space<hbm>> -> memref<1000000x64xf32, #tpu.memory_space<hbm>>
      tpu.wait_indirect_dma semaphore(%arg12 : memref<!tpu.dma_semaphore, #tpu.memory_space<semaphore_mem>>) src(%dma_wait3A_1040 : memref<1000000x64xf32, #tpu.memory_space<hbm>>) dst(%dma_wait3A_1034 : memref<128x64xf32, #tpu.memory_space<vmem>>)
      %dma_wait3A_1041 = arith.constant 2 : i32
      %dma_wait3A_1042 = arith.constant 0 : i32
      %dma_wait3A_1043 = arith.constant 0 : i32
      %dma_wait3A_1044 = tpu.memref_slice %arg8[%dma_wait3A_1041, %dma_wait3A_1042, %dma_wait3A_1043] : memref<5x128x64xf32, #tpu.memory_space<vmem>> -> memref<1x128x64xf32, #tpu.memory_space<vmem>>
      %dma_wait3A_1045 = tpu.memref_squeeze %dma_wait3A_1044 : memref<1x128x64xf32, #tpu.memory_space<vmem>> -> memref<128x64xf32, #tpu.memory_space<vmem>>
      %dma_wait3A_1046 = arith.constant 0 : i32
      %dma_wait3A_1047 = tpu.memref_slice %arg6[%add3A_1029, %dma_wait3A_1046] : memref<50x128xi32, #tpu.memory_space<vmem>> -> memref<1x128xi32, #tpu.memory_space<vmem>>
      %dma_wait3A_1048 = tpu.memref_squeeze %dma_wait3A_1047 : memref<1x128xi32, #tpu.memory_space<vmem>> -> memref<128xi32, #tpu.memory_space<vmem>>
      %dma_wait3A_1049 = arith.constant 0 : i32
      %dma_wait3A_1050 = arith.constant 0 : i32
      %dma_wait3A_1051 = tpu.memref_slice %arg3[%dma_wait3A_1049, %dma_wait3A_1050] : memref<1000000x64xf32, #tpu.memory_space<hbm>> -> memref<1000000x64xf32, #tpu.memory_space<hbm>>
      tpu.wait_indirect_dma semaphore(%arg17 : memref<!tpu.dma_semaphore, #tpu.memory_space<semaphore_mem>>) src(%dma_wait3A_1051 : memref<1000000x64xf32, #tpu.memory_space<hbm>>) dst(%dma_wait3A_1045 : memref<128x64xf32, #tpu.memory_space<vmem>>)
      %sub3A_1052 = arith.constant 5 : i32
      %sub3A_1053 = arith.subi %add3A_1029, %sub3A_1052 : i32
      %mul3A_1054 = arith.constant 128 : i32
      %mul3A_1055 = arith.muli %sub3A_1053, %mul3A_1054 : i32
      %add3A_1056 = arith.addi %mul3A_2, %mul3A_1055 : i32
      %dma_wait3A_1057 = arith.constant 2 : i32
      %dma_wait3A_1058 = arith.constant 0 : i32
      %dma_wait3A_1059 = arith.constant 0 : i32
      %dma_wait3A_1060 = tpu.memref_slice %arg9[%dma_wait3A_1057, %dma_wait3A_1058, %dma_wait3A_1059] : memref<5x128x64xf32, #tpu.memory_space<vmem>> -> memref<1x128x64xf32, #tpu.memory_space<vmem>>
      %dma_wait3A_1061 = tpu.memref_squeeze %dma_wait3A_1060 : memref<1x128x64xf32, #tpu.memory_space<vmem>> -> memref<128x64xf32, #tpu.memory_space<vmem>>
      %dma_wait3A_1062 = arith.constant 0 : i32
      %dma_wait3A_1063 = tpu.memref_slice %arg5[%add3A_1056, %dma_wait3A_1062] : memref<204800x64xf32, #tpu.memory_space<hbm>> -> memref<128x64xf32, #tpu.memory_space<hbm>>
      %dma_wait3A_1064 = arith.constant 0 : i32
      %dma_wait3A_1065 = tpu.memref_slice %arg5[%add3A_1056, %dma_wait3A_1064] : memref<204800x64xf32, #tpu.memory_space<hbm>> -> memref<128x64xf32, #tpu.memory_space<hbm>>
      %dma_wait3A_1066 = arith.constant 0 : i32
      %dma_wait3A_1067 = arith.constant 0 : i32
      %dma_wait3A_1068 = tpu.memref_slice %arg9[%dma_wait3A_1057, %dma_wait3A_1066, %dma_wait3A_1067] : memref<5x128x64xf32, #tpu.memory_space<vmem>> -> memref<1x128x64xf32, #tpu.memory_space<vmem>>
      %dma_wait3A_1069 = tpu.memref_squeeze %dma_wait3A_1068 : memref<1x128x64xf32, #tpu.memory_space<vmem>> -> memref<128x64xf32, #tpu.memory_space<vmem>>
      tpu.wait_dma2 semaphore(%arg22 : memref<!tpu.dma_semaphore, #tpu.memory_space<semaphore_mem>>) src(%dma_wait3A_1069 : memref<128x64xf32, #tpu.memory_space<vmem>>) dst(%dma_wait3A_1065 : memref<128x64xf32, #tpu.memory_space<hbm>>)
      %scan3A_1070 = arith.constant 0 : i32
      %scan3A_1071 = arith.constant 0 : i32
      %scan3A_1072 = arith.constant 128 : i32
      %scan3A_1073 = arith.addi %scan3A_1071, %scan3A_1072 : i32
      %scan3A_1074 = arith.constant 1 : i32
      scf.for %scan3A_1296 = %scan3A_1071 to %scan3A_1073 step %scan3A_1074  : i32 {
        %get3A = arith.constant 2 : i32
        %get3A_1297 = arith.index_cast %get3A : i32 to index
        %get3A_1298 = arith.index_cast %scan3A_1296 : i32 to index
        %get3A_1299 = arith.constant 0 : index
        %get3A_1300 = tpu.vector_load %arg7[%get3A_1297, %get3A_1298, %get3A_1299] {strides = array<i32>} : memref<5x128x64xf32, #tpu.memory_space<vmem>>, vector<16xf32>,
        %get3A_1301 = arith.constant 2 : i32
        %get3A_1302 = arith.index_cast %get3A_1301 : i32 to index
        %get3A_1303 = arith.index_cast %scan3A_1296 : i32 to index
        %get3A_1304 = arith.constant 0 : index
        %get3A_1305 = tpu.vector_load %arg8[%get3A_1302, %get3A_1303, %get3A_1304] {strides = array<i32>} : memref<5x128x64xf32, #tpu.memory_space<vmem>>, vector<16xf32>,
        %add3A_1306 = arith.addf %get3A_1300, %get3A_1305 : vector<16xf32>
        %swap3A = arith.constant 2 : i32
        %swap3A_1307 = arith.index_cast %swap3A : i32 to index
        %swap3A_1308 = arith.index_cast %scan3A_1296 : i32 to index
        %swap3A_1309 = arith.constant 0 : index
        %swap3A_1310 = tpu.vector_load %arg9[%swap3A_1307, %swap3A_1308, %swap3A_1309] {strides = array<i32>} : memref<5x128x64xf32, #tpu.memory_space<vmem>>, vector<16xf32>,
        tpu.vector_store %arg9[%swap3A_1307, %swap3A_1308, %swap3A_1309], %add3A_1306 {strides = array<i32>} : memref<5x128x64xf32, #tpu.memory_space<vmem>>, vector<16xf32>,
        %get3A_1311 = arith.constant 2 : i32
        %get3A_1312 = arith.index_cast %get3A_1311 : i32 to index
        %get3A_1313 = arith.index_cast %scan3A_1296 : i32 to index
        %get3A_1314 = arith.constant 16 : index
        %get3A_1315 = tpu.vector_load %arg7[%get3A_1312, %get3A_1313, %get3A_1314] {strides = array<i32>} : memref<5x128x64xf32, #tpu.memory_space<vmem>>, vector<16xf32>,
        %get3A_1316 = arith.constant 2 : i32
        %get3A_1317 = arith.index_cast %get3A_1316 : i32 to index
        %get3A_1318 = arith.index_cast %scan3A_1296 : i32 to index
        %get3A_1319 = arith.constant 16 : index
        %get3A_1320 = tpu.vector_load %arg8[%get3A_1317, %get3A_1318, %get3A_1319] {strides = array<i32>} : memref<5x128x64xf32, #tpu.memory_space<vmem>>, vector<16xf32>,
        %add3A_1321 = arith.addf %get3A_1315, %get3A_1320 : vector<16xf32>
        %swap3A_1322 = arith.constant 2 : i32
        %swap3A_1323 = arith.index_cast %swap3A_1322 : i32 to index
        %swap3A_1324 = arith.index_cast %scan3A_1296 : i32 to index
        %swap3A_1325 = arith.constant 16 : index
        %swap3A_1326 = tpu.vector_load %arg9[%swap3A_1323, %swap3A_1324, %swap3A_1325] {strides = array<i32>} : memref<5x128x64xf32, #tpu.memory_space<vmem>>, vector<16xf32>,
        tpu.vector_store %arg9[%swap3A_1323, %swap3A_1324, %swap3A_1325], %add3A_1321 {strides = array<i32>} : memref<5x128x64xf32, #tpu.memory_space<vmem>>, vector<16xf32>,
        %get3A_1327 = arith.constant 2 : i32
        %get3A_1328 = arith.index_cast %get3A_1327 : i32 to index
        %get3A_1329 = arith.index_cast %scan3A_1296 : i32 to index
        %get3A_1330 = arith.constant 32 : index
        %get3A_1331 = tpu.vector_load %arg7[%get3A_1328, %get3A_1329, %get3A_1330] {strides = array<i32>} : memref<5x128x64xf32, #tpu.memory_space<vmem>>, vector<16xf32>,
        %get3A_1332 = arith.constant 2 : i32
        %get3A_1333 = arith.index_cast %get3A_1332 : i32 to index
        %get3A_1334 = arith.index_cast %scan3A_1296 : i32 to index
        %get3A_1335 = arith.constant 32 : index
        %get3A_1336 = tpu.vector_load %arg8[%get3A_1333, %get3A_1334, %get3A_1335] {strides = array<i32>} : memref<5x128x64xf32, #tpu.memory_space<vmem>>, vector<16xf32>,
        %add3A_1337 = arith.addf %get3A_1331, %get3A_1336 : vector<16xf32>
        %swap3A_1338 = arith.constant 2 : i32
        %swap3A_1339 = arith.index_cast %swap3A_1338 : i32 to index
        %swap3A_1340 = arith.index_cast %scan3A_1296 : i32 to index
        %swap3A_1341 = arith.constant 32 : index
        %swap3A_1342 = tpu.vector_load %arg9[%swap3A_1339, %swap3A_1340, %swap3A_1341] {strides = array<i32>} : memref<5x128x64xf32, #tpu.memory_space<vmem>>, vector<16xf32>,
        tpu.vector_store %arg9[%swap3A_1339, %swap3A_1340, %swap3A_1341], %add3A_1337 {strides = array<i32>} : memref<5x128x64xf32, #tpu.memory_space<vmem>>, vector<16xf32>,
        %get3A_1343 = arith.constant 2 : i32
        %get3A_1344 = arith.index_cast %get3A_1343 : i32 to index
        %get3A_1345 = arith.index_cast %scan3A_1296 : i32 to index
        %get3A_1346 = arith.constant 48 : index
        %get3A_1347 = tpu.vector_load %arg7[%get3A_1344, %get3A_1345, %get3A_1346] {strides = array<i32>} : memref<5x128x64xf32, #tpu.memory_space<vmem>>, vector<16xf32>,
        %get3A_1348 = arith.constant 2 : i32
        %get3A_1349 = arith.index_cast %get3A_1348 : i32 to index
        %get3A_1350 = arith.index_cast %scan3A_1296 : i32 to index
        %get3A_1351 = arith.constant 48 : index
        %get3A_1352 = tpu.vector_load %arg8[%get3A_1349, %get3A_1350, %get3A_1351] {strides = array<i32>} : memref<5x128x64xf32, #tpu.memory_space<vmem>>, vector<16xf32>,
        %add3A_1353 = arith.addf %get3A_1347, %get3A_1352 : vector<16xf32>
        %swap3A_1354 = arith.constant 2 : i32
        %swap3A_1355 = arith.index_cast %swap3A_1354 : i32 to index
        %swap3A_1356 = arith.index_cast %scan3A_1296 : i32 to index
        %swap3A_1357 = arith.constant 48 : index
        %swap3A_1358 = tpu.vector_load %arg9[%swap3A_1355, %swap3A_1356, %swap3A_1357] {strides = array<i32>} : memref<5x128x64xf32, #tpu.memory_space<vmem>>, vector<16xf32>,
        tpu.vector_store %arg9[%swap3A_1355, %swap3A_1356, %swap3A_1357], %add3A_1353 {strides = array<i32>} : memref<5x128x64xf32, #tpu.memory_space<vmem>>, vector<16xf32>,
      }
      %scan3A_1075 = arith.constant 128 : i32
      %mul3A_1076 = arith.constant 128 : i32
      %mul3A_1077 = arith.muli %add3A_1029, %mul3A_1076 : i32
      %add3A_1078 = arith.addi %mul3A_2, %mul3A_1077 : i32
      %dma_start3A_1079 = arith.constant 2 : i32
      %dma_start3A_1080 = arith.constant 0 : i32
      %dma_start3A_1081 = arith.constant 0 : i32
      %dma_start3A_1082 = tpu.memref_slice %arg9[%dma_start3A_1079, %dma_start3A_1080, %dma_start3A_1081] : memref<5x128x64xf32, #tpu.memory_space<vmem>> -> memref<1x128x64xf32, #tpu.memory_space<vmem>>
      %dma_start3A_1083 = tpu.memref_squeeze %dma_start3A_1082 : memref<1x128x64xf32, #tpu.memory_space<vmem>> -> memref<128x64xf32, #tpu.memory_space<vmem>>
      %dma_start3A_1084 = arith.constant 0 : i32
      %dma_start3A_1085 = tpu.memref_slice %arg5[%add3A_1078, %dma_start3A_1084] : memref<204800x64xf32, #tpu.memory_space<hbm>> -> memref<128x64xf32, #tpu.memory_space<hbm>>
      %dma_start3A_1086 = arith.constant 0 : i32
      %dma_start3A_1087 = tpu.memref_slice %arg5[%add3A_1078, %dma_start3A_1086] : memref<204800x64xf32, #tpu.memory_space<hbm>> -> memref<128x64xf32, #tpu.memory_space<hbm>>
      %dma_start3A_1088 = arith.constant 0 : i32
      %dma_start3A_1089 = arith.constant 0 : i32
      %dma_start3A_1090 = tpu.memref_slice %arg9[%dma_start3A_1079, %dma_start3A_1088, %dma_start3A_1089] : memref<5x128x64xf32, #tpu.memory_space<vmem>> -> memref<1x128x64xf32, #tpu.memory_space<vmem>>
      %dma_start3A_1091 = tpu.memref_squeeze %dma_start3A_1090 : memref<1x128x64xf32, #tpu.memory_space<vmem>> -> memref<128x64xf32, #tpu.memory_space<vmem>>
      tpu.enqueue_dma source(%dma_start3A_1091 : memref<128x64xf32, #tpu.memory_space<vmem>>) target(%dma_start3A_1087 : memref<128x64xf32, #tpu.memory_space<hbm>>) target_semaphore(%arg22 : memref<!tpu.dma_semaphore, #tpu.memory_space<semaphore_mem>>)
      %add3A_1092 = arith.constant 5 : i32
      %add3A_1093 = arith.addi %add3A_1029, %add3A_1092 : i32
      %dma_start3A_1094 = arith.constant 2 : i32
      %dma_start3A_1095 = arith.constant 0 : i32
      %dma_start3A_1096 = arith.constant 0 : i32
      %dma_start3A_1097 = tpu.memref_slice %arg7[%dma_start3A_1094, %dma_start3A_1095, %dma_start3A_1096] : memref<5x128x64xf32, #tpu.memory_space<vmem>> -> memref<1x128x64xf32, #tpu.memory_space<vmem>>
      %dma_start3A_1098 = tpu.memref_squeeze %dma_start3A_1097 : memref<1x128x64xf32, #tpu.memory_space<vmem>> -> memref<128x64xf32, #tpu.memory_space<vmem>>
      %dma_start3A_1099 = arith.constant 0 : i32
      %dma_start3A_1100 = tpu.memref_slice %arg6[%add3A_1093, %dma_start3A_1099] : memref<50x128xi32, #tpu.memory_space<vmem>> -> memref<1x128xi32, #tpu.memory_space<vmem>>
      %dma_start3A_1101 = tpu.memref_squeeze %dma_start3A_1100 : memref<1x128xi32, #tpu.memory_space<vmem>> -> memref<128xi32, #tpu.memory_space<vmem>>
      %dma_start3A_1102 = arith.constant 0 : i32
      %dma_start3A_1103 = arith.constant 0 : i32
      %dma_start3A_1104 = tpu.memref_slice %arg2[%dma_start3A_1102, %dma_start3A_1103] : memref<1000000x64xf32, #tpu.memory_space<hbm>> -> memref<1000000x64xf32, #tpu.memory_space<hbm>>
      tpu.enqueue_indirect_dma source(%dma_start3A_1104 : memref<1000000x64xf32, #tpu.memory_space<hbm>>) target(%dma_start3A_1098 : memref<128x64xf32, #tpu.memory_space<vmem>>) offsets(%dma_start3A_1101 : memref<128xi32, #tpu.memory_space<vmem>>) semaphore(%arg12 : memref<!tpu.dma_semaphore, #tpu.memory_space<semaphore_mem>>)
      %dma_start3A_1105 = arith.constant 2 : i32
      %dma_start3A_1106 = arith.constant 0 : i32
      %dma_start3A_1107 = arith.constant 0 : i32
      %dma_start3A_1108 = tpu.memref_slice %arg8[%dma_start3A_1105, %dma_start3A_1106, %dma_start3A_1107] : memref<5x128x64xf32, #tpu.memory_space<vmem>> -> memref<1x128x64xf32, #tpu.memory_space<vmem>>
      %dma_start3A_1109 = tpu.memref_squeeze %dma_start3A_1108 : memref<1x128x64xf32, #tpu.memory_space<vmem>> -> memref<128x64xf32, #tpu.memory_space<vmem>>
      %dma_start3A_1110 = arith.constant 0 : i32
      %dma_start3A_1111 = tpu.memref_slice %arg6[%add3A_1093, %dma_start3A_1110] : memref<50x128xi32, #tpu.memory_space<vmem>> -> memref<1x128xi32, #tpu.memory_space<vmem>>
      %dma_start3A_1112 = tpu.memref_squeeze %dma_start3A_1111 : memref<1x128xi32, #tpu.memory_space<vmem>> -> memref<128xi32, #tpu.memory_space<vmem>>
      %dma_start3A_1113 = arith.constant 0 : i32
      %dma_start3A_1114 = arith.constant 0 : i32
      %dma_start3A_1115 = tpu.memref_slice %arg3[%dma_start3A_1113, %dma_start3A_1114] : memref<1000000x64xf32, #tpu.memory_space<hbm>> -> memref<1000000x64xf32, #tpu.memory_space<hbm>>
      tpu.enqueue_indirect_dma source(%dma_start3A_1115 : memref<1000000x64xf32, #tpu.memory_space<hbm>>) target(%dma_start3A_1109 : memref<128x64xf32, #tpu.memory_space<vmem>>) offsets(%dma_start3A_1112 : memref<128xi32, #tpu.memory_space<vmem>>) semaphore(%arg17 : memref<!tpu.dma_semaphore, #tpu.memory_space<semaphore_mem>>)
      %mul3A_1116 = arith.constant 5 : i32
      %mul3A_1117 = arith.muli %scan3A_846, %mul3A_1116 : i32
      %add3A_1118 = arith.constant 3 : i32
      %add3A_1119 = arith.addi %mul3A_1117, %add3A_1118 : i32
      %dma_wait3A_1120 = arith.constant 3 : i32
      %dma_wait3A_1121 = arith.constant 0 : i32
      %dma_wait3A_1122 = arith.constant 0 : i32
      %dma_wait3A_1123 = tpu.memref_slice %arg7[%dma_wait3A_1120, %dma_wait3A_1121, %dma_wait3A_1122] : memref<5x128x64xf32, #tpu.memory_space<vmem>> -> memref<1x128x64xf32, #tpu.memory_space<vmem>>
      %dma_wait3A_1124 = tpu.memref_squeeze %dma_wait3A_1123 : memref<1x128x64xf32, #tpu.memory_space<vmem>> -> memref<128x64xf32, #tpu.memory_space<vmem>>
      %dma_wait3A_1125 = arith.constant 0 : i32
      %dma_wait3A_1126 = tpu.memref_slice %arg6[%add3A_1119, %dma_wait3A_1125] : memref<50x128xi32, #tpu.memory_space<vmem>> -> memref<1x128xi32, #tpu.memory_space<vmem>>
      %dma_wait3A_1127 = tpu.memref_squeeze %dma_wait3A_1126 : memref<1x128xi32, #tpu.memory_space<vmem>> -> memref<128xi32, #tpu.memory_space<vmem>>
      %dma_wait3A_1128 = arith.constant 0 : i32
      %dma_wait3A_1129 = arith.constant 0 : i32
      %dma_wait3A_1130 = tpu.memref_slice %arg2[%dma_wait3A_1128, %dma_wait3A_1129] : memref<1000000x64xf32, #tpu.memory_space<hbm>> -> memref<1000000x64xf32, #tpu.memory_space<hbm>>
      tpu.wait_indirect_dma semaphore(%arg13 : memref<!tpu.dma_semaphore, #tpu.memory_space<semaphore_mem>>) src(%dma_wait3A_1130 : memref<1000000x64xf32, #tpu.memory_space<hbm>>) dst(%dma_wait3A_1124 : memref<128x64xf32, #tpu.memory_space<vmem>>)
      %dma_wait3A_1131 = arith.constant 3 : i32
      %dma_wait3A_1132 = arith.constant 0 : i32
      %dma_wait3A_1133 = arith.constant 0 : i32
      %dma_wait3A_1134 = tpu.memref_slice %arg8[%dma_wait3A_1131, %dma_wait3A_1132, %dma_wait3A_1133] : memref<5x128x64xf32, #tpu.memory_space<vmem>> -> memref<1x128x64xf32, #tpu.memory_space<vmem>>
      %dma_wait3A_1135 = tpu.memref_squeeze %dma_wait3A_1134 : memref<1x128x64xf32, #tpu.memory_space<vmem>> -> memref<128x64xf32, #tpu.memory_space<vmem>>
      %dma_wait3A_1136 = arith.constant 0 : i32
      %dma_wait3A_1137 = tpu.memref_slice %arg6[%add3A_1119, %dma_wait3A_1136] : memref<50x128xi32, #tpu.memory_space<vmem>> -> memref<1x128xi32, #tpu.memory_space<vmem>>
      %dma_wait3A_1138 = tpu.memref_squeeze %dma_wait3A_1137 : memref<1x128xi32, #tpu.memory_space<vmem>> -> memref<128xi32, #tpu.memory_space<vmem>>
      %dma_wait3A_1139 = arith.constant 0 : i32
      %dma_wait3A_1140 = arith.constant 0 : i32
      %dma_wait3A_1141 = tpu.memref_slice %arg3[%dma_wait3A_1139, %dma_wait3A_1140] : memref<1000000x64xf32, #tpu.memory_space<hbm>> -> memref<1000000x64xf32, #tpu.memory_space<hbm>>
      tpu.wait_indirect_dma semaphore(%arg18 : memref<!tpu.dma_semaphore, #tpu.memory_space<semaphore_mem>>) src(%dma_wait3A_1141 : memref<1000000x64xf32, #tpu.memory_space<hbm>>) dst(%dma_wait3A_1135 : memref<128x64xf32, #tpu.memory_space<vmem>>)
      %sub3A_1142 = arith.constant 5 : i32
      %sub3A_1143 = arith.subi %add3A_1119, %sub3A_1142 : i32
      %mul3A_1144 = arith.constant 128 : i32
      %mul3A_1145 = arith.muli %sub3A_1143, %mul3A_1144 : i32
      %add3A_1146 = arith.addi %mul3A_2, %mul3A_1145 : i32
      %dma_wait3A_1147 = arith.constant 3 : i32
      %dma_wait3A_1148 = arith.constant 0 : i32
      %dma_wait3A_1149 = arith.constant 0 : i32
      %dma_wait3A_1150 = tpu.memref_slice %arg9[%dma_wait3A_1147, %dma_wait3A_1148, %dma_wait3A_1149] : memref<5x128x64xf32, #tpu.memory_space<vmem>> -> memref<1x128x64xf32, #tpu.memory_space<vmem>>
      %dma_wait3A_1151 = tpu.memref_squeeze %dma_wait3A_1150 : memref<1x128x64xf32, #tpu.memory_space<vmem>> -> memref<128x64xf32, #tpu.memory_space<vmem>>
      %dma_wait3A_1152 = arith.constant 0 : i32
      %dma_wait3A_1153 = tpu.memref_slice %arg5[%add3A_1146, %dma_wait3A_1152] : memref<204800x64xf32, #tpu.memory_space<hbm>> -> memref<128x64xf32, #tpu.memory_space<hbm>>
      %dma_wait3A_1154 = arith.constant 0 : i32
      %dma_wait3A_1155 = tpu.memref_slice %arg5[%add3A_1146, %dma_wait3A_1154] : memref<204800x64xf32, #tpu.memory_space<hbm>> -> memref<128x64xf32, #tpu.memory_space<hbm>>
      %dma_wait3A_1156 = arith.constant 0 : i32
      %dma_wait3A_1157 = arith.constant 0 : i32
      %dma_wait3A_1158 = tpu.memref_slice %arg9[%dma_wait3A_1147, %dma_wait3A_1156, %dma_wait3A_1157] : memref<5x128x64xf32, #tpu.memory_space<vmem>> -> memref<1x128x64xf32, #tpu.memory_space<vmem>>
      %dma_wait3A_1159 = tpu.memref_squeeze %dma_wait3A_1158 : memref<1x128x64xf32, #tpu.memory_space<vmem>> -> memref<128x64xf32, #tpu.memory_space<vmem>>
      tpu.wait_dma2 semaphore(%arg23 : memref<!tpu.dma_semaphore, #tpu.memory_space<semaphore_mem>>) src(%dma_wait3A_1159 : memref<128x64xf32, #tpu.memory_space<vmem>>) dst(%dma_wait3A_1155 : memref<128x64xf32, #tpu.memory_space<hbm>>)
      %scan3A_1160 = arith.constant 0 : i32
      %scan3A_1161 = arith.constant 0 : i32
      %scan3A_1162 = arith.constant 128 : i32
      %scan3A_1163 = arith.addi %scan3A_1161, %scan3A_1162 : i32
      %scan3A_1164 = arith.constant 1 : i32
      scf.for %scan3A_1296 = %scan3A_1161 to %scan3A_1163 step %scan3A_1164  : i32 {
        %get3A = arith.constant 3 : i32
        %get3A_1297 = arith.index_cast %get3A : i32 to index
        %get3A_1298 = arith.index_cast %scan3A_1296 : i32 to index
        %get3A_1299 = arith.constant 0 : index
        %get3A_1300 = tpu.vector_load %arg7[%get3A_1297, %get3A_1298, %get3A_1299] {strides = array<i32>} : memref<5x128x64xf32, #tpu.memory_space<vmem>>, vector<16xf32>,
        %get3A_1301 = arith.constant 3 : i32
        %get3A_1302 = arith.index_cast %get3A_1301 : i32 to index
        %get3A_1303 = arith.index_cast %scan3A_1296 : i32 to index
        %get3A_1304 = arith.constant 0 : index
        %get3A_1305 = tpu.vector_load %arg8[%get3A_1302, %get3A_1303, %get3A_1304] {strides = array<i32>} : memref<5x128x64xf32, #tpu.memory_space<vmem>>, vector<16xf32>,
        %add3A_1306 = arith.addf %get3A_1300, %get3A_1305 : vector<16xf32>
        %swap3A = arith.constant 3 : i32
        %swap3A_1307 = arith.index_cast %swap3A : i32 to index
        %swap3A_1308 = arith.index_cast %scan3A_1296 : i32 to index
        %swap3A_1309 = arith.constant 0 : index
        %swap3A_1310 = tpu.vector_load %arg9[%swap3A_1307, %swap3A_1308, %swap3A_1309] {strides = array<i32>} : memref<5x128x64xf32, #tpu.memory_space<vmem>>, vector<16xf32>,
        tpu.vector_store %arg9[%swap3A_1307, %swap3A_1308, %swap3A_1309], %add3A_1306 {strides = array<i32>} : memref<5x128x64xf32, #tpu.memory_space<vmem>>, vector<16xf32>,
        %get3A_1311 = arith.constant 3 : i32
        %get3A_1312 = arith.index_cast %get3A_1311 : i32 to index
        %get3A_1313 = arith.index_cast %scan3A_1296 : i32 to index
        %get3A_1314 = arith.constant 16 : index
        %get3A_1315 = tpu.vector_load %arg7[%get3A_1312, %get3A_1313, %get3A_1314] {strides = array<i32>} : memref<5x128x64xf32, #tpu.memory_space<vmem>>, vector<16xf32>,
        %get3A_1316 = arith.constant 3 : i32
        %get3A_1317 = arith.index_cast %get3A_1316 : i32 to index
        %get3A_1318 = arith.index_cast %scan3A_1296 : i32 to index
        %get3A_1319 = arith.constant 16 : index
        %get3A_1320 = tpu.vector_load %arg8[%get3A_1317, %get3A_1318, %get3A_1319] {strides = array<i32>} : memref<5x128x64xf32, #tpu.memory_space<vmem>>, vector<16xf32>,
        %add3A_1321 = arith.addf %get3A_1315, %get3A_1320 : vector<16xf32>
        %swap3A_1322 = arith.constant 3 : i32
        %swap3A_1323 = arith.index_cast %swap3A_1322 : i32 to index
        %swap3A_1324 = arith.index_cast %scan3A_1296 : i32 to index
        %swap3A_1325 = arith.constant 16 : index
        %swap3A_1326 = tpu.vector_load %arg9[%swap3A_1323, %swap3A_1324, %swap3A_1325] {strides = array<i32>} : memref<5x128x64xf32, #tpu.memory_space<vmem>>, vector<16xf32>,
        tpu.vector_store %arg9[%swap3A_1323, %swap3A_1324, %swap3A_1325], %add3A_1321 {strides = array<i32>} : memref<5x128x64xf32, #tpu.memory_space<vmem>>, vector<16xf32>,
        %get3A_1327 = arith.constant 3 : i32
        %get3A_1328 = arith.index_cast %get3A_1327 : i32 to index
        %get3A_1329 = arith.index_cast %scan3A_1296 : i32 to index
        %get3A_1330 = arith.constant 32 : index
        %get3A_1331 = tpu.vector_load %arg7[%get3A_1328, %get3A_1329, %get3A_1330] {strides = array<i32>} : memref<5x128x64xf32, #tpu.memory_space<vmem>>, vector<16xf32>,
        %get3A_1332 = arith.constant 3 : i32
        %get3A_1333 = arith.index_cast %get3A_1332 : i32 to index
        %get3A_1334 = arith.index_cast %scan3A_1296 : i32 to index
        %get3A_1335 = arith.constant 32 : index
        %get3A_1336 = tpu.vector_load %arg8[%get3A_1333, %get3A_1334, %get3A_1335] {strides = array<i32>} : memref<5x128x64xf32, #tpu.memory_space<vmem>>, vector<16xf32>,
        %add3A_1337 = arith.addf %get3A_1331, %get3A_1336 : vector<16xf32>
        %swap3A_1338 = arith.constant 3 : i32
        %swap3A_1339 = arith.index_cast %swap3A_1338 : i32 to index
        %swap3A_1340 = arith.index_cast %scan3A_1296 : i32 to index
        %swap3A_1341 = arith.constant 32 : index
        %swap3A_1342 = tpu.vector_load %arg9[%swap3A_1339, %swap3A_1340, %swap3A_1341] {strides = array<i32>} : memref<5x128x64xf32, #tpu.memory_space<vmem>>, vector<16xf32>,
        tpu.vector_store %arg9[%swap3A_1339, %swap3A_1340, %swap3A_1341], %add3A_1337 {strides = array<i32>} : memref<5x128x64xf32, #tpu.memory_space<vmem>>, vector<16xf32>,
        %get3A_1343 = arith.constant 3 : i32
        %get3A_1344 = arith.index_cast %get3A_1343 : i32 to index
        %get3A_1345 = arith.index_cast %scan3A_1296 : i32 to index
        %get3A_1346 = arith.constant 48 : index
        %get3A_1347 = tpu.vector_load %arg7[%get3A_1344, %get3A_1345, %get3A_1346] {strides = array<i32>} : memref<5x128x64xf32, #tpu.memory_space<vmem>>, vector<16xf32>,
        %get3A_1348 = arith.constant 3 : i32
        %get3A_1349 = arith.index_cast %get3A_1348 : i32 to index
        %get3A_1350 = arith.index_cast %scan3A_1296 : i32 to index
        %get3A_1351 = arith.constant 48 : index
        %get3A_1352 = tpu.vector_load %arg8[%get3A_1349, %get3A_1350, %get3A_1351] {strides = array<i32>} : memref<5x128x64xf32, #tpu.memory_space<vmem>>, vector<16xf32>,
        %add3A_1353 = arith.addf %get3A_1347, %get3A_1352 : vector<16xf32>
        %swap3A_1354 = arith.constant 3 : i32
        %swap3A_1355 = arith.index_cast %swap3A_1354 : i32 to index
        %swap3A_1356 = arith.index_cast %scan3A_1296 : i32 to index
        %swap3A_1357 = arith.constant 48 : index
        %swap3A_1358 = tpu.vector_load %arg9[%swap3A_1355, %swap3A_1356, %swap3A_1357] {strides = array<i32>} : memref<5x128x64xf32, #tpu.memory_space<vmem>>, vector<16xf32>,
        tpu.vector_store %arg9[%swap3A_1355, %swap3A_1356, %swap3A_1357], %add3A_1353 {strides = array<i32>} : memref<5x128x64xf32, #tpu.memory_space<vmem>>, vector<16xf32>,
      }
      %scan3A_1165 = arith.constant 128 : i32
      %mul3A_1166 = arith.constant 128 : i32
      %mul3A_1167 = arith.muli %add3A_1119, %mul3A_1166 : i32
      %add3A_1168 = arith.addi %mul3A_2, %mul3A_1167 : i32
      %dma_start3A_1169 = arith.constant 3 : i32
      %dma_start3A_1170 = arith.constant 0 : i32
      %dma_start3A_1171 = arith.constant 0 : i32
      %dma_start3A_1172 = tpu.memref_slice %arg9[%dma_start3A_1169, %dma_start3A_1170, %dma_start3A_1171] : memref<5x128x64xf32, #tpu.memory_space<vmem>> -> memref<1x128x64xf32, #tpu.memory_space<vmem>>
      %dma_start3A_1173 = tpu.memref_squeeze %dma_start3A_1172 : memref<1x128x64xf32, #tpu.memory_space<vmem>> -> memref<128x64xf32, #tpu.memory_space<vmem>>
      %dma_start3A_1174 = arith.constant 0 : i32
      %dma_start3A_1175 = tpu.memref_slice %arg5[%add3A_1168, %dma_start3A_1174] : memref<204800x64xf32, #tpu.memory_space<hbm>> -> memref<128x64xf32, #tpu.memory_space<hbm>>
      %dma_start3A_1176 = arith.constant 0 : i32
      %dma_start3A_1177 = tpu.memref_slice %arg5[%add3A_1168, %dma_start3A_1176] : memref<204800x64xf32, #tpu.memory_space<hbm>> -> memref<128x64xf32, #tpu.memory_space<hbm>>
      %dma_start3A_1178 = arith.constant 0 : i32
      %dma_start3A_1179 = arith.constant 0 : i32
      %dma_start3A_1180 = tpu.memref_slice %arg9[%dma_start3A_1169, %dma_start3A_1178, %dma_start3A_1179] : memref<5x128x64xf32, #tpu.memory_space<vmem>> -> memref<1x128x64xf32, #tpu.memory_space<vmem>>
      %dma_start3A_1181 = tpu.memref_squeeze %dma_start3A_1180 : memref<1x128x64xf32, #tpu.memory_space<vmem>> -> memref<128x64xf32, #tpu.memory_space<vmem>>
      tpu.enqueue_dma source(%dma_start3A_1181 : memref<128x64xf32, #tpu.memory_space<vmem>>) target(%dma_start3A_1177 : memref<128x64xf32, #tpu.memory_space<hbm>>) target_semaphore(%arg23 : memref<!tpu.dma_semaphore, #tpu.memory_space<semaphore_mem>>)
      %add3A_1182 = arith.constant 5 : i32
      %add3A_1183 = arith.addi %add3A_1119, %add3A_1182 : i32
      %dma_start3A_1184 = arith.constant 3 : i32
      %dma_start3A_1185 = arith.constant 0 : i32
      %dma_start3A_1186 = arith.constant 0 : i32
      %dma_start3A_1187 = tpu.memref_slice %arg7[%dma_start3A_1184, %dma_start3A_1185, %dma_start3A_1186] : memref<5x128x64xf32, #tpu.memory_space<vmem>> -> memref<1x128x64xf32, #tpu.memory_space<vmem>>
      %dma_start3A_1188 = tpu.memref_squeeze %dma_start3A_1187 : memref<1x128x64xf32, #tpu.memory_space<vmem>> -> memref<128x64xf32, #tpu.memory_space<vmem>>
      %dma_start3A_1189 = arith.constant 0 : i32
      %dma_start3A_1190 = tpu.memref_slice %arg6[%add3A_1183, %dma_start3A_1189] : memref<50x128xi32, #tpu.memory_space<vmem>> -> memref<1x128xi32, #tpu.memory_space<vmem>>
      %dma_start3A_1191 = tpu.memref_squeeze %dma_start3A_1190 : memref<1x128xi32, #tpu.memory_space<vmem>> -> memref<128xi32, #tpu.memory_space<vmem>>
      %dma_start3A_1192 = arith.constant 0 : i32
      %dma_start3A_1193 = arith.constant 0 : i32
      %dma_start3A_1194 = tpu.memref_slice %arg2[%dma_start3A_1192, %dma_start3A_1193] : memref<1000000x64xf32, #tpu.memory_space<hbm>> -> memref<1000000x64xf32, #tpu.memory_space<hbm>>
      tpu.enqueue_indirect_dma source(%dma_start3A_1194 : memref<1000000x64xf32, #tpu.memory_space<hbm>>) target(%dma_start3A_1188 : memref<128x64xf32, #tpu.memory_space<vmem>>) offsets(%dma_start3A_1191 : memref<128xi32, #tpu.memory_space<vmem>>) semaphore(%arg13 : memref<!tpu.dma_semaphore, #tpu.memory_space<semaphore_mem>>)
      %dma_start3A_1195 = arith.constant 3 : i32
      %dma_start3A_1196 = arith.constant 0 : i32
      %dma_start3A_1197 = arith.constant 0 : i32
      %dma_start3A_1198 = tpu.memref_slice %arg8[%dma_start3A_1195, %dma_start3A_1196, %dma_start3A_1197] : memref<5x128x64xf32, #tpu.memory_space<vmem>> -> memref<1x128x64xf32, #tpu.memory_space<vmem>>
      %dma_start3A_1199 = tpu.memref_squeeze %dma_start3A_1198 : memref<1x128x64xf32, #tpu.memory_space<vmem>> -> memref<128x64xf32, #tpu.memory_space<vmem>>
      %dma_start3A_1200 = arith.constant 0 : i32
      %dma_start3A_1201 = tpu.memref_slice %arg6[%add3A_1183, %dma_start3A_1200] : memref<50x128xi32, #tpu.memory_space<vmem>> -> memref<1x128xi32, #tpu.memory_space<vmem>>
      %dma_start3A_1202 = tpu.memref_squeeze %dma_start3A_1201 : memref<1x128xi32, #tpu.memory_space<vmem>> -> memref<128xi32, #tpu.memory_space<vmem>>
      %dma_start3A_1203 = arith.constant 0 : i32
      %dma_start3A_1204 = arith.constant 0 : i32
      %dma_start3A_1205 = tpu.memref_slice %arg3[%dma_start3A_1203, %dma_start3A_1204] : memref<1000000x64xf32, #tpu.memory_space<hbm>> -> memref<1000000x64xf32, #tpu.memory_space<hbm>>
      tpu.enqueue_indirect_dma source(%dma_start3A_1205 : memref<1000000x64xf32, #tpu.memory_space<hbm>>) target(%dma_start3A_1199 : memref<128x64xf32, #tpu.memory_space<vmem>>) offsets(%dma_start3A_1202 : memref<128xi32, #tpu.memory_space<vmem>>) semaphore(%arg18 : memref<!tpu.dma_semaphore, #tpu.memory_space<semaphore_mem>>)
      %mul3A_1206 = arith.constant 5 : i32
      %mul3A_1207 = arith.muli %scan3A_846, %mul3A_1206 : i32
      %add3A_1208 = arith.constant 4 : i32
      %add3A_1209 = arith.addi %mul3A_1207, %add3A_1208 : i32
      %dma_wait3A_1210 = arith.constant 4 : i32
      %dma_wait3A_1211 = arith.constant 0 : i32
      %dma_wait3A_1212 = arith.constant 0 : i32
      %dma_wait3A_1213 = tpu.memref_slice %arg7[%dma_wait3A_1210, %dma_wait3A_1211, %dma_wait3A_1212] : memref<5x128x64xf32, #tpu.memory_space<vmem>> -> memref<1x128x64xf32, #tpu.memory_space<vmem>>
      %dma_wait3A_1214 = tpu.memref_squeeze %dma_wait3A_1213 : memref<1x128x64xf32, #tpu.memory_space<vmem>> -> memref<128x64xf32, #tpu.memory_space<vmem>>
      %dma_wait3A_1215 = arith.constant 0 : i32
      %dma_wait3A_1216 = tpu.memref_slice %arg6[%add3A_1209, %dma_wait3A_1215] : memref<50x128xi32, #tpu.memory_space<vmem>> -> memref<1x128xi32, #tpu.memory_space<vmem>>
      %dma_wait3A_1217 = tpu.memref_squeeze %dma_wait3A_1216 : memref<1x128xi32, #tpu.memory_space<vmem>> -> memref<128xi32, #tpu.memory_space<vmem>>
      %dma_wait3A_1218 = arith.constant 0 : i32
      %dma_wait3A_1219 = arith.constant 0 : i32
      %dma_wait3A_1220 = tpu.memref_slice %arg2[%dma_wait3A_1218, %dma_wait3A_1219] : memref<1000000x64xf32, #tpu.memory_space<hbm>> -> memref<1000000x64xf32, #tpu.memory_space<hbm>>
      tpu.wait_indirect_dma semaphore(%arg14 : memref<!tpu.dma_semaphore, #tpu.memory_space<semaphore_mem>>) src(%dma_wait3A_1220 : memref<1000000x64xf32, #tpu.memory_space<hbm>>) dst(%dma_wait3A_1214 : memref<128x64xf32, #tpu.memory_space<vmem>>)
      %dma_wait3A_1221 = arith.constant 4 : i32
      %dma_wait3A_1222 = arith.constant 0 : i32
      %dma_wait3A_1223 = arith.constant 0 : i32
      %dma_wait3A_1224 = tpu.memref_slice %arg8[%dma_wait3A_1221, %dma_wait3A_1222, %dma_wait3A_1223] : memref<5x128x64xf32, #tpu.memory_space<vmem>> -> memref<1x128x64xf32, #tpu.memory_space<vmem>>
      %dma_wait3A_1225 = tpu.memref_squeeze %dma_wait3A_1224 : memref<1x128x64xf32, #tpu.memory_space<vmem>> -> memref<128x64xf32, #tpu.memory_space<vmem>>
      %dma_wait3A_1226 = arith.constant 0 : i32
      %dma_wait3A_1227 = tpu.memref_slice %arg6[%add3A_1209, %dma_wait3A_1226] : memref<50x128xi32, #tpu.memory_space<vmem>> -> memref<1x128xi32, #tpu.memory_space<vmem>>
      %dma_wait3A_1228 = tpu.memref_squeeze %dma_wait3A_1227 : memref<1x128xi32, #tpu.memory_space<vmem>> -> memref<128xi32, #tpu.memory_space<vmem>>
      %dma_wait3A_1229 = arith.constant 0 : i32
      %dma_wait3A_1230 = arith.constant 0 : i32
      %dma_wait3A_1231 = tpu.memref_slice %arg3[%dma_wait3A_1229, %dma_wait3A_1230] : memref<1000000x64xf32, #tpu.memory_space<hbm>> -> memref<1000000x64xf32, #tpu.memory_space<hbm>>
      tpu.wait_indirect_dma semaphore(%arg19 : memref<!tpu.dma_semaphore, #tpu.memory_space<semaphore_mem>>) src(%dma_wait3A_1231 : memref<1000000x64xf32, #tpu.memory_space<hbm>>) dst(%dma_wait3A_1225 : memref<128x64xf32, #tpu.memory_space<vmem>>)
      %sub3A_1232 = arith.constant 5 : i32
      %sub3A_1233 = arith.subi %add3A_1209, %sub3A_1232 : i32
      %mul3A_1234 = arith.constant 128 : i32
      %mul3A_1235 = arith.muli %sub3A_1233, %mul3A_1234 : i32
      %add3A_1236 = arith.addi %mul3A_2, %mul3A_1235 : i32
      %dma_wait3A_1237 = arith.constant 4 : i32
      %dma_wait3A_1238 = arith.constant 0 : i32
      %dma_wait3A_1239 = arith.constant 0 : i32
      %dma_wait3A_1240 = tpu.memref_slice %arg9[%dma_wait3A_1237, %dma_wait3A_1238, %dma_wait3A_1239] : memref<5x128x64xf32, #tpu.memory_space<vmem>> -> memref<1x128x64xf32, #tpu.memory_space<vmem>>
      %dma_wait3A_1241 = tpu.memref_squeeze %dma_wait3A_1240 : memref<1x128x64xf32, #tpu.memory_space<vmem>> -> memref<128x64xf32, #tpu.memory_space<vmem>>
      %dma_wait3A_1242 = arith.constant 0 : i32
      %dma_wait3A_1243 = tpu.memref_slice %arg5[%add3A_1236, %dma_wait3A_1242] : memref<204800x64xf32, #tpu.memory_space<hbm>> -> memref<128x64xf32, #tpu.memory_space<hbm>>
      %dma_wait3A_1244 = arith.constant 0 : i32
      %dma_wait3A_1245 = tpu.memref_slice %arg5[%add3A_1236, %dma_wait3A_1244] : memref<204800x64xf32, #tpu.memory_space<hbm>> -> memref<128x64xf32, #tpu.memory_space<hbm>>
      %dma_wait3A_1246 = arith.constant 0 : i32
      %dma_wait3A_1247 = arith.constant 0 : i32
      %dma_wait3A_1248 = tpu.memref_slice %arg9[%dma_wait3A_1237, %dma_wait3A_1246, %dma_wait3A_1247] : memref<5x128x64xf32, #tpu.memory_space<vmem>> -> memref<1x128x64xf32, #tpu.memory_space<vmem>>
      %dma_wait3A_1249 = tpu.memref_squeeze %dma_wait3A_1248 : memref<1x128x64xf32, #tpu.memory_space<vmem>> -> memref<128x64xf32, #tpu.memory_space<vmem>>
      tpu.wait_dma2 semaphore(%arg24 : memref<!tpu.dma_semaphore, #tpu.memory_space<semaphore_mem>>) src(%dma_wait3A_1249 : memref<128x64xf32, #tpu.memory_space<vmem>>) dst(%dma_wait3A_1245 : memref<128x64xf32, #tpu.memory_space<hbm>>)
      %scan3A_1250 = arith.constant 0 : i32
      %scan3A_1251 = arith.constant 0 : i32
      %scan3A_1252 = arith.constant 128 : i32
      %scan3A_1253 = arith.addi %scan3A_1251, %scan3A_1252 : i32
      %scan3A_1254 = arith.constant 1 : i32
      scf.for %scan3A_1296 = %scan3A_1251 to %scan3A_1253 step %scan3A_1254  : i32 {
        %get3A = arith.constant 4 : i32
        %get3A_1297 = arith.index_cast %get3A : i32 to index
        %get3A_1298 = arith.index_cast %scan3A_1296 : i32 to index
        %get3A_1299 = arith.constant 0 : index
        %get3A_1300 = tpu.vector_load %arg7[%get3A_1297, %get3A_1298, %get3A_1299] {strides = array<i32>} : memref<5x128x64xf32, #tpu.memory_space<vmem>>, vector<16xf32>,
        %get3A_1301 = arith.constant 4 : i32
        %get3A_1302 = arith.index_cast %get3A_1301 : i32 to index
        %get3A_1303 = arith.index_cast %scan3A_1296 : i32 to index
        %get3A_1304 = arith.constant 0 : index
        %get3A_1305 = tpu.vector_load %arg8[%get3A_1302, %get3A_1303, %get3A_1304] {strides = array<i32>} : memref<5x128x64xf32, #tpu.memory_space<vmem>>, vector<16xf32>,
        %add3A_1306 = arith.addf %get3A_1300, %get3A_1305 : vector<16xf32>
        %swap3A = arith.constant 4 : i32
        %swap3A_1307 = arith.index_cast %swap3A : i32 to index
        %swap3A_1308 = arith.index_cast %scan3A_1296 : i32 to index
        %swap3A_1309 = arith.constant 0 : index
        %swap3A_1310 = tpu.vector_load %arg9[%swap3A_1307, %swap3A_1308, %swap3A_1309] {strides = array<i32>} : memref<5x128x64xf32, #tpu.memory_space<vmem>>, vector<16xf32>,
        tpu.vector_store %arg9[%swap3A_1307, %swap3A_1308, %swap3A_1309], %add3A_1306 {strides = array<i32>} : memref<5x128x64xf32, #tpu.memory_space<vmem>>, vector<16xf32>,
        %get3A_1311 = arith.constant 4 : i32
        %get3A_1312 = arith.index_cast %get3A_1311 : i32 to index
        %get3A_1313 = arith.index_cast %scan3A_1296 : i32 to index
        %get3A_1314 = arith.constant 16 : index
        %get3A_1315 = tpu.vector_load %arg7[%get3A_1312, %get3A_1313, %get3A_1314] {strides = array<i32>} : memref<5x128x64xf32, #tpu.memory_space<vmem>>, vector<16xf32>,
        %get3A_1316 = arith.constant 4 : i32
        %get3A_1317 = arith.index_cast %get3A_1316 : i32 to index
        %get3A_1318 = arith.index_cast %scan3A_1296 : i32 to index
        %get3A_1319 = arith.constant 16 : index
        %get3A_1320 = tpu.vector_load %arg8[%get3A_1317, %get3A_1318, %get3A_1319] {strides = array<i32>} : memref<5x128x64xf32, #tpu.memory_space<vmem>>, vector<16xf32>,
        %add3A_1321 = arith.addf %get3A_1315, %get3A_1320 : vector<16xf32>
        %swap3A_1322 = arith.constant 4 : i32
        %swap3A_1323 = arith.index_cast %swap3A_1322 : i32 to index
        %swap3A_1324 = arith.index_cast %scan3A_1296 : i32 to index
        %swap3A_1325 = arith.constant 16 : index
        %swap3A_1326 = tpu.vector_load %arg9[%swap3A_1323, %swap3A_1324, %swap3A_1325] {strides = array<i32>} : memref<5x128x64xf32, #tpu.memory_space<vmem>>, vector<16xf32>,
        tpu.vector_store %arg9[%swap3A_1323, %swap3A_1324, %swap3A_1325], %add3A_1321 {strides = array<i32>} : memref<5x128x64xf32, #tpu.memory_space<vmem>>, vector<16xf32>,
        %get3A_1327 = arith.constant 4 : i32
        %get3A_1328 = arith.index_cast %get3A_1327 : i32 to index
        %get3A_1329 = arith.index_cast %scan3A_1296 : i32 to index
        %get3A_1330 = arith.constant 32 : index
        %get3A_1331 = tpu.vector_load %arg7[%get3A_1328, %get3A_1329, %get3A_1330] {strides = array<i32>} : memref<5x128x64xf32, #tpu.memory_space<vmem>>, vector<16xf32>,
        %get3A_1332 = arith.constant 4 : i32
        %get3A_1333 = arith.index_cast %get3A_1332 : i32 to index
        %get3A_1334 = arith.index_cast %scan3A_1296 : i32 to index
        %get3A_1335 = arith.constant 32 : index
        %get3A_1336 = tpu.vector_load %arg8[%get3A_1333, %get3A_1334, %get3A_1335] {strides = array<i32>} : memref<5x128x64xf32, #tpu.memory_space<vmem>>, vector<16xf32>,
        %add3A_1337 = arith.addf %get3A_1331, %get3A_1336 : vector<16xf32>
        %swap3A_1338 = arith.constant 4 : i32
        %swap3A_1339 = arith.index_cast %swap3A_1338 : i32 to index
        %swap3A_1340 = arith.index_cast %scan3A_1296 : i32 to index
        %swap3A_1341 = arith.constant 32 : index
        %swap3A_1342 = tpu.vector_load %arg9[%swap3A_1339, %swap3A_1340, %swap3A_1341] {strides = array<i32>} : memref<5x128x64xf32, #tpu.memory_space<vmem>>, vector<16xf32>,
        tpu.vector_store %arg9[%swap3A_1339, %swap3A_1340, %swap3A_1341], %add3A_1337 {strides = array<i32>} : memref<5x128x64xf32, #tpu.memory_space<vmem>>, vector<16xf32>,
        %get3A_1343 = arith.constant 4 : i32
        %get3A_1344 = arith.index_cast %get3A_1343 : i32 to index
        %get3A_1345 = arith.index_cast %scan3A_1296 : i32 to index
        %get3A_1346 = arith.constant 48 : index
        %get3A_1347 = tpu.vector_load %arg7[%get3A_1344, %get3A_1345, %get3A_1346] {strides = array<i32>} : memref<5x128x64xf32, #tpu.memory_space<vmem>>, vector<16xf32>,
        %get3A_1348 = arith.constant 4 : i32
        %get3A_1349 = arith.index_cast %get3A_1348 : i32 to index
        %get3A_1350 = arith.index_cast %scan3A_1296 : i32 to index
        %get3A_1351 = arith.constant 48 : index
        %get3A_1352 = tpu.vector_load %arg8[%get3A_1349, %get3A_1350, %get3A_1351] {strides = array<i32>} : memref<5x128x64xf32, #tpu.memory_space<vmem>>, vector<16xf32>,
        %add3A_1353 = arith.addf %get3A_1347, %get3A_1352 : vector<16xf32>
        %swap3A_1354 = arith.constant 4 : i32
        %swap3A_1355 = arith.index_cast %swap3A_1354 : i32 to index
        %swap3A_1356 = arith.index_cast %scan3A_1296 : i32 to index
        %swap3A_1357 = arith.constant 48 : index
        %swap3A_1358 = tpu.vector_load %arg9[%swap3A_1355, %swap3A_1356, %swap3A_1357] {strides = array<i32>} : memref<5x128x64xf32, #tpu.memory_space<vmem>>, vector<16xf32>,
        tpu.vector_store %arg9[%swap3A_1355, %swap3A_1356, %swap3A_1357], %add3A_1353 {strides = array<i32>} : memref<5x128x64xf32, #tpu.memory_space<vmem>>, vector<16xf32>,
      }
      %scan3A_1255 = arith.constant 128 : i32
      %mul3A_1256 = arith.constant 128 : i32
      %mul3A_1257 = arith.muli %add3A_1209, %mul3A_1256 : i32
      %add3A_1258 = arith.addi %mul3A_2, %mul3A_1257 : i32
      %dma_start3A_1259 = arith.constant 4 : i32
      %dma_start3A_1260 = arith.constant 0 : i32
      %dma_start3A_1261 = arith.constant 0 : i32
      %dma_start3A_1262 = tpu.memref_slice %arg9[%dma_start3A_1259, %dma_start3A_1260, %dma_start3A_1261] : memref<5x128x64xf32, #tpu.memory_space<vmem>> -> memref<1x128x64xf32, #tpu.memory_space<vmem>>
      %dma_start3A_1263 = tpu.memref_squeeze %dma_start3A_1262 : memref<1x128x64xf32, #tpu.memory_space<vmem>> -> memref<128x64xf32, #tpu.memory_space<vmem>>
      %dma_start3A_1264 = arith.constant 0 : i32
      %dma_start3A_1265 = tpu.memref_slice %arg5[%add3A_1258, %dma_start3A_1264] : memref<204800x64xf32, #tpu.memory_space<hbm>> -> memref<128x64xf32, #tpu.memory_space<hbm>>
      %dma_start3A_1266 = arith.constant 0 : i32
      %dma_start3A_1267 = tpu.memref_slice %arg5[%add3A_1258, %dma_start3A_1266] : memref<204800x64xf32, #tpu.memory_space<hbm>> -> memref<128x64xf32, #tpu.memory_space<hbm>>
      %dma_start3A_1268 = arith.constant 0 : i32
      %dma_start3A_1269 = arith.constant 0 : i32
      %dma_start3A_1270 = tpu.memref_slice %arg9[%dma_start3A_1259, %dma_start3A_1268, %dma_start3A_1269] : memref<5x128x64xf32, #tpu.memory_space<vmem>> -> memref<1x128x64xf32, #tpu.memory_space<vmem>>
      %dma_start3A_1271 = tpu.memref_squeeze %dma_start3A_1270 : memref<1x128x64xf32, #tpu.memory_space<vmem>> -> memref<128x64xf32, #tpu.memory_space<vmem>>
      tpu.enqueue_dma source(%dma_start3A_1271 : memref<128x64xf32, #tpu.memory_space<vmem>>) target(%dma_start3A_1267 : memref<128x64xf32, #tpu.memory_space<hbm>>) target_semaphore(%arg24 : memref<!tpu.dma_semaphore, #tpu.memory_space<semaphore_mem>>)
      %add3A_1272 = arith.constant 5 : i32
      %add3A_1273 = arith.addi %add3A_1209, %add3A_1272 : i32
      %dma_start3A_1274 = arith.constant 4 : i32
      %dma_start3A_1275 = arith.constant 0 : i32
      %dma_start3A_1276 = arith.constant 0 : i32
      %dma_start3A_1277 = tpu.memref_slice %arg7[%dma_start3A_1274, %dma_start3A_1275, %dma_start3A_1276] : memref<5x128x64xf32, #tpu.memory_space<vmem>> -> memref<1x128x64xf32, #tpu.memory_space<vmem>>
      %dma_start3A_1278 = tpu.memref_squeeze %dma_start3A_1277 : memref<1x128x64xf32, #tpu.memory_space<vmem>> -> memref<128x64xf32, #tpu.memory_space<vmem>>
      %dma_start3A_1279 = arith.constant 0 : i32
      %dma_start3A_1280 = tpu.memref_slice %arg6[%add3A_1273, %dma_start3A_1279] : memref<50x128xi32, #tpu.memory_space<vmem>> -> memref<1x128xi32, #tpu.memory_space<vmem>>
      %dma_start3A_1281 = tpu.memref_squeeze %dma_start3A_1280 : memref<1x128xi32, #tpu.memory_space<vmem>> -> memref<128xi32, #tpu.memory_space<vmem>>
      %dma_start3A_1282 = arith.constant 0 : i32
      %dma_start3A_1283 = arith.constant 0 : i32
      %dma_start3A_1284 = tpu.memref_slice %arg2[%dma_start3A_1282, %dma_start3A_1283] : memref<1000000x64xf32, #tpu.memory_space<hbm>> -> memref<1000000x64xf32, #tpu.memory_space<hbm>>
      tpu.enqueue_indirect_dma source(%dma_start3A_1284 : memref<1000000x64xf32, #tpu.memory_space<hbm>>) target(%dma_start3A_1278 : memref<128x64xf32, #tpu.memory_space<vmem>>) offsets(%dma_start3A_1281 : memref<128xi32, #tpu.memory_space<vmem>>) semaphore(%arg14 : memref<!tpu.dma_semaphore, #tpu.memory_space<semaphore_mem>>)
      %dma_start3A_1285 = arith.constant 4 : i32
      %dma_start3A_1286 = arith.constant 0 : i32
      %dma_start3A_1287 = arith.constant 0 : i32
      %dma_start3A_1288 = tpu.memref_slice %arg8[%dma_start3A_1285, %dma_start3A_1286, %dma_start3A_1287] : memref<5x128x64xf32, #tpu.memory_space<vmem>> -> memref<1x128x64xf32, #tpu.memory_space<vmem>>
      %dma_start3A_1289 = tpu.memref_squeeze %dma_start3A_1288 : memref<1x128x64xf32, #tpu.memory_space<vmem>> -> memref<128x64xf32, #tpu.memory_space<vmem>>
      %dma_start3A_1290 = arith.constant 0 : i32
      %dma_start3A_1291 = tpu.memref_slice %arg6[%add3A_1273, %dma_start3A_1290] : memref<50x128xi32, #tpu.memory_space<vmem>> -> memref<1x128xi32, #tpu.memory_space<vmem>>
      %dma_start3A_1292 = tpu.memref_squeeze %dma_start3A_1291 : memref<1x128xi32, #tpu.memory_space<vmem>> -> memref<128xi32, #tpu.memory_space<vmem>>
      %dma_start3A_1293 = arith.constant 0 : i32
      %dma_start3A_1294 = arith.constant 0 : i32
      %dma_start3A_1295 = tpu.memref_slice %arg3[%dma_start3A_1293, %dma_start3A_1294] : memref<1000000x64xf32, #tpu.memory_space<hbm>> -> memref<1000000x64xf32, #tpu.memory_space<hbm>>
      tpu.enqueue_indirect_dma source(%dma_start3A_1295 : memref<1000000x64xf32, #tpu.memory_space<hbm>>) target(%dma_start3A_1289 : memref<128x64xf32, #tpu.memory_space<vmem>>) offsets(%dma_start3A_1292 : memref<128xi32, #tpu.memory_space<vmem>>) semaphore(%arg19 : memref<!tpu.dma_semaphore, #tpu.memory_space<semaphore_mem>>)
    }
    %scan3A_470 = arith.constant 8 : i32
    %dma_wait3A_471 = arith.constant 45 : i32
    %dma_wait3A_472 = arith.constant 0 : i32
    %dma_wait3A_473 = arith.constant 0 : i32
    %dma_wait3A_474 = arith.constant 0 : i32
    %dma_wait3A_475 = tpu.memref_slice %arg7[%dma_wait3A_472, %dma_wait3A_473, %dma_wait3A_474] : memref<5x128x64xf32, #tpu.memory_space<vmem>> -> memref<1x128x64xf32, #tpu.memory_space<vmem>>
    %dma_wait3A_476 = tpu.memref_squeeze %dma_wait3A_475 : memref<1x128x64xf32, #tpu.memory_space<vmem>> -> memref<128x64xf32, #tpu.memory_space<vmem>>
    %dma_wait3A_477 = arith.constant 0 : i32
    %dma_wait3A_478 = tpu.memref_slice %arg6[%dma_wait3A_471, %dma_wait3A_477] : memref<50x128xi32, #tpu.memory_space<vmem>> -> memref<1x128xi32, #tpu.memory_space<vmem>>
    %dma_wait3A_479 = tpu.memref_squeeze %dma_wait3A_478 : memref<1x128xi32, #tpu.memory_space<vmem>> -> memref<128xi32, #tpu.memory_space<vmem>>
    %dma_wait3A_480 = arith.constant 0 : i32
    %dma_wait3A_481 = arith.constant 0 : i32
    %dma_wait3A_482 = tpu.memref_slice %arg2[%dma_wait3A_480, %dma_wait3A_481] : memref<1000000x64xf32, #tpu.memory_space<hbm>> -> memref<1000000x64xf32, #tpu.memory_space<hbm>>
    tpu.wait_indirect_dma semaphore(%arg10 : memref<!tpu.dma_semaphore, #tpu.memory_space<semaphore_mem>>) src(%dma_wait3A_482 : memref<1000000x64xf32, #tpu.memory_space<hbm>>) dst(%dma_wait3A_476 : memref<128x64xf32, #tpu.memory_space<vmem>>)
    %dma_wait3A_483 = arith.constant 45 : i32
    %dma_wait3A_484 = arith.constant 0 : i32
    %dma_wait3A_485 = arith.constant 0 : i32
    %dma_wait3A_486 = arith.constant 0 : i32
    %dma_wait3A_487 = tpu.memref_slice %arg8[%dma_wait3A_484, %dma_wait3A_485, %dma_wait3A_486] : memref<5x128x64xf32, #tpu.memory_space<vmem>> -> memref<1x128x64xf32, #tpu.memory_space<vmem>>
    %dma_wait3A_488 = tpu.memref_squeeze %dma_wait3A_487 : memref<1x128x64xf32, #tpu.memory_space<vmem>> -> memref<128x64xf32, #tpu.memory_space<vmem>>
    %dma_wait3A_489 = arith.constant 0 : i32
    %dma_wait3A_490 = tpu.memref_slice %arg6[%dma_wait3A_483, %dma_wait3A_489] : memref<50x128xi32, #tpu.memory_space<vmem>> -> memref<1x128xi32, #tpu.memory_space<vmem>>
    %dma_wait3A_491 = tpu.memref_squeeze %dma_wait3A_490 : memref<1x128xi32, #tpu.memory_space<vmem>> -> memref<128xi32, #tpu.memory_space<vmem>>
    %dma_wait3A_492 = arith.constant 0 : i32
    %dma_wait3A_493 = arith.constant 0 : i32
    %dma_wait3A_494 = tpu.memref_slice %arg3[%dma_wait3A_492, %dma_wait3A_493] : memref<1000000x64xf32, #tpu.memory_space<hbm>> -> memref<1000000x64xf32, #tpu.memory_space<hbm>>
    tpu.wait_indirect_dma semaphore(%arg15 : memref<!tpu.dma_semaphore, #tpu.memory_space<semaphore_mem>>) src(%dma_wait3A_494 : memref<1000000x64xf32, #tpu.memory_space<hbm>>) dst(%dma_wait3A_488 : memref<128x64xf32, #tpu.memory_space<vmem>>)
    %add3A_495 = arith.constant 5120 : i32
    %add3A_496 = arith.addi %mul3A_2, %add3A_495 : i32
    %dma_wait3A_497 = arith.constant 0 : i32
    %dma_wait3A_498 = arith.constant 0 : i32
    %dma_wait3A_499 = arith.constant 0 : i32
    %dma_wait3A_500 = tpu.memref_slice %arg9[%dma_wait3A_497, %dma_wait3A_498, %dma_wait3A_499] : memref<5x128x64xf32, #tpu.memory_space<vmem>> -> memref<1x128x64xf32, #tpu.memory_space<vmem>>
    %dma_wait3A_501 = tpu.memref_squeeze %dma_wait3A_500 : memref<1x128x64xf32, #tpu.memory_space<vmem>> -> memref<128x64xf32, #tpu.memory_space<vmem>>
    %dma_wait3A_502 = arith.constant 0 : i32
    %dma_wait3A_503 = tpu.memref_slice %arg5[%add3A_496, %dma_wait3A_502] : memref<204800x64xf32, #tpu.memory_space<hbm>> -> memref<128x64xf32, #tpu.memory_space<hbm>>
    %dma_wait3A_504 = arith.constant 0 : i32
    %dma_wait3A_505 = tpu.memref_slice %arg5[%add3A_496, %dma_wait3A_504] : memref<204800x64xf32, #tpu.memory_space<hbm>> -> memref<128x64xf32, #tpu.memory_space<hbm>>
    %dma_wait3A_506 = arith.constant 0 : i32
    %dma_wait3A_507 = arith.constant 0 : i32
    %dma_wait3A_508 = tpu.memref_slice %arg9[%dma_wait3A_497, %dma_wait3A_506, %dma_wait3A_507] : memref<5x128x64xf32, #tpu.memory_space<vmem>> -> memref<1x128x64xf32, #tpu.memory_space<vmem>>
    %dma_wait3A_509 = tpu.memref_squeeze %dma_wait3A_508 : memref<1x128x64xf32, #tpu.memory_space<vmem>> -> memref<128x64xf32, #tpu.memory_space<vmem>>
    tpu.wait_dma2 semaphore(%arg20 : memref<!tpu.dma_semaphore, #tpu.memory_space<semaphore_mem>>) src(%dma_wait3A_509 : memref<128x64xf32, #tpu.memory_space<vmem>>) dst(%dma_wait3A_505 : memref<128x64xf32, #tpu.memory_space<hbm>>)
    %scan3A_510 = arith.constant 0 : i32
    %scan3A_511 = arith.constant 0 : i32
    %scan3A_512 = arith.constant 128 : i32
    %scan3A_513 = arith.addi %scan3A_511, %scan3A_512 : i32
    %scan3A_514 = arith.constant 1 : i32
    scf.for %scan3A_846 = %scan3A_511 to %scan3A_513 step %scan3A_514  : i32 {
      %get3A = arith.constant 0 : i32
      %get3A_847 = arith.index_cast %get3A : i32 to index
      %get3A_848 = arith.index_cast %scan3A_846 : i32 to index
      %get3A_849 = arith.constant 0 : index
      %get3A_850 = tpu.vector_load %arg7[%get3A_847, %get3A_848, %get3A_849] {strides = array<i32>} : memref<5x128x64xf32, #tpu.memory_space<vmem>>, vector<16xf32>,
      %get3A_851 = arith.constant 0 : i32
      %get3A_852 = arith.index_cast %get3A_851 : i32 to index
      %get3A_853 = arith.index_cast %scan3A_846 : i32 to index
      %get3A_854 = arith.constant 0 : index
      %get3A_855 = tpu.vector_load %arg8[%get3A_852, %get3A_853, %get3A_854] {strides = array<i32>} : memref<5x128x64xf32, #tpu.memory_space<vmem>>, vector<16xf32>,
      %add3A_856 = arith.addf %get3A_850, %get3A_855 : vector<16xf32>
      %swap3A = arith.constant 0 : i32
      %swap3A_857 = arith.index_cast %swap3A : i32 to index
      %swap3A_858 = arith.index_cast %scan3A_846 : i32 to index
      %swap3A_859 = arith.constant 0 : index
      %swap3A_860 = tpu.vector_load %arg9[%swap3A_857, %swap3A_858, %swap3A_859] {strides = array<i32>} : memref<5x128x64xf32, #tpu.memory_space<vmem>>, vector<16xf32>,
      tpu.vector_store %arg9[%swap3A_857, %swap3A_858, %swap3A_859], %add3A_856 {strides = array<i32>} : memref<5x128x64xf32, #tpu.memory_space<vmem>>, vector<16xf32>,
      %get3A_861 = arith.constant 0 : i32
      %get3A_862 = arith.index_cast %get3A_861 : i32 to index
      %get3A_863 = arith.index_cast %scan3A_846 : i32 to index
      %get3A_864 = arith.constant 16 : index
      %get3A_865 = tpu.vector_load %arg7[%get3A_862, %get3A_863, %get3A_864] {strides = array<i32>} : memref<5x128x64xf32, #tpu.memory_space<vmem>>, vector<16xf32>,
      %get3A_866 = arith.constant 0 : i32
      %get3A_867 = arith.index_cast %get3A_866 : i32 to index
      %get3A_868 = arith.index_cast %scan3A_846 : i32 to index
      %get3A_869 = arith.constant 16 : index
      %get3A_870 = tpu.vector_load %arg8[%get3A_867, %get3A_868, %get3A_869] {strides = array<i32>} : memref<5x128x64xf32, #tpu.memory_space<vmem>>, vector<16xf32>,
      %add3A_871 = arith.addf %get3A_865, %get3A_870 : vector<16xf32>
      %swap3A_872 = arith.constant 0 : i32
      %swap3A_873 = arith.index_cast %swap3A_872 : i32 to index
      %swap3A_874 = arith.index_cast %scan3A_846 : i32 to index
      %swap3A_875 = arith.constant 16 : index
      %swap3A_876 = tpu.vector_load %arg9[%swap3A_873, %swap3A_874, %swap3A_875] {strides = array<i32>} : memref<5x128x64xf32, #tpu.memory_space<vmem>>, vector<16xf32>,
      tpu.vector_store %arg9[%swap3A_873, %swap3A_874, %swap3A_875], %add3A_871 {strides = array<i32>} : memref<5x128x64xf32, #tpu.memory_space<vmem>>, vector<16xf32>,
      %get3A_877 = arith.constant 0 : i32
      %get3A_878 = arith.index_cast %get3A_877 : i32 to index
      %get3A_879 = arith.index_cast %scan3A_846 : i32 to index
      %get3A_880 = arith.constant 32 : index
      %get3A_881 = tpu.vector_load %arg7[%get3A_878, %get3A_879, %get3A_880] {strides = array<i32>} : memref<5x128x64xf32, #tpu.memory_space<vmem>>, vector<16xf32>,
      %get3A_882 = arith.constant 0 : i32
      %get3A_883 = arith.index_cast %get3A_882 : i32 to index
      %get3A_884 = arith.index_cast %scan3A_846 : i32 to index
      %get3A_885 = arith.constant 32 : index
      %get3A_886 = tpu.vector_load %arg8[%get3A_883, %get3A_884, %get3A_885] {strides = array<i32>} : memref<5x128x64xf32, #tpu.memory_space<vmem>>, vector<16xf32>,
      %add3A_887 = arith.addf %get3A_881, %get3A_886 : vector<16xf32>
      %swap3A_888 = arith.constant 0 : i32
      %swap3A_889 = arith.index_cast %swap3A_888 : i32 to index
      %swap3A_890 = arith.index_cast %scan3A_846 : i32 to index
      %swap3A_891 = arith.constant 32 : index
      %swap3A_892 = tpu.vector_load %arg9[%swap3A_889, %swap3A_890, %swap3A_891] {strides = array<i32>} : memref<5x128x64xf32, #tpu.memory_space<vmem>>, vector<16xf32>,
      tpu.vector_store %arg9[%swap3A_889, %swap3A_890, %swap3A_891], %add3A_887 {strides = array<i32>} : memref<5x128x64xf32, #tpu.memory_space<vmem>>, vector<16xf32>,
      %get3A_893 = arith.constant 0 : i32
      %get3A_894 = arith.index_cast %get3A_893 : i32 to index
      %get3A_895 = arith.index_cast %scan3A_846 : i32 to index
      %get3A_896 = arith.constant 48 : index
      %get3A_897 = tpu.vector_load %arg7[%get3A_894, %get3A_895, %get3A_896] {strides = array<i32>} : memref<5x128x64xf32, #tpu.memory_space<vmem>>, vector<16xf32>,
      %get3A_898 = arith.constant 0 : i32
      %get3A_899 = arith.index_cast %get3A_898 : i32 to index
      %get3A_900 = arith.index_cast %scan3A_846 : i32 to index
      %get3A_901 = arith.constant 48 : index
      %get3A_902 = tpu.vector_load %arg8[%get3A_899, %get3A_900, %get3A_901] {strides = array<i32>} : memref<5x128x64xf32, #tpu.memory_space<vmem>>, vector<16xf32>,
      %add3A_903 = arith.addf %get3A_897, %get3A_902 : vector<16xf32>
      %swap3A_904 = arith.constant 0 : i32
      %swap3A_905 = arith.index_cast %swap3A_904 : i32 to index
      %swap3A_906 = arith.index_cast %scan3A_846 : i32 to index
      %swap3A_907 = arith.constant 48 : index
      %swap3A_908 = tpu.vector_load %arg9[%swap3A_905, %swap3A_906, %swap3A_907] {strides = array<i32>} : memref<5x128x64xf32, #tpu.memory_space<vmem>>, vector<16xf32>,
      tpu.vector_store %arg9[%swap3A_905, %swap3A_906, %swap3A_907], %add3A_903 {strides = array<i32>} : memref<5x128x64xf32, #tpu.memory_space<vmem>>, vector<16xf32>,
    }
    %scan3A_515 = arith.constant 128 : i32
    %add3A_516 = arith.constant 5760 : i32
    %add3A_517 = arith.addi %mul3A_2, %add3A_516 : i32
    %dma_start3A_518 = arith.constant 0 : i32
    %dma_start3A_519 = arith.constant 0 : i32
    %dma_start3A_520 = arith.constant 0 : i32
    %dma_start3A_521 = tpu.memref_slice %arg9[%dma_start3A_518, %dma_start3A_519, %dma_start3A_520] : memref<5x128x64xf32, #tpu.memory_space<vmem>> -> memref<1x128x64xf32, #tpu.memory_space<vmem>>
    %dma_start3A_522 = tpu.memref_squeeze %dma_start3A_521 : memref<1x128x64xf32, #tpu.memory_space<vmem>> -> memref<128x64xf32, #tpu.memory_space<vmem>>
    %dma_start3A_523 = arith.constant 0 : i32
    %dma_start3A_524 = tpu.memref_slice %arg5[%add3A_517, %dma_start3A_523] : memref<204800x64xf32, #tpu.memory_space<hbm>> -> memref<128x64xf32, #tpu.memory_space<hbm>>
    %dma_start3A_525 = arith.constant 0 : i32
    %dma_start3A_526 = tpu.memref_slice %arg5[%add3A_517, %dma_start3A_525] : memref<204800x64xf32, #tpu.memory_space<hbm>> -> memref<128x64xf32, #tpu.memory_space<hbm>>
    %dma_start3A_527 = arith.constant 0 : i32
    %dma_start3A_528 = arith.constant 0 : i32
    %dma_start3A_529 = tpu.memref_slice %arg9[%dma_start3A_518, %dma_start3A_527, %dma_start3A_528] : memref<5x128x64xf32, #tpu.memory_space<vmem>> -> memref<1x128x64xf32, #tpu.memory_space<vmem>>
    %dma_start3A_530 = tpu.memref_squeeze %dma_start3A_529 : memref<1x128x64xf32, #tpu.memory_space<vmem>> -> memref<128x64xf32, #tpu.memory_space<vmem>>
    tpu.enqueue_dma source(%dma_start3A_530 : memref<128x64xf32, #tpu.memory_space<vmem>>) target(%dma_start3A_526 : memref<128x64xf32, #tpu.memory_space<hbm>>) target_semaphore(%arg20 : memref<!tpu.dma_semaphore, #tpu.memory_space<semaphore_mem>>)
    %dma_wait3A_531 = arith.constant 46 : i32
    %dma_wait3A_532 = arith.constant 1 : i32
    %dma_wait3A_533 = arith.constant 0 : i32
    %dma_wait3A_534 = arith.constant 0 : i32
    %dma_wait3A_535 = tpu.memref_slice %arg7[%dma_wait3A_532, %dma_wait3A_533, %dma_wait3A_534] : memref<5x128x64xf32, #tpu.memory_space<vmem>> -> memref<1x128x64xf32, #tpu.memory_space<vmem>>
    %dma_wait3A_536 = tpu.memref_squeeze %dma_wait3A_535 : memref<1x128x64xf32, #tpu.memory_space<vmem>> -> memref<128x64xf32, #tpu.memory_space<vmem>>
    %dma_wait3A_537 = arith.constant 0 : i32
    %dma_wait3A_538 = tpu.memref_slice %arg6[%dma_wait3A_531, %dma_wait3A_537] : memref<50x128xi32, #tpu.memory_space<vmem>> -> memref<1x128xi32, #tpu.memory_space<vmem>>
    %dma_wait3A_539 = tpu.memref_squeeze %dma_wait3A_538 : memref<1x128xi32, #tpu.memory_space<vmem>> -> memref<128xi32, #tpu.memory_space<vmem>>
    %dma_wait3A_540 = arith.constant 0 : i32
    %dma_wait3A_541 = arith.constant 0 : i32
    %dma_wait3A_542 = tpu.memref_slice %arg2[%dma_wait3A_540, %dma_wait3A_541] : memref<1000000x64xf32, #tpu.memory_space<hbm>> -> memref<1000000x64xf32, #tpu.memory_space<hbm>>
    tpu.wait_indirect_dma semaphore(%arg11 : memref<!tpu.dma_semaphore, #tpu.memory_space<semaphore_mem>>) src(%dma_wait3A_542 : memref<1000000x64xf32, #tpu.memory_space<hbm>>) dst(%dma_wait3A_536 : memref<128x64xf32, #tpu.memory_space<vmem>>)
    %dma_wait3A_543 = arith.constant 46 : i32
    %dma_wait3A_544 = arith.constant 1 : i32
    %dma_wait3A_545 = arith.constant 0 : i32
    %dma_wait3A_546 = arith.constant 0 : i32
    %dma_wait3A_547 = tpu.memref_slice %arg8[%dma_wait3A_544, %dma_wait3A_545, %dma_wait3A_546] : memref<5x128x64xf32, #tpu.memory_space<vmem>> -> memref<1x128x64xf32, #tpu.memory_space<vmem>>
    %dma_wait3A_548 = tpu.memref_squeeze %dma_wait3A_547 : memref<1x128x64xf32, #tpu.memory_space<vmem>> -> memref<128x64xf32, #tpu.memory_space<vmem>>
    %dma_wait3A_549 = arith.constant 0 : i32
    %dma_wait3A_550 = tpu.memref_slice %arg6[%dma_wait3A_543, %dma_wait3A_549] : memref<50x128xi32, #tpu.memory_space<vmem>> -> memref<1x128xi32, #tpu.memory_space<vmem>>
    %dma_wait3A_551 = tpu.memref_squeeze %dma_wait3A_550 : memref<1x128xi32, #tpu.memory_space<vmem>> -> memref<128xi32, #tpu.memory_space<vmem>>
    %dma_wait3A_552 = arith.constant 0 : i32
    %dma_wait3A_553 = arith.constant 0 : i32
    %dma_wait3A_554 = tpu.memref_slice %arg3[%dma_wait3A_552, %dma_wait3A_553] : memref<1000000x64xf32, #tpu.memory_space<hbm>> -> memref<1000000x64xf32, #tpu.memory_space<hbm>>
    tpu.wait_indirect_dma semaphore(%arg16 : memref<!tpu.dma_semaphore, #tpu.memory_space<semaphore_mem>>) src(%dma_wait3A_554 : memref<1000000x64xf32, #tpu.memory_space<hbm>>) dst(%dma_wait3A_548 : memref<128x64xf32, #tpu.memory_space<vmem>>)
    %add3A_555 = arith.constant 5248 : i32
    %add3A_556 = arith.addi %mul3A_2, %add3A_555 : i32
    %dma_wait3A_557 = arith.constant 1 : i32
    %dma_wait3A_558 = arith.constant 0 : i32
    %dma_wait3A_559 = arith.constant 0 : i32
    %dma_wait3A_560 = tpu.memref_slice %arg9[%dma_wait3A_557, %dma_wait3A_558, %dma_wait3A_559] : memref<5x128x64xf32, #tpu.memory_space<vmem>> -> memref<1x128x64xf32, #tpu.memory_space<vmem>>
    %dma_wait3A_561 = tpu.memref_squeeze %dma_wait3A_560 : memref<1x128x64xf32, #tpu.memory_space<vmem>> -> memref<128x64xf32, #tpu.memory_space<vmem>>
    %dma_wait3A_562 = arith.constant 0 : i32
    %dma_wait3A_563 = tpu.memref_slice %arg5[%add3A_556, %dma_wait3A_562] : memref<204800x64xf32, #tpu.memory_space<hbm>> -> memref<128x64xf32, #tpu.memory_space<hbm>>
    %dma_wait3A_564 = arith.constant 0 : i32
    %dma_wait3A_565 = tpu.memref_slice %arg5[%add3A_556, %dma_wait3A_564] : memref<204800x64xf32, #tpu.memory_space<hbm>> -> memref<128x64xf32, #tpu.memory_space<hbm>>
    %dma_wait3A_566 = arith.constant 0 : i32
    %dma_wait3A_567 = arith.constant 0 : i32
    %dma_wait3A_568 = tpu.memref_slice %arg9[%dma_wait3A_557, %dma_wait3A_566, %dma_wait3A_567] : memref<5x128x64xf32, #tpu.memory_space<vmem>> -> memref<1x128x64xf32, #tpu.memory_space<vmem>>
    %dma_wait3A_569 = tpu.memref_squeeze %dma_wait3A_568 : memref<1x128x64xf32, #tpu.memory_space<vmem>> -> memref<128x64xf32, #tpu.memory_space<vmem>>
    tpu.wait_dma2 semaphore(%arg21 : memref<!tpu.dma_semaphore, #tpu.memory_space<semaphore_mem>>) src(%dma_wait3A_569 : memref<128x64xf32, #tpu.memory_space<vmem>>) dst(%dma_wait3A_565 : memref<128x64xf32, #tpu.memory_space<hbm>>)
    %scan3A_570 = arith.constant 0 : i32
    %scan3A_571 = arith.constant 0 : i32
    %scan3A_572 = arith.constant 128 : i32
    %scan3A_573 = arith.addi %scan3A_571, %scan3A_572 : i32
    %scan3A_574 = arith.constant 1 : i32
    scf.for %scan3A_846 = %scan3A_571 to %scan3A_573 step %scan3A_574  : i32 {
      %get3A = arith.constant 1 : i32
      %get3A_847 = arith.index_cast %get3A : i32 to index
      %get3A_848 = arith.index_cast %scan3A_846 : i32 to index
      %get3A_849 = arith.constant 0 : index
      %get3A_850 = tpu.vector_load %arg7[%get3A_847, %get3A_848, %get3A_849] {strides = array<i32>} : memref<5x128x64xf32, #tpu.memory_space<vmem>>, vector<16xf32>,
      %get3A_851 = arith.constant 1 : i32
      %get3A_852 = arith.index_cast %get3A_851 : i32 to index
      %get3A_853 = arith.index_cast %scan3A_846 : i32 to index
      %get3A_854 = arith.constant 0 : index
      %get3A_855 = tpu.vector_load %arg8[%get3A_852, %get3A_853, %get3A_854] {strides = array<i32>} : memref<5x128x64xf32, #tpu.memory_space<vmem>>, vector<16xf32>,
      %add3A_856 = arith.addf %get3A_850, %get3A_855 : vector<16xf32>
      %swap3A = arith.constant 1 : i32
      %swap3A_857 = arith.index_cast %swap3A : i32 to index
      %swap3A_858 = arith.index_cast %scan3A_846 : i32 to index
      %swap3A_859 = arith.constant 0 : index
      %swap3A_860 = tpu.vector_load %arg9[%swap3A_857, %swap3A_858, %swap3A_859] {strides = array<i32>} : memref<5x128x64xf32, #tpu.memory_space<vmem>>, vector<16xf32>,
      tpu.vector_store %arg9[%swap3A_857, %swap3A_858, %swap3A_859], %add3A_856 {strides = array<i32>} : memref<5x128x64xf32, #tpu.memory_space<vmem>>, vector<16xf32>,
      %get3A_861 = arith.constant 1 : i32
      %get3A_862 = arith.index_cast %get3A_861 : i32 to index
      %get3A_863 = arith.index_cast %scan3A_846 : i32 to index
      %get3A_864 = arith.constant 16 : index
      %get3A_865 = tpu.vector_load %arg7[%get3A_862, %get3A_863, %get3A_864] {strides = array<i32>} : memref<5x128x64xf32, #tpu.memory_space<vmem>>, vector<16xf32>,
      %get3A_866 = arith.constant 1 : i32
      %get3A_867 = arith.index_cast %get3A_866 : i32 to index
      %get3A_868 = arith.index_cast %scan3A_846 : i32 to index
      %get3A_869 = arith.constant 16 : index
      %get3A_870 = tpu.vector_load %arg8[%get3A_867, %get3A_868, %get3A_869] {strides = array<i32>} : memref<5x128x64xf32, #tpu.memory_space<vmem>>, vector<16xf32>,
      %add3A_871 = arith.addf %get3A_865, %get3A_870 : vector<16xf32>
      %swap3A_872 = arith.constant 1 : i32
      %swap3A_873 = arith.index_cast %swap3A_872 : i32 to index
      %swap3A_874 = arith.index_cast %scan3A_846 : i32 to index
      %swap3A_875 = arith.constant 16 : index
      %swap3A_876 = tpu.vector_load %arg9[%swap3A_873, %swap3A_874, %swap3A_875] {strides = array<i32>} : memref<5x128x64xf32, #tpu.memory_space<vmem>>, vector<16xf32>,
      tpu.vector_store %arg9[%swap3A_873, %swap3A_874, %swap3A_875], %add3A_871 {strides = array<i32>} : memref<5x128x64xf32, #tpu.memory_space<vmem>>, vector<16xf32>,
      %get3A_877 = arith.constant 1 : i32
      %get3A_878 = arith.index_cast %get3A_877 : i32 to index
      %get3A_879 = arith.index_cast %scan3A_846 : i32 to index
      %get3A_880 = arith.constant 32 : index
      %get3A_881 = tpu.vector_load %arg7[%get3A_878, %get3A_879, %get3A_880] {strides = array<i32>} : memref<5x128x64xf32, #tpu.memory_space<vmem>>, vector<16xf32>,
      %get3A_882 = arith.constant 1 : i32
      %get3A_883 = arith.index_cast %get3A_882 : i32 to index
      %get3A_884 = arith.index_cast %scan3A_846 : i32 to index
      %get3A_885 = arith.constant 32 : index
      %get3A_886 = tpu.vector_load %arg8[%get3A_883, %get3A_884, %get3A_885] {strides = array<i32>} : memref<5x128x64xf32, #tpu.memory_space<vmem>>, vector<16xf32>,
      %add3A_887 = arith.addf %get3A_881, %get3A_886 : vector<16xf32>
      %swap3A_888 = arith.constant 1 : i32
      %swap3A_889 = arith.index_cast %swap3A_888 : i32 to index
      %swap3A_890 = arith.index_cast %scan3A_846 : i32 to index
      %swap3A_891 = arith.constant 32 : index
      %swap3A_892 = tpu.vector_load %arg9[%swap3A_889, %swap3A_890, %swap3A_891] {strides = array<i32>} : memref<5x128x64xf32, #tpu.memory_space<vmem>>, vector<16xf32>,
      tpu.vector_store %arg9[%swap3A_889, %swap3A_890, %swap3A_891], %add3A_887 {strides = array<i32>} : memref<5x128x64xf32, #tpu.memory_space<vmem>>, vector<16xf32>,
      %get3A_893 = arith.constant 1 : i32
      %get3A_894 = arith.index_cast %get3A_893 : i32 to index
      %get3A_895 = arith.index_cast %scan3A_846 : i32 to index
      %get3A_896 = arith.constant 48 : index
      %get3A_897 = tpu.vector_load %arg7[%get3A_894, %get3A_895, %get3A_896] {strides = array<i32>} : memref<5x128x64xf32, #tpu.memory_space<vmem>>, vector<16xf32>,
      %get3A_898 = arith.constant 1 : i32
      %get3A_899 = arith.index_cast %get3A_898 : i32 to index
      %get3A_900 = arith.index_cast %scan3A_846 : i32 to index
      %get3A_901 = arith.constant 48 : index
      %get3A_902 = tpu.vector_load %arg8[%get3A_899, %get3A_900, %get3A_901] {strides = array<i32>} : memref<5x128x64xf32, #tpu.memory_space<vmem>>, vector<16xf32>,
      %add3A_903 = arith.addf %get3A_897, %get3A_902 : vector<16xf32>
      %swap3A_904 = arith.constant 1 : i32
      %swap3A_905 = arith.index_cast %swap3A_904 : i32 to index
      %swap3A_906 = arith.index_cast %scan3A_846 : i32 to index
      %swap3A_907 = arith.constant 48 : index
      %swap3A_908 = tpu.vector_load %arg9[%swap3A_905, %swap3A_906, %swap3A_907] {strides = array<i32>} : memref<5x128x64xf32, #tpu.memory_space<vmem>>, vector<16xf32>,
      tpu.vector_store %arg9[%swap3A_905, %swap3A_906, %swap3A_907], %add3A_903 {strides = array<i32>} : memref<5x128x64xf32, #tpu.memory_space<vmem>>, vector<16xf32>,
    }
    %scan3A_575 = arith.constant 128 : i32
    %add3A_576 = arith.constant 5888 : i32
    %add3A_577 = arith.addi %mul3A_2, %add3A_576 : i32
    %dma_start3A_578 = arith.constant 1 : i32
    %dma_start3A_579 = arith.constant 0 : i32
    %dma_start3A_580 = arith.constant 0 : i32
    %dma_start3A_581 = tpu.memref_slice %arg9[%dma_start3A_578, %dma_start3A_579, %dma_start3A_580] : memref<5x128x64xf32, #tpu.memory_space<vmem>> -> memref<1x128x64xf32, #tpu.memory_space<vmem>>
    %dma_start3A_582 = tpu.memref_squeeze %dma_start3A_581 : memref<1x128x64xf32, #tpu.memory_space<vmem>> -> memref<128x64xf32, #tpu.memory_space<vmem>>
    %dma_start3A_583 = arith.constant 0 : i32
    %dma_start3A_584 = tpu.memref_slice %arg5[%add3A_577, %dma_start3A_583] : memref<204800x64xf32, #tpu.memory_space<hbm>> -> memref<128x64xf32, #tpu.memory_space<hbm>>
    %dma_start3A_585 = arith.constant 0 : i32
    %dma_start3A_586 = tpu.memref_slice %arg5[%add3A_577, %dma_start3A_585] : memref<204800x64xf32, #tpu.memory_space<hbm>> -> memref<128x64xf32, #tpu.memory_space<hbm>>
    %dma_start3A_587 = arith.constant 0 : i32
    %dma_start3A_588 = arith.constant 0 : i32
    %dma_start3A_589 = tpu.memref_slice %arg9[%dma_start3A_578, %dma_start3A_587, %dma_start3A_588] : memref<5x128x64xf32, #tpu.memory_space<vmem>> -> memref<1x128x64xf32, #tpu.memory_space<vmem>>
    %dma_start3A_590 = tpu.memref_squeeze %dma_start3A_589 : memref<1x128x64xf32, #tpu.memory_space<vmem>> -> memref<128x64xf32, #tpu.memory_space<vmem>>
    tpu.enqueue_dma source(%dma_start3A_590 : memref<128x64xf32, #tpu.memory_space<vmem>>) target(%dma_start3A_586 : memref<128x64xf32, #tpu.memory_space<hbm>>) target_semaphore(%arg21 : memref<!tpu.dma_semaphore, #tpu.memory_space<semaphore_mem>>)
    %dma_wait3A_591 = arith.constant 47 : i32
    %dma_wait3A_592 = arith.constant 2 : i32
    %dma_wait3A_593 = arith.constant 0 : i32
    %dma_wait3A_594 = arith.constant 0 : i32
    %dma_wait3A_595 = tpu.memref_slice %arg7[%dma_wait3A_592, %dma_wait3A_593, %dma_wait3A_594] : memref<5x128x64xf32, #tpu.memory_space<vmem>> -> memref<1x128x64xf32, #tpu.memory_space<vmem>>
    %dma_wait3A_596 = tpu.memref_squeeze %dma_wait3A_595 : memref<1x128x64xf32, #tpu.memory_space<vmem>> -> memref<128x64xf32, #tpu.memory_space<vmem>>
    %dma_wait3A_597 = arith.constant 0 : i32
    %dma_wait3A_598 = tpu.memref_slice %arg6[%dma_wait3A_591, %dma_wait3A_597] : memref<50x128xi32, #tpu.memory_space<vmem>> -> memref<1x128xi32, #tpu.memory_space<vmem>>
    %dma_wait3A_599 = tpu.memref_squeeze %dma_wait3A_598 : memref<1x128xi32, #tpu.memory_space<vmem>> -> memref<128xi32, #tpu.memory_space<vmem>>
    %dma_wait3A_600 = arith.constant 0 : i32
    %dma_wait3A_601 = arith.constant 0 : i32
    %dma_wait3A_602 = tpu.memref_slice %arg2[%dma_wait3A_600, %dma_wait3A_601] : memref<1000000x64xf32, #tpu.memory_space<hbm>> -> memref<1000000x64xf32, #tpu.memory_space<hbm>>
    tpu.wait_indirect_dma semaphore(%arg12 : memref<!tpu.dma_semaphore, #tpu.memory_space<semaphore_mem>>) src(%dma_wait3A_602 : memref<1000000x64xf32, #tpu.memory_space<hbm>>) dst(%dma_wait3A_596 : memref<128x64xf32, #tpu.memory_space<vmem>>)
    %dma_wait3A_603 = arith.constant 47 : i32
    %dma_wait3A_604 = arith.constant 2 : i32
    %dma_wait3A_605 = arith.constant 0 : i32
    %dma_wait3A_606 = arith.constant 0 : i32
    %dma_wait3A_607 = tpu.memref_slice %arg8[%dma_wait3A_604, %dma_wait3A_605, %dma_wait3A_606] : memref<5x128x64xf32, #tpu.memory_space<vmem>> -> memref<1x128x64xf32, #tpu.memory_space<vmem>>
    %dma_wait3A_608 = tpu.memref_squeeze %dma_wait3A_607 : memref<1x128x64xf32, #tpu.memory_space<vmem>> -> memref<128x64xf32, #tpu.memory_space<vmem>>
    %dma_wait3A_609 = arith.constant 0 : i32
    %dma_wait3A_610 = tpu.memref_slice %arg6[%dma_wait3A_603, %dma_wait3A_609] : memref<50x128xi32, #tpu.memory_space<vmem>> -> memref<1x128xi32, #tpu.memory_space<vmem>>
    %dma_wait3A_611 = tpu.memref_squeeze %dma_wait3A_610 : memref<1x128xi32, #tpu.memory_space<vmem>> -> memref<128xi32, #tpu.memory_space<vmem>>
    %dma_wait3A_612 = arith.constant 0 : i32
    %dma_wait3A_613 = arith.constant 0 : i32
    %dma_wait3A_614 = tpu.memref_slice %arg3[%dma_wait3A_612, %dma_wait3A_613] : memref<1000000x64xf32, #tpu.memory_space<hbm>> -> memref<1000000x64xf32, #tpu.memory_space<hbm>>
    tpu.wait_indirect_dma semaphore(%arg17 : memref<!tpu.dma_semaphore, #tpu.memory_space<semaphore_mem>>) src(%dma_wait3A_614 : memref<1000000x64xf32, #tpu.memory_space<hbm>>) dst(%dma_wait3A_608 : memref<128x64xf32, #tpu.memory_space<vmem>>)
    %add3A_615 = arith.constant 5376 : i32
    %add3A_616 = arith.addi %mul3A_2, %add3A_615 : i32
    %dma_wait3A_617 = arith.constant 2 : i32
    %dma_wait3A_618 = arith.constant 0 : i32
    %dma_wait3A_619 = arith.constant 0 : i32
    %dma_wait3A_620 = tpu.memref_slice %arg9[%dma_wait3A_617, %dma_wait3A_618, %dma_wait3A_619] : memref<5x128x64xf32, #tpu.memory_space<vmem>> -> memref<1x128x64xf32, #tpu.memory_space<vmem>>
    %dma_wait3A_621 = tpu.memref_squeeze %dma_wait3A_620 : memref<1x128x64xf32, #tpu.memory_space<vmem>> -> memref<128x64xf32, #tpu.memory_space<vmem>>
    %dma_wait3A_622 = arith.constant 0 : i32
    %dma_wait3A_623 = tpu.memref_slice %arg5[%add3A_616, %dma_wait3A_622] : memref<204800x64xf32, #tpu.memory_space<hbm>> -> memref<128x64xf32, #tpu.memory_space<hbm>>
    %dma_wait3A_624 = arith.constant 0 : i32
    %dma_wait3A_625 = tpu.memref_slice %arg5[%add3A_616, %dma_wait3A_624] : memref<204800x64xf32, #tpu.memory_space<hbm>> -> memref<128x64xf32, #tpu.memory_space<hbm>>
    %dma_wait3A_626 = arith.constant 0 : i32
    %dma_wait3A_627 = arith.constant 0 : i32
    %dma_wait3A_628 = tpu.memref_slice %arg9[%dma_wait3A_617, %dma_wait3A_626, %dma_wait3A_627] : memref<5x128x64xf32, #tpu.memory_space<vmem>> -> memref<1x128x64xf32, #tpu.memory_space<vmem>>
    %dma_wait3A_629 = tpu.memref_squeeze %dma_wait3A_628 : memref<1x128x64xf32, #tpu.memory_space<vmem>> -> memref<128x64xf32, #tpu.memory_space<vmem>>
    tpu.wait_dma2 semaphore(%arg22 : memref<!tpu.dma_semaphore, #tpu.memory_space<semaphore_mem>>) src(%dma_wait3A_629 : memref<128x64xf32, #tpu.memory_space<vmem>>) dst(%dma_wait3A_625 : memref<128x64xf32, #tpu.memory_space<hbm>>)
    %scan3A_630 = arith.constant 0 : i32
    %scan3A_631 = arith.constant 0 : i32
    %scan3A_632 = arith.constant 128 : i32
    %scan3A_633 = arith.addi %scan3A_631, %scan3A_632 : i32
    %scan3A_634 = arith.constant 1 : i32
    scf.for %scan3A_846 = %scan3A_631 to %scan3A_633 step %scan3A_634  : i32 {
      %get3A = arith.constant 2 : i32
      %get3A_847 = arith.index_cast %get3A : i32 to index
      %get3A_848 = arith.index_cast %scan3A_846 : i32 to index
      %get3A_849 = arith.constant 0 : index
      %get3A_850 = tpu.vector_load %arg7[%get3A_847, %get3A_848, %get3A_849] {strides = array<i32>} : memref<5x128x64xf32, #tpu.memory_space<vmem>>, vector<16xf32>,
      %get3A_851 = arith.constant 2 : i32
      %get3A_852 = arith.index_cast %get3A_851 : i32 to index
      %get3A_853 = arith.index_cast %scan3A_846 : i32 to index
      %get3A_854 = arith.constant 0 : index
      %get3A_855 = tpu.vector_load %arg8[%get3A_852, %get3A_853, %get3A_854] {strides = array<i32>} : memref<5x128x64xf32, #tpu.memory_space<vmem>>, vector<16xf32>,
      %add3A_856 = arith.addf %get3A_850, %get3A_855 : vector<16xf32>
      %swap3A = arith.constant 2 : i32
      %swap3A_857 = arith.index_cast %swap3A : i32 to index
      %swap3A_858 = arith.index_cast %scan3A_846 : i32 to index
      %swap3A_859 = arith.constant 0 : index
      %swap3A_860 = tpu.vector_load %arg9[%swap3A_857, %swap3A_858, %swap3A_859] {strides = array<i32>} : memref<5x128x64xf32, #tpu.memory_space<vmem>>, vector<16xf32>,
      tpu.vector_store %arg9[%swap3A_857, %swap3A_858, %swap3A_859], %add3A_856 {strides = array<i32>} : memref<5x128x64xf32, #tpu.memory_space<vmem>>, vector<16xf32>,
      %get3A_861 = arith.constant 2 : i32
      %get3A_862 = arith.index_cast %get3A_861 : i32 to index
      %get3A_863 = arith.index_cast %scan3A_846 : i32 to index
      %get3A_864 = arith.constant 16 : index
      %get3A_865 = tpu.vector_load %arg7[%get3A_862, %get3A_863, %get3A_864] {strides = array<i32>} : memref<5x128x64xf32, #tpu.memory_space<vmem>>, vector<16xf32>,
      %get3A_866 = arith.constant 2 : i32
      %get3A_867 = arith.index_cast %get3A_866 : i32 to index
      %get3A_868 = arith.index_cast %scan3A_846 : i32 to index
      %get3A_869 = arith.constant 16 : index
      %get3A_870 = tpu.vector_load %arg8[%get3A_867, %get3A_868, %get3A_869] {strides = array<i32>} : memref<5x128x64xf32, #tpu.memory_space<vmem>>, vector<16xf32>,
      %add3A_871 = arith.addf %get3A_865, %get3A_870 : vector<16xf32>
      %swap3A_872 = arith.constant 2 : i32
      %swap3A_873 = arith.index_cast %swap3A_872 : i32 to index
      %swap3A_874 = arith.index_cast %scan3A_846 : i32 to index
      %swap3A_875 = arith.constant 16 : index
      %swap3A_876 = tpu.vector_load %arg9[%swap3A_873, %swap3A_874, %swap3A_875] {strides = array<i32>} : memref<5x128x64xf32, #tpu.memory_space<vmem>>, vector<16xf32>,
      tpu.vector_store %arg9[%swap3A_873, %swap3A_874, %swap3A_875], %add3A_871 {strides = array<i32>} : memref<5x128x64xf32, #tpu.memory_space<vmem>>, vector<16xf32>,
      %get3A_877 = arith.constant 2 : i32
      %get3A_878 = arith.index_cast %get3A_877 : i32 to index
      %get3A_879 = arith.index_cast %scan3A_846 : i32 to index
      %get3A_880 = arith.constant 32 : index
      %get3A_881 = tpu.vector_load %arg7[%get3A_878, %get3A_879, %get3A_880] {strides = array<i32>} : memref<5x128x64xf32, #tpu.memory_space<vmem>>, vector<16xf32>,
      %get3A_882 = arith.constant 2 : i32
      %get3A_883 = arith.index_cast %get3A_882 : i32 to index
      %get3A_884 = arith.index_cast %scan3A_846 : i32 to index
      %get3A_885 = arith.constant 32 : index
      %get3A_886 = tpu.vector_load %arg8[%get3A_883, %get3A_884, %get3A_885] {strides = array<i32>} : memref<5x128x64xf32, #tpu.memory_space<vmem>>, vector<16xf32>,
      %add3A_887 = arith.addf %get3A_881, %get3A_886 : vector<16xf32>
      %swap3A_888 = arith.constant 2 : i32
      %swap3A_889 = arith.index_cast %swap3A_888 : i32 to index
      %swap3A_890 = arith.index_cast %scan3A_846 : i32 to index
      %swap3A_891 = arith.constant 32 : index
      %swap3A_892 = tpu.vector_load %arg9[%swap3A_889, %swap3A_890, %swap3A_891] {strides = array<i32>} : memref<5x128x64xf32, #tpu.memory_space<vmem>>, vector<16xf32>,
      tpu.vector_store %arg9[%swap3A_889, %swap3A_890, %swap3A_891], %add3A_887 {strides = array<i32>} : memref<5x128x64xf32, #tpu.memory_space<vmem>>, vector<16xf32>,
      %get3A_893 = arith.constant 2 : i32
      %get3A_894 = arith.index_cast %get3A_893 : i32 to index
      %get3A_895 = arith.index_cast %scan3A_846 : i32 to index
      %get3A_896 = arith.constant 48 : index
      %get3A_897 = tpu.vector_load %arg7[%get3A_894, %get3A_895, %get3A_896] {strides = array<i32>} : memref<5x128x64xf32, #tpu.memory_space<vmem>>, vector<16xf32>,
      %get3A_898 = arith.constant 2 : i32
      %get3A_899 = arith.index_cast %get3A_898 : i32 to index
      %get3A_900 = arith.index_cast %scan3A_846 : i32 to index
      %get3A_901 = arith.constant 48 : index
      %get3A_902 = tpu.vector_load %arg8[%get3A_899, %get3A_900, %get3A_901] {strides = array<i32>} : memref<5x128x64xf32, #tpu.memory_space<vmem>>, vector<16xf32>,
      %add3A_903 = arith.addf %get3A_897, %get3A_902 : vector<16xf32>
      %swap3A_904 = arith.constant 2 : i32
      %swap3A_905 = arith.index_cast %swap3A_904 : i32 to index
      %swap3A_906 = arith.index_cast %scan3A_846 : i32 to index
      %swap3A_907 = arith.constant 48 : index
      %swap3A_908 = tpu.vector_load %arg9[%swap3A_905, %swap3A_906, %swap3A_907] {strides = array<i32>} : memref<5x128x64xf32, #tpu.memory_space<vmem>>, vector<16xf32>,
      tpu.vector_store %arg9[%swap3A_905, %swap3A_906, %swap3A_907], %add3A_903 {strides = array<i32>} : memref<5x128x64xf32, #tpu.memory_space<vmem>>, vector<16xf32>,
    }
    %scan3A_635 = arith.constant 128 : i32
    %add3A_636 = arith.constant 6016 : i32
    %add3A_637 = arith.addi %mul3A_2, %add3A_636 : i32
    %dma_start3A_638 = arith.constant 2 : i32
    %dma_start3A_639 = arith.constant 0 : i32
    %dma_start3A_640 = arith.constant 0 : i32
    %dma_start3A_641 = tpu.memref_slice %arg9[%dma_start3A_638, %dma_start3A_639, %dma_start3A_640] : memref<5x128x64xf32, #tpu.memory_space<vmem>> -> memref<1x128x64xf32, #tpu.memory_space<vmem>>
    %dma_start3A_642 = tpu.memref_squeeze %dma_start3A_641 : memref<1x128x64xf32, #tpu.memory_space<vmem>> -> memref<128x64xf32, #tpu.memory_space<vmem>>
    %dma_start3A_643 = arith.constant 0 : i32
    %dma_start3A_644 = tpu.memref_slice %arg5[%add3A_637, %dma_start3A_643] : memref<204800x64xf32, #tpu.memory_space<hbm>> -> memref<128x64xf32, #tpu.memory_space<hbm>>
    %dma_start3A_645 = arith.constant 0 : i32
    %dma_start3A_646 = tpu.memref_slice %arg5[%add3A_637, %dma_start3A_645] : memref<204800x64xf32, #tpu.memory_space<hbm>> -> memref<128x64xf32, #tpu.memory_space<hbm>>
    %dma_start3A_647 = arith.constant 0 : i32
    %dma_start3A_648 = arith.constant 0 : i32
    %dma_start3A_649 = tpu.memref_slice %arg9[%dma_start3A_638, %dma_start3A_647, %dma_start3A_648] : memref<5x128x64xf32, #tpu.memory_space<vmem>> -> memref<1x128x64xf32, #tpu.memory_space<vmem>>
    %dma_start3A_650 = tpu.memref_squeeze %dma_start3A_649 : memref<1x128x64xf32, #tpu.memory_space<vmem>> -> memref<128x64xf32, #tpu.memory_space<vmem>>
    tpu.enqueue_dma source(%dma_start3A_650 : memref<128x64xf32, #tpu.memory_space<vmem>>) target(%dma_start3A_646 : memref<128x64xf32, #tpu.memory_space<hbm>>) target_semaphore(%arg22 : memref<!tpu.dma_semaphore, #tpu.memory_space<semaphore_mem>>)
    %dma_wait3A_651 = arith.constant 48 : i32
    %dma_wait3A_652 = arith.constant 3 : i32
    %dma_wait3A_653 = arith.constant 0 : i32
    %dma_wait3A_654 = arith.constant 0 : i32
    %dma_wait3A_655 = tpu.memref_slice %arg7[%dma_wait3A_652, %dma_wait3A_653, %dma_wait3A_654] : memref<5x128x64xf32, #tpu.memory_space<vmem>> -> memref<1x128x64xf32, #tpu.memory_space<vmem>>
    %dma_wait3A_656 = tpu.memref_squeeze %dma_wait3A_655 : memref<1x128x64xf32, #tpu.memory_space<vmem>> -> memref<128x64xf32, #tpu.memory_space<vmem>>
    %dma_wait3A_657 = arith.constant 0 : i32
    %dma_wait3A_658 = tpu.memref_slice %arg6[%dma_wait3A_651, %dma_wait3A_657] : memref<50x128xi32, #tpu.memory_space<vmem>> -> memref<1x128xi32, #tpu.memory_space<vmem>>
    %dma_wait3A_659 = tpu.memref_squeeze %dma_wait3A_658 : memref<1x128xi32, #tpu.memory_space<vmem>> -> memref<128xi32, #tpu.memory_space<vmem>>
    %dma_wait3A_660 = arith.constant 0 : i32
    %dma_wait3A_661 = arith.constant 0 : i32
    %dma_wait3A_662 = tpu.memref_slice %arg2[%dma_wait3A_660, %dma_wait3A_661] : memref<1000000x64xf32, #tpu.memory_space<hbm>> -> memref<1000000x64xf32, #tpu.memory_space<hbm>>
    tpu.wait_indirect_dma semaphore(%arg13 : memref<!tpu.dma_semaphore, #tpu.memory_space<semaphore_mem>>) src(%dma_wait3A_662 : memref<1000000x64xf32, #tpu.memory_space<hbm>>) dst(%dma_wait3A_656 : memref<128x64xf32, #tpu.memory_space<vmem>>)
    %dma_wait3A_663 = arith.constant 48 : i32
    %dma_wait3A_664 = arith.constant 3 : i32
    %dma_wait3A_665 = arith.constant 0 : i32
    %dma_wait3A_666 = arith.constant 0 : i32
    %dma_wait3A_667 = tpu.memref_slice %arg8[%dma_wait3A_664, %dma_wait3A_665, %dma_wait3A_666] : memref<5x128x64xf32, #tpu.memory_space<vmem>> -> memref<1x128x64xf32, #tpu.memory_space<vmem>>
    %dma_wait3A_668 = tpu.memref_squeeze %dma_wait3A_667 : memref<1x128x64xf32, #tpu.memory_space<vmem>> -> memref<128x64xf32, #tpu.memory_space<vmem>>
    %dma_wait3A_669 = arith.constant 0 : i32
    %dma_wait3A_670 = tpu.memref_slice %arg6[%dma_wait3A_663, %dma_wait3A_669] : memref<50x128xi32, #tpu.memory_space<vmem>> -> memref<1x128xi32, #tpu.memory_space<vmem>>
    %dma_wait3A_671 = tpu.memref_squeeze %dma_wait3A_670 : memref<1x128xi32, #tpu.memory_space<vmem>> -> memref<128xi32, #tpu.memory_space<vmem>>
    %dma_wait3A_672 = arith.constant 0 : i32
    %dma_wait3A_673 = arith.constant 0 : i32
    %dma_wait3A_674 = tpu.memref_slice %arg3[%dma_wait3A_672, %dma_wait3A_673] : memref<1000000x64xf32, #tpu.memory_space<hbm>> -> memref<1000000x64xf32, #tpu.memory_space<hbm>>
    tpu.wait_indirect_dma semaphore(%arg18 : memref<!tpu.dma_semaphore, #tpu.memory_space<semaphore_mem>>) src(%dma_wait3A_674 : memref<1000000x64xf32, #tpu.memory_space<hbm>>) dst(%dma_wait3A_668 : memref<128x64xf32, #tpu.memory_space<vmem>>)
    %add3A_675 = arith.constant 5504 : i32
    %add3A_676 = arith.addi %mul3A_2, %add3A_675 : i32
    %dma_wait3A_677 = arith.constant 3 : i32
    %dma_wait3A_678 = arith.constant 0 : i32
    %dma_wait3A_679 = arith.constant 0 : i32
    %dma_wait3A_680 = tpu.memref_slice %arg9[%dma_wait3A_677, %dma_wait3A_678, %dma_wait3A_679] : memref<5x128x64xf32, #tpu.memory_space<vmem>> -> memref<1x128x64xf32, #tpu.memory_space<vmem>>
    %dma_wait3A_681 = tpu.memref_squeeze %dma_wait3A_680 : memref<1x128x64xf32, #tpu.memory_space<vmem>> -> memref<128x64xf32, #tpu.memory_space<vmem>>
    %dma_wait3A_682 = arith.constant 0 : i32
    %dma_wait3A_683 = tpu.memref_slice %arg5[%add3A_676, %dma_wait3A_682] : memref<204800x64xf32, #tpu.memory_space<hbm>> -> memref<128x64xf32, #tpu.memory_space<hbm>>
    %dma_wait3A_684 = arith.constant 0 : i32
    %dma_wait3A_685 = tpu.memref_slice %arg5[%add3A_676, %dma_wait3A_684] : memref<204800x64xf32, #tpu.memory_space<hbm>> -> memref<128x64xf32, #tpu.memory_space<hbm>>
    %dma_wait3A_686 = arith.constant 0 : i32
    %dma_wait3A_687 = arith.constant 0 : i32
    %dma_wait3A_688 = tpu.memref_slice %arg9[%dma_wait3A_677, %dma_wait3A_686, %dma_wait3A_687] : memref<5x128x64xf32, #tpu.memory_space<vmem>> -> memref<1x128x64xf32, #tpu.memory_space<vmem>>
    %dma_wait3A_689 = tpu.memref_squeeze %dma_wait3A_688 : memref<1x128x64xf32, #tpu.memory_space<vmem>> -> memref<128x64xf32, #tpu.memory_space<vmem>>
    tpu.wait_dma2 semaphore(%arg23 : memref<!tpu.dma_semaphore, #tpu.memory_space<semaphore_mem>>) src(%dma_wait3A_689 : memref<128x64xf32, #tpu.memory_space<vmem>>) dst(%dma_wait3A_685 : memref<128x64xf32, #tpu.memory_space<hbm>>)
    %scan3A_690 = arith.constant 0 : i32
    %scan3A_691 = arith.constant 0 : i32
    %scan3A_692 = arith.constant 128 : i32
    %scan3A_693 = arith.addi %scan3A_691, %scan3A_692 : i32
    %scan3A_694 = arith.constant 1 : i32
    scf.for %scan3A_846 = %scan3A_691 to %scan3A_693 step %scan3A_694  : i32 {
      %get3A = arith.constant 3 : i32
      %get3A_847 = arith.index_cast %get3A : i32 to index
      %get3A_848 = arith.index_cast %scan3A_846 : i32 to index
      %get3A_849 = arith.constant 0 : index
      %get3A_850 = tpu.vector_load %arg7[%get3A_847, %get3A_848, %get3A_849] {strides = array<i32>} : memref<5x128x64xf32, #tpu.memory_space<vmem>>, vector<16xf32>,
      %get3A_851 = arith.constant 3 : i32
      %get3A_852 = arith.index_cast %get3A_851 : i32 to index
      %get3A_853 = arith.index_cast %scan3A_846 : i32 to index
      %get3A_854 = arith.constant 0 : index
      %get3A_855 = tpu.vector_load %arg8[%get3A_852, %get3A_853, %get3A_854] {strides = array<i32>} : memref<5x128x64xf32, #tpu.memory_space<vmem>>, vector<16xf32>,
      %add3A_856 = arith.addf %get3A_850, %get3A_855 : vector<16xf32>
      %swap3A = arith.constant 3 : i32
      %swap3A_857 = arith.index_cast %swap3A : i32 to index
      %swap3A_858 = arith.index_cast %scan3A_846 : i32 to index
      %swap3A_859 = arith.constant 0 : index
      %swap3A_860 = tpu.vector_load %arg9[%swap3A_857, %swap3A_858, %swap3A_859] {strides = array<i32>} : memref<5x128x64xf32, #tpu.memory_space<vmem>>, vector<16xf32>,
      tpu.vector_store %arg9[%swap3A_857, %swap3A_858, %swap3A_859], %add3A_856 {strides = array<i32>} : memref<5x128x64xf32, #tpu.memory_space<vmem>>, vector<16xf32>,
      %get3A_861 = arith.constant 3 : i32
      %get3A_862 = arith.index_cast %get3A_861 : i32 to index
      %get3A_863 = arith.index_cast %scan3A_846 : i32 to index
      %get3A_864 = arith.constant 16 : index
      %get3A_865 = tpu.vector_load %arg7[%get3A_862, %get3A_863, %get3A_864] {strides = array<i32>} : memref<5x128x64xf32, #tpu.memory_space<vmem>>, vector<16xf32>,
      %get3A_866 = arith.constant 3 : i32
      %get3A_867 = arith.index_cast %get3A_866 : i32 to index
      %get3A_868 = arith.index_cast %scan3A_846 : i32 to index
      %get3A_869 = arith.constant 16 : index
      %get3A_870 = tpu.vector_load %arg8[%get3A_867, %get3A_868, %get3A_869] {strides = array<i32>} : memref<5x128x64xf32, #tpu.memory_space<vmem>>, vector<16xf32>,
      %add3A_871 = arith.addf %get3A_865, %get3A_870 : vector<16xf32>
      %swap3A_872 = arith.constant 3 : i32
      %swap3A_873 = arith.index_cast %swap3A_872 : i32 to index
      %swap3A_874 = arith.index_cast %scan3A_846 : i32 to index
      %swap3A_875 = arith.constant 16 : index
      %swap3A_876 = tpu.vector_load %arg9[%swap3A_873, %swap3A_874, %swap3A_875] {strides = array<i32>} : memref<5x128x64xf32, #tpu.memory_space<vmem>>, vector<16xf32>,
      tpu.vector_store %arg9[%swap3A_873, %swap3A_874, %swap3A_875], %add3A_871 {strides = array<i32>} : memref<5x128x64xf32, #tpu.memory_space<vmem>>, vector<16xf32>,
      %get3A_877 = arith.constant 3 : i32
      %get3A_878 = arith.index_cast %get3A_877 : i32 to index
      %get3A_879 = arith.index_cast %scan3A_846 : i32 to index
      %get3A_880 = arith.constant 32 : index
      %get3A_881 = tpu.vector_load %arg7[%get3A_878, %get3A_879, %get3A_880] {strides = array<i32>} : memref<5x128x64xf32, #tpu.memory_space<vmem>>, vector<16xf32>,
      %get3A_882 = arith.constant 3 : i32
      %get3A_883 = arith.index_cast %get3A_882 : i32 to index
      %get3A_884 = arith.index_cast %scan3A_846 : i32 to index
      %get3A_885 = arith.constant 32 : index
      %get3A_886 = tpu.vector_load %arg8[%get3A_883, %get3A_884, %get3A_885] {strides = array<i32>} : memref<5x128x64xf32, #tpu.memory_space<vmem>>, vector<16xf32>,
      %add3A_887 = arith.addf %get3A_881, %get3A_886 : vector<16xf32>
      %swap3A_888 = arith.constant 3 : i32
      %swap3A_889 = arith.index_cast %swap3A_888 : i32 to index
      %swap3A_890 = arith.index_cast %scan3A_846 : i32 to index
      %swap3A_891 = arith.constant 32 : index
      %swap3A_892 = tpu.vector_load %arg9[%swap3A_889, %swap3A_890, %swap3A_891] {strides = array<i32>} : memref<5x128x64xf32, #tpu.memory_space<vmem>>, vector<16xf32>,
      tpu.vector_store %arg9[%swap3A_889, %swap3A_890, %swap3A_891], %add3A_887 {strides = array<i32>} : memref<5x128x64xf32, #tpu.memory_space<vmem>>, vector<16xf32>,
      %get3A_893 = arith.constant 3 : i32
      %get3A_894 = arith.index_cast %get3A_893 : i32 to index
      %get3A_895 = arith.index_cast %scan3A_846 : i32 to index
      %get3A_896 = arith.constant 48 : index
      %get3A_897 = tpu.vector_load %arg7[%get3A_894, %get3A_895, %get3A_896] {strides = array<i32>} : memref<5x128x64xf32, #tpu.memory_space<vmem>>, vector<16xf32>,
      %get3A_898 = arith.constant 3 : i32
      %get3A_899 = arith.index_cast %get3A_898 : i32 to index
      %get3A_900 = arith.index_cast %scan3A_846 : i32 to index
      %get3A_901 = arith.constant 48 : index
      %get3A_902 = tpu.vector_load %arg8[%get3A_899, %get3A_900, %get3A_901] {strides = array<i32>} : memref<5x128x64xf32, #tpu.memory_space<vmem>>, vector<16xf32>,
      %add3A_903 = arith.addf %get3A_897, %get3A_902 : vector<16xf32>
      %swap3A_904 = arith.constant 3 : i32
      %swap3A_905 = arith.index_cast %swap3A_904 : i32 to index
      %swap3A_906 = arith.index_cast %scan3A_846 : i32 to index
      %swap3A_907 = arith.constant 48 : index
      %swap3A_908 = tpu.vector_load %arg9[%swap3A_905, %swap3A_906, %swap3A_907] {strides = array<i32>} : memref<5x128x64xf32, #tpu.memory_space<vmem>>, vector<16xf32>,
      tpu.vector_store %arg9[%swap3A_905, %swap3A_906, %swap3A_907], %add3A_903 {strides = array<i32>} : memref<5x128x64xf32, #tpu.memory_space<vmem>>, vector<16xf32>,
    }
    %scan3A_695 = arith.constant 128 : i32
    %add3A_696 = arith.constant 6144 : i32
    %add3A_697 = arith.addi %mul3A_2, %add3A_696 : i32
    %dma_start3A_698 = arith.constant 3 : i32
    %dma_start3A_699 = arith.constant 0 : i32
    %dma_start3A_700 = arith.constant 0 : i32
    %dma_start3A_701 = tpu.memref_slice %arg9[%dma_start3A_698, %dma_start3A_699, %dma_start3A_700] : memref<5x128x64xf32, #tpu.memory_space<vmem>> -> memref<1x128x64xf32, #tpu.memory_space<vmem>>
    %dma_start3A_702 = tpu.memref_squeeze %dma_start3A_701 : memref<1x128x64xf32, #tpu.memory_space<vmem>> -> memref<128x64xf32, #tpu.memory_space<vmem>>
    %dma_start3A_703 = arith.constant 0 : i32
    %dma_start3A_704 = tpu.memref_slice %arg5[%add3A_697, %dma_start3A_703] : memref<204800x64xf32, #tpu.memory_space<hbm>> -> memref<128x64xf32, #tpu.memory_space<hbm>>
    %dma_start3A_705 = arith.constant 0 : i32
    %dma_start3A_706 = tpu.memref_slice %arg5[%add3A_697, %dma_start3A_705] : memref<204800x64xf32, #tpu.memory_space<hbm>> -> memref<128x64xf32, #tpu.memory_space<hbm>>
    %dma_start3A_707 = arith.constant 0 : i32
    %dma_start3A_708 = arith.constant 0 : i32
    %dma_start3A_709 = tpu.memref_slice %arg9[%dma_start3A_698, %dma_start3A_707, %dma_start3A_708] : memref<5x128x64xf32, #tpu.memory_space<vmem>> -> memref<1x128x64xf32, #tpu.memory_space<vmem>>
    %dma_start3A_710 = tpu.memref_squeeze %dma_start3A_709 : memref<1x128x64xf32, #tpu.memory_space<vmem>> -> memref<128x64xf32, #tpu.memory_space<vmem>>
    tpu.enqueue_dma source(%dma_start3A_710 : memref<128x64xf32, #tpu.memory_space<vmem>>) target(%dma_start3A_706 : memref<128x64xf32, #tpu.memory_space<hbm>>) target_semaphore(%arg23 : memref<!tpu.dma_semaphore, #tpu.memory_space<semaphore_mem>>)
    %dma_wait3A_711 = arith.constant 49 : i32
    %dma_wait3A_712 = arith.constant 4 : i32
    %dma_wait3A_713 = arith.constant 0 : i32
    %dma_wait3A_714 = arith.constant 0 : i32
    %dma_wait3A_715 = tpu.memref_slice %arg7[%dma_wait3A_712, %dma_wait3A_713, %dma_wait3A_714] : memref<5x128x64xf32, #tpu.memory_space<vmem>> -> memref<1x128x64xf32, #tpu.memory_space<vmem>>
    %dma_wait3A_716 = tpu.memref_squeeze %dma_wait3A_715 : memref<1x128x64xf32, #tpu.memory_space<vmem>> -> memref<128x64xf32, #tpu.memory_space<vmem>>
    %dma_wait3A_717 = arith.constant 0 : i32
    %dma_wait3A_718 = tpu.memref_slice %arg6[%dma_wait3A_711, %dma_wait3A_717] : memref<50x128xi32, #tpu.memory_space<vmem>> -> memref<1x128xi32, #tpu.memory_space<vmem>>
    %dma_wait3A_719 = tpu.memref_squeeze %dma_wait3A_718 : memref<1x128xi32, #tpu.memory_space<vmem>> -> memref<128xi32, #tpu.memory_space<vmem>>
    %dma_wait3A_720 = arith.constant 0 : i32
    %dma_wait3A_721 = arith.constant 0 : i32
    %dma_wait3A_722 = tpu.memref_slice %arg2[%dma_wait3A_720, %dma_wait3A_721] : memref<1000000x64xf32, #tpu.memory_space<hbm>> -> memref<1000000x64xf32, #tpu.memory_space<hbm>>
    tpu.wait_indirect_dma semaphore(%arg14 : memref<!tpu.dma_semaphore, #tpu.memory_space<semaphore_mem>>) src(%dma_wait3A_722 : memref<1000000x64xf32, #tpu.memory_space<hbm>>) dst(%dma_wait3A_716 : memref<128x64xf32, #tpu.memory_space<vmem>>)
    %dma_wait3A_723 = arith.constant 49 : i32
    %dma_wait3A_724 = arith.constant 4 : i32
    %dma_wait3A_725 = arith.constant 0 : i32
    %dma_wait3A_726 = arith.constant 0 : i32
    %dma_wait3A_727 = tpu.memref_slice %arg8[%dma_wait3A_724, %dma_wait3A_725, %dma_wait3A_726] : memref<5x128x64xf32, #tpu.memory_space<vmem>> -> memref<1x128x64xf32, #tpu.memory_space<vmem>>
    %dma_wait3A_728 = tpu.memref_squeeze %dma_wait3A_727 : memref<1x128x64xf32, #tpu.memory_space<vmem>> -> memref<128x64xf32, #tpu.memory_space<vmem>>
    %dma_wait3A_729 = arith.constant 0 : i32
    %dma_wait3A_730 = tpu.memref_slice %arg6[%dma_wait3A_723, %dma_wait3A_729] : memref<50x128xi32, #tpu.memory_space<vmem>> -> memref<1x128xi32, #tpu.memory_space<vmem>>
    %dma_wait3A_731 = tpu.memref_squeeze %dma_wait3A_730 : memref<1x128xi32, #tpu.memory_space<vmem>> -> memref<128xi32, #tpu.memory_space<vmem>>
    %dma_wait3A_732 = arith.constant 0 : i32
    %dma_wait3A_733 = arith.constant 0 : i32
    %dma_wait3A_734 = tpu.memref_slice %arg3[%dma_wait3A_732, %dma_wait3A_733] : memref<1000000x64xf32, #tpu.memory_space<hbm>> -> memref<1000000x64xf32, #tpu.memory_space<hbm>>
    tpu.wait_indirect_dma semaphore(%arg19 : memref<!tpu.dma_semaphore, #tpu.memory_space<semaphore_mem>>) src(%dma_wait3A_734 : memref<1000000x64xf32, #tpu.memory_space<hbm>>) dst(%dma_wait3A_728 : memref<128x64xf32, #tpu.memory_space<vmem>>)
    %add3A_735 = arith.constant 5632 : i32
    %add3A_736 = arith.addi %mul3A_2, %add3A_735 : i32
    %dma_wait3A_737 = arith.constant 4 : i32
    %dma_wait3A_738 = arith.constant 0 : i32
    %dma_wait3A_739 = arith.constant 0 : i32
    %dma_wait3A_740 = tpu.memref_slice %arg9[%dma_wait3A_737, %dma_wait3A_738, %dma_wait3A_739] : memref<5x128x64xf32, #tpu.memory_space<vmem>> -> memref<1x128x64xf32, #tpu.memory_space<vmem>>
    %dma_wait3A_741 = tpu.memref_squeeze %dma_wait3A_740 : memref<1x128x64xf32, #tpu.memory_space<vmem>> -> memref<128x64xf32, #tpu.memory_space<vmem>>
    %dma_wait3A_742 = arith.constant 0 : i32
    %dma_wait3A_743 = tpu.memref_slice %arg5[%add3A_736, %dma_wait3A_742] : memref<204800x64xf32, #tpu.memory_space<hbm>> -> memref<128x64xf32, #tpu.memory_space<hbm>>
    %dma_wait3A_744 = arith.constant 0 : i32
    %dma_wait3A_745 = tpu.memref_slice %arg5[%add3A_736, %dma_wait3A_744] : memref<204800x64xf32, #tpu.memory_space<hbm>> -> memref<128x64xf32, #tpu.memory_space<hbm>>
    %dma_wait3A_746 = arith.constant 0 : i32
    %dma_wait3A_747 = arith.constant 0 : i32
    %dma_wait3A_748 = tpu.memref_slice %arg9[%dma_wait3A_737, %dma_wait3A_746, %dma_wait3A_747] : memref<5x128x64xf32, #tpu.memory_space<vmem>> -> memref<1x128x64xf32, #tpu.memory_space<vmem>>
    %dma_wait3A_749 = tpu.memref_squeeze %dma_wait3A_748 : memref<1x128x64xf32, #tpu.memory_space<vmem>> -> memref<128x64xf32, #tpu.memory_space<vmem>>
    tpu.wait_dma2 semaphore(%arg24 : memref<!tpu.dma_semaphore, #tpu.memory_space<semaphore_mem>>) src(%dma_wait3A_749 : memref<128x64xf32, #tpu.memory_space<vmem>>) dst(%dma_wait3A_745 : memref<128x64xf32, #tpu.memory_space<hbm>>)
    %scan3A_750 = arith.constant 0 : i32
    %scan3A_751 = arith.constant 0 : i32
    %scan3A_752 = arith.constant 128 : i32
    %scan3A_753 = arith.addi %scan3A_751, %scan3A_752 : i32
    %scan3A_754 = arith.constant 1 : i32
    scf.for %scan3A_846 = %scan3A_751 to %scan3A_753 step %scan3A_754  : i32 {
      %get3A = arith.constant 4 : i32
      %get3A_847 = arith.index_cast %get3A : i32 to index
      %get3A_848 = arith.index_cast %scan3A_846 : i32 to index
      %get3A_849 = arith.constant 0 : index
      %get3A_850 = tpu.vector_load %arg7[%get3A_847, %get3A_848, %get3A_849] {strides = array<i32>} : memref<5x128x64xf32, #tpu.memory_space<vmem>>, vector<16xf32>,
      %get3A_851 = arith.constant 4 : i32
      %get3A_852 = arith.index_cast %get3A_851 : i32 to index
      %get3A_853 = arith.index_cast %scan3A_846 : i32 to index
      %get3A_854 = arith.constant 0 : index
      %get3A_855 = tpu.vector_load %arg8[%get3A_852, %get3A_853, %get3A_854] {strides = array<i32>} : memref<5x128x64xf32, #tpu.memory_space<vmem>>, vector<16xf32>,
      %add3A_856 = arith.addf %get3A_850, %get3A_855 : vector<16xf32>
      %swap3A = arith.constant 4 : i32
      %swap3A_857 = arith.index_cast %swap3A : i32 to index
      %swap3A_858 = arith.index_cast %scan3A_846 : i32 to index
      %swap3A_859 = arith.constant 0 : index
      %swap3A_860 = tpu.vector_load %arg9[%swap3A_857, %swap3A_858, %swap3A_859] {strides = array<i32>} : memref<5x128x64xf32, #tpu.memory_space<vmem>>, vector<16xf32>,
      tpu.vector_store %arg9[%swap3A_857, %swap3A_858, %swap3A_859], %add3A_856 {strides = array<i32>} : memref<5x128x64xf32, #tpu.memory_space<vmem>>, vector<16xf32>,
      %get3A_861 = arith.constant 4 : i32
      %get3A_862 = arith.index_cast %get3A_861 : i32 to index
      %get3A_863 = arith.index_cast %scan3A_846 : i32 to index
      %get3A_864 = arith.constant 16 : index
      %get3A_865 = tpu.vector_load %arg7[%get3A_862, %get3A_863, %get3A_864] {strides = array<i32>} : memref<5x128x64xf32, #tpu.memory_space<vmem>>, vector<16xf32>,
      %get3A_866 = arith.constant 4 : i32
      %get3A_867 = arith.index_cast %get3A_866 : i32 to index
      %get3A_868 = arith.index_cast %scan3A_846 : i32 to index
      %get3A_869 = arith.constant 16 : index
      %get3A_870 = tpu.vector_load %arg8[%get3A_867, %get3A_868, %get3A_869] {strides = array<i32>} : memref<5x128x64xf32, #tpu.memory_space<vmem>>, vector<16xf32>,
      %add3A_871 = arith.addf %get3A_865, %get3A_870 : vector<16xf32>
      %swap3A_872 = arith.constant 4 : i32
      %swap3A_873 = arith.index_cast %swap3A_872 : i32 to index
      %swap3A_874 = arith.index_cast %scan3A_846 : i32 to index
      %swap3A_875 = arith.constant 16 : index
      %swap3A_876 = tpu.vector_load %arg9[%swap3A_873, %swap3A_874, %swap3A_875] {strides = array<i32>} : memref<5x128x64xf32, #tpu.memory_space<vmem>>, vector<16xf32>,
      tpu.vector_store %arg9[%swap3A_873, %swap3A_874, %swap3A_875], %add3A_871 {strides = array<i32>} : memref<5x128x64xf32, #tpu.memory_space<vmem>>, vector<16xf32>,
      %get3A_877 = arith.constant 4 : i32
      %get3A_878 = arith.index_cast %get3A_877 : i32 to index
      %get3A_879 = arith.index_cast %scan3A_846 : i32 to index
      %get3A_880 = arith.constant 32 : index
      %get3A_881 = tpu.vector_load %arg7[%get3A_878, %get3A_879, %get3A_880] {strides = array<i32>} : memref<5x128x64xf32, #tpu.memory_space<vmem>>, vector<16xf32>,
      %get3A_882 = arith.constant 4 : i32
      %get3A_883 = arith.index_cast %get3A_882 : i32 to index
      %get3A_884 = arith.index_cast %scan3A_846 : i32 to index
      %get3A_885 = arith.constant 32 : index
      %get3A_886 = tpu.vector_load %arg8[%get3A_883, %get3A_884, %get3A_885] {strides = array<i32>} : memref<5x128x64xf32, #tpu.memory_space<vmem>>, vector<16xf32>,
      %add3A_887 = arith.addf %get3A_881, %get3A_886 : vector<16xf32>
      %swap3A_888 = arith.constant 4 : i32
      %swap3A_889 = arith.index_cast %swap3A_888 : i32 to index
      %swap3A_890 = arith.index_cast %scan3A_846 : i32 to index
      %swap3A_891 = arith.constant 32 : index
      %swap3A_892 = tpu.vector_load %arg9[%swap3A_889, %swap3A_890, %swap3A_891] {strides = array<i32>} : memref<5x128x64xf32, #tpu.memory_space<vmem>>, vector<16xf32>,
      tpu.vector_store %arg9[%swap3A_889, %swap3A_890, %swap3A_891], %add3A_887 {strides = array<i32>} : memref<5x128x64xf32, #tpu.memory_space<vmem>>, vector<16xf32>,
      %get3A_893 = arith.constant 4 : i32
      %get3A_894 = arith.index_cast %get3A_893 : i32 to index
      %get3A_895 = arith.index_cast %scan3A_846 : i32 to index
      %get3A_896 = arith.constant 48 : index
      %get3A_897 = tpu.vector_load %arg7[%get3A_894, %get3A_895, %get3A_896] {strides = array<i32>} : memref<5x128x64xf32, #tpu.memory_space<vmem>>, vector<16xf32>,
      %get3A_898 = arith.constant 4 : i32
      %get3A_899 = arith.index_cast %get3A_898 : i32 to index
      %get3A_900 = arith.index_cast %scan3A_846 : i32 to index
      %get3A_901 = arith.constant 48 : index
      %get3A_902 = tpu.vector_load %arg8[%get3A_899, %get3A_900, %get3A_901] {strides = array<i32>} : memref<5x128x64xf32, #tpu.memory_space<vmem>>, vector<16xf32>,
      %add3A_903 = arith.addf %get3A_897, %get3A_902 : vector<16xf32>
      %swap3A_904 = arith.constant 4 : i32
      %swap3A_905 = arith.index_cast %swap3A_904 : i32 to index
      %swap3A_906 = arith.index_cast %scan3A_846 : i32 to index
      %swap3A_907 = arith.constant 48 : index
      %swap3A_908 = tpu.vector_load %arg9[%swap3A_905, %swap3A_906, %swap3A_907] {strides = array<i32>} : memref<5x128x64xf32, #tpu.memory_space<vmem>>, vector<16xf32>,
      tpu.vector_store %arg9[%swap3A_905, %swap3A_906, %swap3A_907], %add3A_903 {strides = array<i32>} : memref<5x128x64xf32, #tpu.memory_space<vmem>>, vector<16xf32>,
    }
    %scan3A_755 = arith.constant 128 : i32
    %add3A_756 = arith.constant 6272 : i32
    %add3A_757 = arith.addi %mul3A_2, %add3A_756 : i32
    %dma_start3A_758 = arith.constant 4 : i32
    %dma_start3A_759 = arith.constant 0 : i32
    %dma_start3A_760 = arith.constant 0 : i32
    %dma_start3A_761 = tpu.memref_slice %arg9[%dma_start3A_758, %dma_start3A_759, %dma_start3A_760] : memref<5x128x64xf32, #tpu.memory_space<vmem>> -> memref<1x128x64xf32, #tpu.memory_space<vmem>>
    %dma_start3A_762 = tpu.memref_squeeze %dma_start3A_761 : memref<1x128x64xf32, #tpu.memory_space<vmem>> -> memref<128x64xf32, #tpu.memory_space<vmem>>
    %dma_start3A_763 = arith.constant 0 : i32
    %dma_start3A_764 = tpu.memref_slice %arg5[%add3A_757, %dma_start3A_763] : memref<204800x64xf32, #tpu.memory_space<hbm>> -> memref<128x64xf32, #tpu.memory_space<hbm>>
    %dma_start3A_765 = arith.constant 0 : i32
    %dma_start3A_766 = tpu.memref_slice %arg5[%add3A_757, %dma_start3A_765] : memref<204800x64xf32, #tpu.memory_space<hbm>> -> memref<128x64xf32, #tpu.memory_space<hbm>>
    %dma_start3A_767 = arith.constant 0 : i32
    %dma_start3A_768 = arith.constant 0 : i32
    %dma_start3A_769 = tpu.memref_slice %arg9[%dma_start3A_758, %dma_start3A_767, %dma_start3A_768] : memref<5x128x64xf32, #tpu.memory_space<vmem>> -> memref<1x128x64xf32, #tpu.memory_space<vmem>>
    %dma_start3A_770 = tpu.memref_squeeze %dma_start3A_769 : memref<1x128x64xf32, #tpu.memory_space<vmem>> -> memref<128x64xf32, #tpu.memory_space<vmem>>
    tpu.enqueue_dma source(%dma_start3A_770 : memref<128x64xf32, #tpu.memory_space<vmem>>) target(%dma_start3A_766 : memref<128x64xf32, #tpu.memory_space<hbm>>) target_semaphore(%arg24 : memref<!tpu.dma_semaphore, #tpu.memory_space<semaphore_mem>>)
    %add3A_771 = arith.constant 5760 : i32
    %add3A_772 = arith.addi %mul3A_2, %add3A_771 : i32
    %dma_wait3A_773 = arith.constant 0 : i32
    %dma_wait3A_774 = arith.constant 0 : i32
    %dma_wait3A_775 = arith.constant 0 : i32
    %dma_wait3A_776 = tpu.memref_slice %arg9[%dma_wait3A_773, %dma_wait3A_774, %dma_wait3A_775] : memref<5x128x64xf32, #tpu.memory_space<vmem>> -> memref<1x128x64xf32, #tpu.memory_space<vmem>>
    %dma_wait3A_777 = tpu.memref_squeeze %dma_wait3A_776 : memref<1x128x64xf32, #tpu.memory_space<vmem>> -> memref<128x64xf32, #tpu.memory_space<vmem>>
    %dma_wait3A_778 = arith.constant 0 : i32
    %dma_wait3A_779 = tpu.memref_slice %arg5[%add3A_772, %dma_wait3A_778] : memref<204800x64xf32, #tpu.memory_space<hbm>> -> memref<128x64xf32, #tpu.memory_space<hbm>>
    %dma_wait3A_780 = arith.constant 0 : i32
    %dma_wait3A_781 = tpu.memref_slice %arg5[%add3A_772, %dma_wait3A_780] : memref<204800x64xf32, #tpu.memory_space<hbm>> -> memref<128x64xf32, #tpu.memory_space<hbm>>
    %dma_wait3A_782 = arith.constant 0 : i32
    %dma_wait3A_783 = arith.constant 0 : i32
    %dma_wait3A_784 = tpu.memref_slice %arg9[%dma_wait3A_773, %dma_wait3A_782, %dma_wait3A_783] : memref<5x128x64xf32, #tpu.memory_space<vmem>> -> memref<1x128x64xf32, #tpu.memory_space<vmem>>
    %dma_wait3A_785 = tpu.memref_squeeze %dma_wait3A_784 : memref<1x128x64xf32, #tpu.memory_space<vmem>> -> memref<128x64xf32, #tpu.memory_space<vmem>>
    tpu.wait_dma2 semaphore(%arg20 : memref<!tpu.dma_semaphore, #tpu.memory_space<semaphore_mem>>) src(%dma_wait3A_785 : memref<128x64xf32, #tpu.memory_space<vmem>>) dst(%dma_wait3A_781 : memref<128x64xf32, #tpu.memory_space<hbm>>)
    %add3A_786 = arith.constant 5888 : i32
    %add3A_787 = arith.addi %mul3A_2, %add3A_786 : i32
    %dma_wait3A_788 = arith.constant 1 : i32
    %dma_wait3A_789 = arith.constant 0 : i32
    %dma_wait3A_790 = arith.constant 0 : i32
    %dma_wait3A_791 = tpu.memref_slice %arg9[%dma_wait3A_788, %dma_wait3A_789, %dma_wait3A_790] : memref<5x128x64xf32, #tpu.memory_space<vmem>> -> memref<1x128x64xf32, #tpu.memory_space<vmem>>
    %dma_wait3A_792 = tpu.memref_squeeze %dma_wait3A_791 : memref<1x128x64xf32, #tpu.memory_space<vmem>> -> memref<128x64xf32, #tpu.memory_space<vmem>>
    %dma_wait3A_793 = arith.constant 0 : i32
    %dma_wait3A_794 = tpu.memref_slice %arg5[%add3A_787, %dma_wait3A_793] : memref<204800x64xf32, #tpu.memory_space<hbm>> -> memref<128x64xf32, #tpu.memory_space<hbm>>
    %dma_wait3A_795 = arith.constant 0 : i32
    %dma_wait3A_796 = tpu.memref_slice %arg5[%add3A_787, %dma_wait3A_795] : memref<204800x64xf32, #tpu.memory_space<hbm>> -> memref<128x64xf32, #tpu.memory_space<hbm>>
    %dma_wait3A_797 = arith.constant 0 : i32
    %dma_wait3A_798 = arith.constant 0 : i32
    %dma_wait3A_799 = tpu.memref_slice %arg9[%dma_wait3A_788, %dma_wait3A_797, %dma_wait3A_798] : memref<5x128x64xf32, #tpu.memory_space<vmem>> -> memref<1x128x64xf32, #tpu.memory_space<vmem>>
    %dma_wait3A_800 = tpu.memref_squeeze %dma_wait3A_799 : memref<1x128x64xf32, #tpu.memory_space<vmem>> -> memref<128x64xf32, #tpu.memory_space<vmem>>
    tpu.wait_dma2 semaphore(%arg21 : memref<!tpu.dma_semaphore, #tpu.memory_space<semaphore_mem>>) src(%dma_wait3A_800 : memref<128x64xf32, #tpu.memory_space<vmem>>) dst(%dma_wait3A_796 : memref<128x64xf32, #tpu.memory_space<hbm>>)
    %add3A_801 = arith.constant 6016 : i32
    %add3A_802 = arith.addi %mul3A_2, %add3A_801 : i32
    %dma_wait3A_803 = arith.constant 2 : i32
    %dma_wait3A_804 = arith.constant 0 : i32
    %dma_wait3A_805 = arith.constant 0 : i32
    %dma_wait3A_806 = tpu.memref_slice %arg9[%dma_wait3A_803, %dma_wait3A_804, %dma_wait3A_805] : memref<5x128x64xf32, #tpu.memory_space<vmem>> -> memref<1x128x64xf32, #tpu.memory_space<vmem>>
    %dma_wait3A_807 = tpu.memref_squeeze %dma_wait3A_806 : memref<1x128x64xf32, #tpu.memory_space<vmem>> -> memref<128x64xf32, #tpu.memory_space<vmem>>
    %dma_wait3A_808 = arith.constant 0 : i32
    %dma_wait3A_809 = tpu.memref_slice %arg5[%add3A_802, %dma_wait3A_808] : memref<204800x64xf32, #tpu.memory_space<hbm>> -> memref<128x64xf32, #tpu.memory_space<hbm>>
    %dma_wait3A_810 = arith.constant 0 : i32
    %dma_wait3A_811 = tpu.memref_slice %arg5[%add3A_802, %dma_wait3A_810] : memref<204800x64xf32, #tpu.memory_space<hbm>> -> memref<128x64xf32, #tpu.memory_space<hbm>>
    %dma_wait3A_812 = arith.constant 0 : i32
    %dma_wait3A_813 = arith.constant 0 : i32
    %dma_wait3A_814 = tpu.memref_slice %arg9[%dma_wait3A_803, %dma_wait3A_812, %dma_wait3A_813] : memref<5x128x64xf32, #tpu.memory_space<vmem>> -> memref<1x128x64xf32, #tpu.memory_space<vmem>>
    %dma_wait3A_815 = tpu.memref_squeeze %dma_wait3A_814 : memref<1x128x64xf32, #tpu.memory_space<vmem>> -> memref<128x64xf32, #tpu.memory_space<vmem>>
    tpu.wait_dma2 semaphore(%arg22 : memref<!tpu.dma_semaphore, #tpu.memory_space<semaphore_mem>>) src(%dma_wait3A_815 : memref<128x64xf32, #tpu.memory_space<vmem>>) dst(%dma_wait3A_811 : memref<128x64xf32, #tpu.memory_space<hbm>>)
    %add3A_816 = arith.constant 6144 : i32
    %add3A_817 = arith.addi %mul3A_2, %add3A_816 : i32
    %dma_wait3A_818 = arith.constant 3 : i32
    %dma_wait3A_819 = arith.constant 0 : i32
    %dma_wait3A_820 = arith.constant 0 : i32
    %dma_wait3A_821 = tpu.memref_slice %arg9[%dma_wait3A_818, %dma_wait3A_819, %dma_wait3A_820] : memref<5x128x64xf32, #tpu.memory_space<vmem>> -> memref<1x128x64xf32, #tpu.memory_space<vmem>>
    %dma_wait3A_822 = tpu.memref_squeeze %dma_wait3A_821 : memref<1x128x64xf32, #tpu.memory_space<vmem>> -> memref<128x64xf32, #tpu.memory_space<vmem>>
    %dma_wait3A_823 = arith.constant 0 : i32
    %dma_wait3A_824 = tpu.memref_slice %arg5[%add3A_817, %dma_wait3A_823] : memref<204800x64xf32, #tpu.memory_space<hbm>> -> memref<128x64xf32, #tpu.memory_space<hbm>>
    %dma_wait3A_825 = arith.constant 0 : i32
    %dma_wait3A_826 = tpu.memref_slice %arg5[%add3A_817, %dma_wait3A_825] : memref<204800x64xf32, #tpu.memory_space<hbm>> -> memref<128x64xf32, #tpu.memory_space<hbm>>
    %dma_wait3A_827 = arith.constant 0 : i32
    %dma_wait3A_828 = arith.constant 0 : i32
    %dma_wait3A_829 = tpu.memref_slice %arg9[%dma_wait3A_818, %dma_wait3A_827, %dma_wait3A_828] : memref<5x128x64xf32, #tpu.memory_space<vmem>> -> memref<1x128x64xf32, #tpu.memory_space<vmem>>
    %dma_wait3A_830 = tpu.memref_squeeze %dma_wait3A_829 : memref<1x128x64xf32, #tpu.memory_space<vmem>> -> memref<128x64xf32, #tpu.memory_space<vmem>>
    tpu.wait_dma2 semaphore(%arg23 : memref<!tpu.dma_semaphore, #tpu.memory_space<semaphore_mem>>) src(%dma_wait3A_830 : memref<128x64xf32, #tpu.memory_space<vmem>>) dst(%dma_wait3A_826 : memref<128x64xf32, #tpu.memory_space<hbm>>)
    %add3A_831 = arith.constant 6272 : i32
    %add3A_832 = arith.addi %mul3A_2, %add3A_831 : i32
    %dma_wait3A_833 = arith.constant 4 : i32
    %dma_wait3A_834 = arith.constant 0 : i32
    %dma_wait3A_835 = arith.constant 0 : i32
    %dma_wait3A_836 = tpu.memref_slice %arg9[%dma_wait3A_833, %dma_wait3A_834, %dma_wait3A_835] : memref<5x128x64xf32, #tpu.memory_space<vmem>> -> memref<1x128x64xf32, #tpu.memory_space<vmem>>
    %dma_wait3A_837 = tpu.memref_squeeze %dma_wait3A_836 : memref<1x128x64xf32, #tpu.memory_space<vmem>> -> memref<128x64xf32, #tpu.memory_space<vmem>>
    %dma_wait3A_838 = arith.constant 0 : i32
    %dma_wait3A_839 = tpu.memref_slice %arg5[%add3A_832, %dma_wait3A_838] : memref<204800x64xf32, #tpu.memory_space<hbm>> -> memref<128x64xf32, #tpu.memory_space<hbm>>
    %dma_wait3A_840 = arith.constant 0 : i32
    %dma_wait3A_841 = tpu.memref_slice %arg5[%add3A_832, %dma_wait3A_840] : memref<204800x64xf32, #tpu.memory_space<hbm>> -> memref<128x64xf32, #tpu.memory_space<hbm>>
    %dma_wait3A_842 = arith.constant 0 : i32
    %dma_wait3A_843 = arith.constant 0 : i32
    %dma_wait3A_844 = tpu.memref_slice %arg9[%dma_wait3A_833, %dma_wait3A_842, %dma_wait3A_843] : memref<5x128x64xf32, #tpu.memory_space<vmem>> -> memref<1x128x64xf32, #tpu.memory_space<vmem>>
    %dma_wait3A_845 = tpu.memref_squeeze %dma_wait3A_844 : memref<1x128x64xf32, #tpu.memory_space<vmem>> -> memref<128x64xf32, #tpu.memory_space<vmem>>
    tpu.wait_dma2 semaphore(%arg24 : memref<!tpu.dma_semaphore, #tpu.memory_space<semaphore_mem>>) src(%dma_wait3A_845 : memref<128x64xf32, #tpu.memory_space<vmem>>) dst(%dma_wait3A_841 : memref<128x64xf32, #tpu.memory_space<hbm>>)
    return
  }
}

</mosaic_0001>

<sc_bundles>
// kernel: _emb.3.cloned.1.call-start
scs
__scs_entry_jumppad:
0x0: {  	(pc) =	sbr.rel $0x88, $3  }
0x1: {  	(tag) =	ssettag $0x0;
	lr =	simm.s32 $0x1  }
0x2: {  	[smem:$0x3F9E] =	sst lr;
	_ =	strace $0xD0000000  }
0x3: {  	_ = 	snop  }
0x4: {  	_ = 	snop  }
0x5: {  	_ = 	snop  }
0x6: {  	_ = 	snop  }
0x7: {  	_ = 	snop  }
__scs_overlays_trampoline_lowered:
0x8: {  	[smem:$0x3FAD] =	sst s0  }
0x9: {  	[smem:$0x3FAE] =	sst s1  }
0xa: {  	[smem:$0x3FAF] =	sst s2  }
0xb: {  	[smem:$0x3FB0] =	sst s3  }
0xc: {  	[smem:$0x3FB1] =	sst s4  }
0xd: {  	[smem:$0x3FB2] =	sst s5  }
0xe: {  	[smem:$0x3FB3] =	sst s6  }
0xf: {  	[smem:$0x3FB4] =	sst s7  }
0x10: {  	[smem:$0x3FB5] =	sst s8  }
0x11: {  	[smem:$0x3FB6] =	sst s9;
	s0 =	simm.s32 @!p0 $0x0  }
0x12: {  	s1 =	sld [smem:$0x3F9C];
	s0 =	simm.s32 @p0 $0x1  }
0x13: {  	[smem:$0x3FB7] =	sst s0;
	s0 =	simm.s32 @!p1 $0x0  }
0x14: {  	s2 =	sld [smem:$0x3F9B];
	s0 =	simm.s32 @p1 $0x1  }
0x15: {  	[smem:$0x3FB8] =	sst s0;
	s0 =	simm.s32 @!p2 $0x0  }
0x16: {  	s3 =	sld [smem:$0x3FDB];
	s0 =	simm.s32 @p2 $0x1  }
0x17: {  	s4 =	simm.s32 $0x1BF5;
	[smem:$0x3FBA] =	sst s0  }
0x18: {  	s0 =	sld [smem:$0x3F9D];
	_ =	swait.ge [sflag:s4], $0x0  }
0x19: {  	s7 =	sld [smem:$0x3F9E]  }
0x1a: {  	s8 =	sadd.s32 $0xFFFFE003, lr  }
0x1b: {  	s9 =	sadd.s32 $0xFFFFFEF7, lr;
	s5 =	simm.s32 $0xFFFFFFFF;
	p2 =	slt.u32 s8, $0xFFFFF086  }
0x1c: {  	p1 =	slt.u32 s9, $0xF7A;
	s5 =	simm.s32 @!p2 $0x0  }
0x1d: {  	s5 =	simm.s32 @p1 $0x1;
	p0 =	seq.s32 s7, s2  }
0x1e: {  	s7 =	smul.u32 @!p0 $0xF7A, s2;
	p2 =	seq.s32 @!p0 s5, $0x0  }
0x1f: {  	s9 =	smul.u32 $0xF7A, s1;
	s8 =	simm.s32 @!p0 $0x1BF5;
	p2 =	por !p2, p0  }
0x20: {  	[sflag:s8] =	ssyncset.s32 @!p0 $0xFFFFF086;
	s6 =	sadd.s32 @!p0 s3, s7;
	s7 =	simm.s32 @!p0 $0x108  }
0x21: {  	s3 =	sadd.s32 s3, s9;
	s6 =	sadd.s32 @!p0 $0x88, s6;
	s7 =	simm.s32 @p2 $0x1082  }
0x22: {  	[simem:s7], [sflag:s8] =	dma.local @!p0 [hbm:s6], $0xF7A  }
0x23: {  	s9 =	sor.u32 $0xD0000000, s2;
	s6 =	simm.s32 $0x108;
	_ =	swait.ge @!p0 [sflag:s8], $0x0  }
0x24: {  	s3 =	sadd.s32 $0x88, s3;
	s6 =	simm.s32 @!p1 $0x1082;
	[sflag:s4] =	ssyncset.s32 $0xFFFFF086  }
0x25: {  	[simem:s6], [sflag:s4] =	dma.local [hbm:s3], $0xF7A  }
0x26: {  	[smem:$0x3F9E] =	sst s1;
	(tag) =	ssettag s2;
	_ =	strace s9  }
0x27: {  	s1 =	sld [smem:$0x3FAE]  }
0x28: {  	s2 =	sld [smem:$0x3FAF]  }
0x29: {  	s4 =	sld [smem:$0x3FB1]  }
0x2a: {  	p0 =	seq.s32 s5, $0x0;
	s5 =	sld [smem:$0x3FB2]  }
0x2b: {  	s6 =	sld [smem:$0x3FB3]  }
0x2c: {  	s7 =	sld [smem:$0x3FB4]  }
0x2d: {  	s3 =	simm.s32 $0x108;
	s8 =	sld [smem:$0x3FB5]  }
0x2e: {  	s3 =	simm.s32 @!p0 $0x1082;
	s9 =	sld [smem:$0x3FB6]  }
0x2f: {  	lr =	sadd.s32 s0, s3;
	s0 =	sld [smem:$0x3FAD]  }
0x30: {  	s3 =	sld [smem:$0x3FB0]  }
0x31: {  	[smem:$0x3FB9] =	sst s10  }
0x32: {  	s10 =	sld [smem:$0x3FB7];
	_ =	sdelay $0x3  }
0x33: {  	p0 =	seq.s32 s10, $0x1;
	s10 =	sld [smem:$0x3FB9];
	_ =	sdelay $0x3  }
0x34: {  	[smem:$0x3FB9] =	sst s10  }
0x35: {  	s10 =	sld [smem:$0x3FB8];
	_ =	sdelay $0x3  }
0x36: {  	p1 =	seq.s32 s10, $0x1;
	s10 =	sld [smem:$0x3FB9];
	_ =	sdelay $0x3  }
0x37: {  	[smem:$0x3FB9] =	sst s10  }
0x38: {  	s10 =	sld [smem:$0x3FBA]  }
0x39: {  	_ = 	snop;
	(pc) =	sbr.ind lr, $3  }
0x3a: {  	_ = 	snop  }
0x3b: {  	_ = 	snop  }
0x3c: {  	p2 =	seq.s32 s10, $0x1;
	s10 =	sld [smem:$0x3FB9]  }
0x3d: {  	_ =	shalt  }
0x3e: {  	_ =	shalt  }
0x3f: {  	_ =	shalt  }
0x40: {  	_ =	shalt  }
0x41: {  	_ =	shalt  }
0x42: {  	_ =	shalt  }
0x43: {  	_ =	shalt  }
0x44: {  	_ =	shalt  }
0x45: {  	_ =	shalt  }
0x46: {  	_ =	shalt  }
0x47: {  	_ =	shalt  }
0x48: {  	_ =	shalt  }
0x49: {  	_ =	shalt  }
0x4a: {  	_ =	shalt  }
0x4b: {  	_ =	shalt  }
0x4c: {  	_ =	shalt  }
0x4d: {  	_ =	shalt  }
0x4e: {  	_ =	shalt  }
0x4f: {  	_ =	shalt  }
0x50: {  	_ =	shalt  }
0x51: {  	_ =	shalt  }
0x52: {  	_ =	shalt  }
0x53: {  	_ =	shalt  }
0x54: {  	_ =	shalt  }
0x55: {  	_ =	shalt  }
0x56: {  	_ =	shalt  }
0x57: {  	_ =	shalt  }
0x58: {  	_ =	shalt  }
0x59: {  	_ =	shalt  }
0x5a: {  	_ =	shalt  }
0x5b: {  	_ =	shalt  }
0x5c: {  	_ =	shalt  }
0x5d: {  	_ =	shalt  }
0x5e: {  	_ =	shalt  }
0x5f: {  	_ =	shalt  }
0x60: {  	_ =	shalt  }
0x61: {  	_ =	shalt  }
0x62: {  	_ =	shalt  }
0x63: {  	_ =	shalt  }
0x64: {  	_ =	shalt  }
0x65: {  	_ =	shalt  }
0x66: {  	_ =	shalt  }
0x67: {  	_ =	shalt  }
0x68: {  	_ =	shalt  }
0x69: {  	_ =	shalt  }
0x6a: {  	_ =	shalt  }
0x6b: {  	_ =	shalt  }
0x6c: {  	_ =	shalt  }
0x6d: {  	_ =	shalt  }
0x6e: {  	_ =	shalt  }
0x6f: {  	_ =	shalt  }
0x70: {  	_ =	shalt  }
0x71: {  	_ =	shalt  }
0x72: {  	_ =	shalt  }
0x73: {  	_ =	shalt  }
0x74: {  	_ =	shalt  }
0x75: {  	_ =	shalt  }
0x76: {  	_ =	shalt  }
0x77: {  	_ =	shalt  }
0x78: {  	_ =	shalt  }
0x79: {  	_ =	shalt  }
0x7a: {  	_ =	shalt  }
0x7b: {  	_ =	shalt  }
0x7c: {  	_ =	shalt  }
0x7d: {  	_ =	shalt  }
0x7e: {  	_ =	shalt  }
0x7f: {  	_ =	shalt  }
0x80: {  	_ =	shalt  }
0x81: {  	_ =	shalt  }
0x82: {  	_ =	shalt  }
0x83: {  	_ =	shalt  }
0x84: {  	_ =	shalt  }
0x85: {  	_ =	shalt  }
0x86: {  	_ =	shalt  }
0x87: {  	_ =	shalt  }
.Lfunc_end0:
.L_simem_size_0:
called_computation.1_lowered:
.L_overlay_start_0:
0x88: {  	s2 =	sld [smem:$0x3FD9]  }
0x89: {  	s3 =	sld [smem:$0x3FFE];
	_ =	sdelay $0x1  }
0x8a: {  	s1 =	srdreg.scid  }
0x8b: {  	s0 =	sand.u32 $0x1, s1  }
0x8c: {  	s17 =	sshll.u32 s0, $0xA;
	s2 =	sadd.s32 s3, s2  }
0x8d: {  	s2 =	sadd.s32 s2, s17  }
0x8e: {  	[smem:$0x3FC5] =	sst s2  }
0x8f: {  	_ = 	snop  }
0x90: {  	s2 =	sld [smem:$0x3FD0];
	(tm) =	ssettm $0x1  }
0x91: {  	s18 =	sld [smem:$0x3FFB];
	_ =	sdelay $0x3  }
0x92: {  	_ =	strace s18  }
0x93: {  	s3 =	sld [smem:$0x3FFC];
	_ =	sdelay $0x3  }
0x94: {  	_ =	strace s3  }
0x95: {  	s3 =	sld [smem:$0x3FFD];
	_ =	sdelay $0x3  }
0x96: {  	_ =	strace s3  }
0x97: {  	_ =	strace $0x8FFFFFFF  }
0x98: {  	s19 =	sld [smem:$0x3FDB];
	_ =	sdelay $0x1  }
0x99: {  	s4 =	simm.s32 $_scs_section_size  }
0x9a: {  	s5 =	simm.s32 $_size__tile_overlayer_lowered;
	s6 =	simm.s32 $_tile_overlayer_lowered  }
0x9b: {  	s22 =	simm.s32 $0x1BFF;
	s21 =	sshll.u32 s6, $0x1;
	s3 =	sadd.s32 s4, s19  }
0x9c: {  	s7 =	simm.s32 $0x0;
	s20 =	sshll.u32 s5, $0x1;
	s5 =	sadd.s32 s21, s3  }
0x9d: {  	[timem:s7], [sflag:s22] =	dma.local [hbm:s5], s20  }
0x9e: {  	_ =	swait.ge [sflag:s22], s20  }
0x9f: {  	s4 =	ssub.s32 $0x0, s20;
	[sflag:s22] =	ssyncset.done $0x0  }
0xa0: {  	[sflag:s22] =	ssyncadd.s32 s4;
	_ =	sdelay $0x1  }
0xa1: {  	s23 =	simm.s32 $0x1B8B  }
0xa2: {  	_ =	swait.ge [sflag:s23], $0x1  }
0xa3: {  	[sflag:s23] =	ssyncset.done $0x0  }
0xa4: {  	s25 =	simm.s32 $0x1B8E;
	s24 =	sld [smem:$0x3FFE];
	[sflag:s23] =	ssyncadd.s32 $0xFFFFFFFF  }
0xa5: {  	s26 =	simm.s32 $execute0_lowered;
	[smem:$0x3FD2] =	sst s25  }
0xa6: {  	s5 =	sshll.u32 s26, $0x1;
	_ =	strace $0x80000046;
	[dreg:$0x1] =	wrdreg $0xFFFFFFFF  }
0xa7: {  	s28 =	simm.s32 $_size_execute0_lowered;
	s3 =	sadd.s32 s3, s5;
	[dreg:$0x0] =	wrdreg $0x0  }
0xa8: {  	s5 =	sshll.u32 s28, $0x1;
	[dreg:$0x2] =	wrdreg s3  }
0xa9: {  	[dreg:$0x3] =	wrdreg s5  }
0xaa: {  	[dreg:$0x4] =	wrdreg $0xC0  }
0xab: {  	_ =	task [dreg:s7], $0x5FFFF  }
0xac: {  	[dreg:$0x1] =	wrdreg $0xFFFFFFFF  }
0xad: {  	[dreg:$0x0] =	wrdreg $0x60  }
0xae: {  	[dreg:$0x2] =	wrdreg s24  }
0xaf: {  	[dreg:$0x3] =	wrdreg s2  }
0xb0: {  	[dreg:$0x4] =	wrdreg $0x9  }
0xb1: {  	_ =	task.clear_ibuf [dreg:s7], $0x5FFFF;
	_ =	strace $0x90000046  }
0xb2: {  	s29 =	simm.s32 $0x9;
	_ =	strace $0x80000048  }
0xb3: {  	_ =	swait.ge [sflag:s29], $0x1  }
0xb4: {  	[sflag:s29] =	ssyncadd.s32 $0xFFFFFFFF  }
0xb5: {  	_ =	strace $0x90000048  }
0xb6: {  	_ =	sfence  }
0xb7: {  	s30 =	sld [smem:$0x0];
	_ =	sdelay $0x2  }
0xb8: {  	s31 =	sshll.u32 s1, $0xD;
	s1 =	sshrl.u32 s1, $0x2  }
0xb9: {  	s3 =	sand.u32 $0x4000, s31;
	s1 =	sadd.s32 s1, s30  }
0xba: {  	s0 =	sor.u32 s3, s0;
	s1 =	sshll.u32 s1, $0x11  }
0xbb: {  	s0 =	sor.u32 s1, s0  }
0xbc: {  	s0 =	sadd.s32 $0x8F2B, s0  }
0xbd: {  	[sflag:s0] =	ssyncadd.remote.s32 $0x1  }
0xbe: {  	_ =	sfence.sel $0xFFFF  }
0xbf: {  	[dreg:$0x0] =	wrdreg $0xFFFFFFFF;
	(pc) =	sbr.abs _section_cstart, $3  }
0xc0: {  	[dreg:$0x1] =	wrdreg $0xFFFFFFFF  }
0xc1: {  	_ =	task.clear_ibuf [dreg:s7], $0x2FFFF;
	_ =	strace $0x9FFFFFFF  }
0xc2: {  	(tm) =	ssettm $0x7FFFFFFF  }
0xc3: {  	_ =	shalt  }
tec
execute0_lowered:
.L_overlay_start_1:
0x0: {  	(tag) =	ssettag $0x1  }
0x1: {  	s0 =	rddreg [dreg:$0x0];
	s1 =	srdreg.scid  }
0x2: {  	s3 =	stileid.u32;
	s2 =	rddreg [dreg:$0x1]  }
0x3: {  	s12 =	simm.s32 $0x1;
	s28 =	simm.s32 $0xA;
	s31 =	simm.s32 $0xB  }
0x4: {  	s10 =	simm.s32 $0xF;
	s1 =	sand.u32 $0x1, s1;
	s4 =	sshll.u32 s3, $0x1  }
0x5: {  	s3 =	simm.s32 $0x0;
	s5 =	sadd.s32 $0x16E4000, s0;
	s6 =	sor.u32 s1, s4  }
0x6: {  	[smem:$0x7FF] =	sst s3;
	s1 =	ssub.s32 $0x2, s1;
	s4 =	smul.u32 $0x1900, s6  }
0x7: {  	_ =	strace $0x80000047;
	s7 =	smul.u32 $0xC800, s6;
	s17 =	sshrl.u32 s1, $0x1  }
0x8: {  	s9 =	smul.u32 $0x64000, s6;
	s6 =	sadd.s32 $0xF42E00, s0;
	s1 =	ssub.s32 s1, s17  }
0x9: {  	s17 =	simm.s32 $0x3;
	s8 =	sshrl.u32 s4, $0x3;
	s18 =	sadd.s32 s2, s7  }
0xa: {  	s19 =	sshrl.u32 s9, $0x3;
	s13 =	sor.u32 $0x80, s4;
	s14 =	sadd.s32 $0x100, s4  }
0xb: {  	s15 =	sadd.s32 $0x180, s4;
	s30 =	smax.u32 s1, $0x1;
	[dreg:$0x3] =	wrdreg s18  }
0xc: {  	s0 =	sadd.s32 s8, s0;
	s20 =	sadd.s32 $0x400, s18;
	[dreg:$0xe] =	wrdreg s30  }
0xd: {  	s21 =	sadd.s32 s2, s19;
	s0 =	sadd.s32 $0xA00, s0;
	[dreg:$0x5] =	wrdreg s20  }
0xe: {  	s16 =	sadd.s32 $0x200, s4;
	s7 =	sadd.s32 $0x800, s21;
	[dreg:$0x4] =	wrdreg s0  }
0xf: {  	s1 =	simm.s32 $0xC;
	s22 =	sadd.s32 $0xC00, s21;
	[dreg:$0x6] =	wrdreg s7  }
0x10: {  	s9 =	simm.s32 $0xE;
	s23 =	sadd.s32 $0x1000, s21;
	[dreg:$0x7] =	wrdreg s22  }
0x11: {  	s18 =	simm.s32 $0x2;
	s24 =	sadd.s32 $0xB400, s21;
	[dreg:$0x8] =	wrdreg s23  }
0x12: {  	s19 =	simm.s32 $0x7;
	s25 =	sadd.s32 $0xB800, s21;
	[dreg:$0x9] =	wrdreg s24  }
0x13: {  	s8 =	simm.s32 $0xD;
	s26 =	sadd.s32 $0xBC00, s21;
	[dreg:$0xa] =	wrdreg s25  }
0x14: {  	s29 =	sadd.s32 $0xC000, s21;
	s20 =	simm.s32 $0x0;
	[dreg:$0xb] =	wrdreg s26  }
0x15: {  	[dreg:$0xc] =	wrdreg s29;
	s0 =	sadd.s32 $0xC400, s21;
	s24 =	simm.s32 $0x80  }
0x16: {  	s22 =	simm.s32 $0x8;
	s7 =	simm.s32 $0x4;
	s23 =	simm.s32 $0x9  }
0x17: {  	s26 =	simm.s32 $0x5;
	[dreg:$0xd] =	wrdreg s0;
	s0 =	simm.s32 $0x6  }
.LBB2_1:
0x18: {  	[dreg:$0xf] =	wrdreg s20  }
0x19: {  	s11 =	rddreg [dreg:$0x4];
	s30 =	simm.s32 $0x10  }
0x1a: {  	[tilespmem:s3], [sflag:$0x10] =	stream.linear.gather [hbm4b:s11+s3], $0x1900, $0x38;
	[tilespmem:$0x1F900] =	vst v63  }
0x1b: {  	_ =	swait.ge [sflag:s30], $0x1900  }
0x1c: {  	[sflag:s30] =	ssyncset.done $0x0  }
0x1d: {  	s20 =	simm.s32 $0x1900;
	[sflag:s30] =	ssyncadd.s32 $0xFFFFE700  }
0x1e: {  	[tilespmem:s20], [sflag:$0x1] =	stream.indirect.gather [hbm4b:s5+s24], $0x40, s3, s24, $0xb8;
	[tilespmem:$0x1F900] =	vst v63  }
0x1f: {  	s21 =	simm.s32 $0xB900  }
0x20: {  	[tilespmem:s21], [sflag:$0x6] =	stream.indirect.gather [hbm4b:s6+s24], $0x40, s3, s24, $0xb8;
	[tilespmem:$0x1F900] =	vst v63  }
0x21: {  	s25 =	simm.s32 $0x3900  }
0x22: {  	[tilespmem:s25], [sflag:$0x2] =	stream.indirect.gather [hbm4b:s5+s24], $0x40, s24, s24, $0xb8;
	[tilespmem:$0x1F900] =	vst v63  }
0x23: {  	s29 =	simm.s32 $0xD900  }
0x24: {  	[tilespmem:s29], [sflag:$0x7] =	stream.indirect.gather [hbm4b:s6+s24], $0x40, s24, s24, $0xb8;
	[tilespmem:$0x1F900] =	vst v63  }
0x25: {  	s30 =	simm.s32 $0x100;
	s21 =	simm.s32 $0x5900  }
0x26: {  	[tilespmem:s21], [sflag:$0x3] =	stream.indirect.gather [hbm4b:s5+s24], $0x40, s30, s24, $0xb8;
	[tilespmem:$0x1F900] =	vst v63  }
0x27: {  	s25 =	simm.s32 $0xF900  }
0x28: {  	[tilespmem:s25], [sflag:$0x8] =	stream.indirect.gather [hbm4b:s6+s24], $0x40, s30, s24, $0xb8;
	[tilespmem:$0x1F900] =	vst v63  }
0x29: {  	s29 =	simm.s32 $0x180;
	s30 =	simm.s32 $0x7900  }
0x2a: {  	[tilespmem:s30], [sflag:$0x4] =	stream.indirect.gather [hbm4b:s5+s24], $0x40, s29, s24, $0xb8;
	[tilespmem:$0x1F900] =	vst v63  }
0x2b: {  	s21 =	simm.s32 $0x11900  }
0x2c: {  	[tilespmem:s21], [sflag:$0x9] =	stream.indirect.gather [hbm4b:s6+s24], $0x40, s29, s24, $0xb8;
	[tilespmem:$0x1F900] =	vst v63  }
0x2d: {  	s25 =	simm.s32 $0x200;
	s29 =	simm.s32 $0x9900  }
0x2e: {  	[tilespmem:s29], [sflag:$0x5] =	stream.indirect.gather [hbm4b:s5+s24], $0x40, s25, s24, $0xb8;
	[tilespmem:$0x1F900] =	vst v63  }
0x2f: {  	s30 =	simm.s32 $0x13900  }
0x30: {  	[tilespmem:s30], [sflag:$0xA] =	stream.indirect.gather [hbm4b:s6+s24], $0x40, s25, s24, $0xb8;
	[tilespmem:$0x1F900] =	vst v63  }
0x31: {  	_ =	swait.ge [sflag:s12], $0x2000  }
0x32: {  	[sflag:s12] =	ssyncset.done $0x0  }
0x33: {  	[sflag:s12] =	ssyncadd.s32 $0xFFFFE000  }
0x34: {  	_ =	swait.ge [sflag:s0], $0x2000  }
0x35: {  	[sflag:s0] =	ssyncset.done $0x0  }
0x36: {  	s11 =	simm.s32 $0x0;
	[sflag:s0] =	ssyncadd.s32 $0xFFFFE000  }
0x37: {  	v2 =	vld [tilespmem:s11+$0x1930]  }
0x38: {  	v4 =	vld [tilespmem:s11+$0xB930]  }
0x39: {  	v5 =	vld [tilespmem:s11+$0x1900]  }
0x3a: {  	v6 =	vld [tilespmem:s11+$0xB900]  }
0x3b: {  	v1 =	vld [tilespmem:s11+$0x1910]  }
0x3c: {  	v3 =	vld [tilespmem:s11+$0xB910]  }
0x3d: {  	v0 =	vld [tilespmem:s11+$0x1920];
	v7 =	vadd.f32 v4, v2  }
0x3e: {  	s20 =	simm.s32 $0x40;
	v4 =	vld [tilespmem:s11+$0xB920]  }
0x3f: {  	s21 =	simm.s32 $0x200;
	v2 =	vld [tilespmem:s20+$0x1930];
	v5 =	vadd.f32 v6, v5;
	[tilespmem:s11+$0x15930] =	vst v7  }
.LBB2_2:
0x40: {  	p0 =	sne.s32 s21, $0x7F00;
	v6 =	vld [tilespmem:s20+$0xB930]  }
0x41: {  	v7 =	vld [tilespmem:s20+$0x1900];
	[tilespmem:s11+$0x15900] =	vst v5;
	v3 =	vadd.f32 v3, v1  }
0x42: {  	v5 =	vld [tilespmem:s20+$0xB900]  }
.Ltmp0:
0x43: {  	v1 =	vld [tilespmem:s20+$0x1910];
	[tilespmem:s11+$0x15910] =	vst v3;
	v4 =	vadd.f32 v4, v0;
	(pc) =	sbr.rel @p0 .LBB2_2-.Ltmp0, $4  }
0x44: {  	v3 =	vld [tilespmem:s20+$0xB910]  }
0x45: {  	v0 =	vld [tilespmem:s20+$0x1920];
	v6 =	vadd.f32 v6, v2;
	[tilespmem:s11+$0x15920] =	vst v4;
	s11 =	smov.u32 s20  }
0x46: {  	s20 =	sshra.s32 s21, $0x2;
	v4 =	vld [tilespmem:s11+$0xB920]  }
0x47: {  	s21 =	sadd.s32 $0x100, s21;
	v2 =	vld [tilespmem:s20+$0x1930];
	v5 =	vadd.f32 v5, v7;
	[tilespmem:s11+$0x15930] =	vst v6  }
0x48: {  	v6 =	vld [tilespmem:s20+$0xB930]  }
0x49: {  	v7 =	vld [tilespmem:s20+$0x1900];
	[tilespmem:s11+$0x15900] =	vst v5;
	v1 =	vadd.f32 v3, v1  }
0x4a: {  	v3 =	vld [tilespmem:s20+$0xB900]  }
0x4b: {  	v5 =	vld [tilespmem:s20+$0x1910];
	[tilespmem:s11+$0x15910] =	vst v1;
	v0 =	vadd.f32 v4, v0  }
0x4c: {  	v1 =	vld [tilespmem:s20+$0xB910]  }
0x4d: {  	v4 =	vld [tilespmem:s20+$0x1920];
	[tilespmem:s11+$0x15920] =	vst v0  }
0x4e: {  	v0 =	vld [tilespmem:s20+$0xB920];
	_ =	sdelay $0x1  }
0x4f: {  	v2 =	vadd.f32 v6, v2  }
0x50: {  	v3 =	vadd.f32 v3, v7  }
0x51: {  	[tilespmem:s20+$0x15930] =	vst v2;
	v1 =	vadd.f32 v1, v5  }
0x52: {  	[tilespmem:s20+$0x15900] =	vst v3;
	v0 =	vadd.f32 v0, v4  }
0x53: {  	[tilespmem:s20+$0x15910] =	vst v1  }
0x54: {  	s29 =	simm.s32 $0x0;
	s30 =	rddreg [dreg:$0x3];
	s21 =	simm.s32 $0x15900;
	[tilespmem:s20+$0x15920] =	vst v0  }
0x55: {  	[hbm4b:s30+s29] =	stream.linear.scatter [tilespmem:s21], [sflag:$0xB], $0x2000, $0x38;
	[tilespmem:$0x1F900] =	vst v63  }
0x56: {  	s25 =	simm.s32 $0x1900;
	s29 =	simm.s32 $0x280  }
0x57: {  	[tilespmem:s25], [sflag:$0x1] =	stream.indirect.gather [hbm4b:s5+s24], $0x40, s29, s24, $0xb8;
	[tilespmem:$0x1F900] =	vst v63  }
0x58: {  	s30 =	simm.s32 $0xB900  }
0x59: {  	[tilespmem:s30], [sflag:$0x6] =	stream.indirect.gather [hbm4b:s6+s24], $0x40, s29, s24, $0xb8;
	[tilespmem:$0x1F900] =	vst v63  }
0x5a: {  	_ =	swait.ge [sflag:s18], $0x2000  }
0x5b: {  	[sflag:s18] =	ssyncset.done $0x0  }
0x5c: {  	[sflag:s18] =	ssyncadd.s32 $0xFFFFE000  }
0x5d: {  	_ =	swait.ge [sflag:s19], $0x2000  }
0x5e: {  	[sflag:s19] =	ssyncset.done $0x0  }
0x5f: {  	s11 =	simm.s32 $0x0;
	[sflag:s19] =	ssyncadd.s32 $0xFFFFE000  }
0x60: {  	v2 =	vld [tilespmem:s11+$0x3930]  }
0x61: {  	v4 =	vld [tilespmem:s11+$0xD930]  }
0x62: {  	v5 =	vld [tilespmem:s11+$0x3900]  }
0x63: {  	v6 =	vld [tilespmem:s11+$0xD900]  }
0x64: {  	v1 =	vld [tilespmem:s11+$0x3910]  }
0x65: {  	v3 =	vld [tilespmem:s11+$0xD910]  }
0x66: {  	v0 =	vld [tilespmem:s11+$0x3920];
	v7 =	vadd.f32 v4, v2  }
0x67: {  	s20 =	simm.s32 $0x40;
	v4 =	vld [tilespmem:s11+$0xD920]  }
0x68: {  	s21 =	simm.s32 $0x200;
	v2 =	vld [tilespmem:s20+$0x3930];
	v5 =	vadd.f32 v6, v5;
	[tilespmem:s11+$0x17930] =	vst v7  }
.LBB2_4:
0x69: {  	p0 =	sne.s32 s21, $0x7F00;
	v6 =	vld [tilespmem:s20+$0xD930]  }
0x6a: {  	v7 =	vld [tilespmem:s20+$0x3900];
	[tilespmem:s11+$0x17900] =	vst v5;
	v3 =	vadd.f32 v3, v1  }
0x6b: {  	v5 =	vld [tilespmem:s20+$0xD900]  }
.Ltmp1:
0x6c: {  	v1 =	vld [tilespmem:s20+$0x3910];
	[tilespmem:s11+$0x17910] =	vst v3;
	v4 =	vadd.f32 v4, v0;
	(pc) =	sbr.rel @p0 .LBB2_4-.Ltmp1, $4  }
0x6d: {  	v3 =	vld [tilespmem:s20+$0xD910]  }
0x6e: {  	v0 =	vld [tilespmem:s20+$0x3920];
	v6 =	vadd.f32 v6, v2;
	[tilespmem:s11+$0x17920] =	vst v4;
	s11 =	smov.u32 s20  }
0x6f: {  	s20 =	sshra.s32 s21, $0x2;
	v4 =	vld [tilespmem:s11+$0xD920]  }
0x70: {  	s21 =	sadd.s32 $0x100, s21;
	v2 =	vld [tilespmem:s20+$0x3930];
	v5 =	vadd.f32 v5, v7;
	[tilespmem:s11+$0x17930] =	vst v6  }
0x71: {  	v6 =	vld [tilespmem:s20+$0xD930]  }
0x72: {  	v7 =	vld [tilespmem:s20+$0x3900];
	[tilespmem:s11+$0x17900] =	vst v5;
	v1 =	vadd.f32 v3, v1  }
0x73: {  	v3 =	vld [tilespmem:s20+$0xD900]  }
0x74: {  	v5 =	vld [tilespmem:s20+$0x3910];
	[tilespmem:s11+$0x17910] =	vst v1;
	v0 =	vadd.f32 v4, v0  }
0x75: {  	v1 =	vld [tilespmem:s20+$0xD910]  }
0x76: {  	v4 =	vld [tilespmem:s20+$0x3920];
	[tilespmem:s11+$0x17920] =	vst v0  }
0x77: {  	v0 =	vld [tilespmem:s20+$0xD920];
	_ =	sdelay $0x1  }
0x78: {  	v2 =	vadd.f32 v6, v2  }
0x79: {  	v3 =	vadd.f32 v3, v7  }
0x7a: {  	[tilespmem:s20+$0x17930] =	vst v2;
	v1 =	vadd.f32 v1, v5  }
0x7b: {  	[tilespmem:s20+$0x17900] =	vst v3;
	v0 =	vadd.f32 v0, v4  }
0x7c: {  	[tilespmem:s20+$0x17910] =	vst v1  }
0x7d: {  	s29 =	simm.s32 $0x0;
	s30 =	rddreg [dreg:$0x5];
	s21 =	simm.s32 $0x17900;
	[tilespmem:s20+$0x17920] =	vst v0  }
0x7e: {  	[hbm4b:s30+s29] =	stream.linear.scatter [tilespmem:s21], [sflag:$0xC], $0x2000, $0x38;
	[tilespmem:$0x1F900] =	vst v63  }
0x7f: {  	s25 =	simm.s32 $0x3900;
	s29 =	simm.s32 $0x300  }
0x80: {  	[tilespmem:s25], [sflag:$0x2] =	stream.indirect.gather [hbm4b:s5+s24], $0x40, s29, s24, $0xb8;
	[tilespmem:$0x1F900] =	vst v63  }
0x81: {  	s30 =	simm.s32 $0xD900  }
0x82: {  	[tilespmem:s30], [sflag:$0x7] =	stream.indirect.gather [hbm4b:s6+s24], $0x40, s29, s24, $0xb8;
	[tilespmem:$0x1F900] =	vst v63  }
0x83: {  	_ =	swait.ge [sflag:s17], $0x2000  }
0x84: {  	[sflag:s17] =	ssyncset.done $0x0  }
0x85: {  	[sflag:s17] =	ssyncadd.s32 $0xFFFFE000  }
0x86: {  	_ =	swait.ge [sflag:s22], $0x2000  }
0x87: {  	[sflag:s22] =	ssyncset.done $0x0  }
0x88: {  	s11 =	simm.s32 $0x0;
	[sflag:s22] =	ssyncadd.s32 $0xFFFFE000  }
0x89: {  	v2 =	vld [tilespmem:s11+$0x5930]  }
0x8a: {  	v4 =	vld [tilespmem:s11+$0xF930]  }
0x8b: {  	v5 =	vld [tilespmem:s11+$0x5900]  }
0x8c: {  	v6 =	vld [tilespmem:s11+$0xF900]  }
0x8d: {  	v1 =	vld [tilespmem:s11+$0x5910]  }
0x8e: {  	v3 =	vld [tilespmem:s11+$0xF910]  }
0x8f: {  	v0 =	vld [tilespmem:s11+$0x5920];
	v7 =	vadd.f32 v4, v2  }
0x90: {  	s20 =	simm.s32 $0x40;
	v4 =	vld [tilespmem:s11+$0xF920]  }
0x91: {  	s21 =	simm.s32 $0x200;
	v2 =	vld [tilespmem:s20+$0x5930];
	v5 =	vadd.f32 v6, v5;
	[tilespmem:s11+$0x19930] =	vst v7  }
.LBB2_6:
0x92: {  	p0 =	sne.s32 s21, $0x7F00;
	v6 =	vld [tilespmem:s20+$0xF930]  }
0x93: {  	v7 =	vld [tilespmem:s20+$0x5900];
	[tilespmem:s11+$0x19900] =	vst v5;
	v3 =	vadd.f32 v3, v1  }
0x94: {  	v5 =	vld [tilespmem:s20+$0xF900]  }
.Ltmp2:
0x95: {  	v1 =	vld [tilespmem:s20+$0x5910];
	[tilespmem:s11+$0x19910] =	vst v3;
	v4 =	vadd.f32 v4, v0;
	(pc) =	sbr.rel @p0 .LBB2_6-.Ltmp2, $4  }
0x96: {  	v3 =	vld [tilespmem:s20+$0xF910]  }
0x97: {  	v0 =	vld [tilespmem:s20+$0x5920];
	v6 =	vadd.f32 v6, v2;
	[tilespmem:s11+$0x19920] =	vst v4;
	s11 =	smov.u32 s20  }
0x98: {  	s20 =	sshra.s32 s21, $0x2;
	v4 =	vld [tilespmem:s11+$0xF920]  }
0x99: {  	s21 =	sadd.s32 $0x100, s21;
	v2 =	vld [tilespmem:s20+$0x5930];
	v5 =	vadd.f32 v5, v7;
	[tilespmem:s11+$0x19930] =	vst v6  }
0x9a: {  	v6 =	vld [tilespmem:s20+$0xF930]  }
0x9b: {  	v7 =	vld [tilespmem:s20+$0x5900];
	[tilespmem:s11+$0x19900] =	vst v5;
	v1 =	vadd.f32 v3, v1  }
0x9c: {  	v3 =	vld [tilespmem:s20+$0xF900]  }
0x9d: {  	v5 =	vld [tilespmem:s20+$0x5910];
	[tilespmem:s11+$0x19910] =	vst v1;
	v0 =	vadd.f32 v4, v0  }
0x9e: {  	v1 =	vld [tilespmem:s20+$0xF910]  }
0x9f: {  	v4 =	vld [tilespmem:s20+$0x5920];
	[tilespmem:s11+$0x19920] =	vst v0  }
0xa0: {  	v0 =	vld [tilespmem:s20+$0xF920];
	_ =	sdelay $0x1  }
0xa1: {  	v2 =	vadd.f32 v6, v2  }
0xa2: {  	v3 =	vadd.f32 v3, v7  }
0xa3: {  	[tilespmem:s20+$0x19930] =	vst v2;
	v1 =	vadd.f32 v1, v5  }
0xa4: {  	[tilespmem:s20+$0x19900] =	vst v3;
	v0 =	vadd.f32 v0, v4  }
0xa5: {  	[tilespmem:s20+$0x19910] =	vst v1  }
0xa6: {  	s29 =	simm.s32 $0x0;
	s30 =	rddreg [dreg:$0x6];
	s21 =	simm.s32 $0x19900;
	[tilespmem:s20+$0x19920] =	vst v0  }
0xa7: {  	[hbm4b:s30+s29] =	stream.linear.scatter [tilespmem:s21], [sflag:$0xD], $0x2000, $0x38;
	[tilespmem:$0x1F900] =	vst v63  }
0xa8: {  	s25 =	simm.s32 $0x5900;
	s29 =	simm.s32 $0x380  }
0xa9: {  	[tilespmem:s25], [sflag:$0x3] =	stream.indirect.gather [hbm4b:s5+s24], $0x40, s29, s24, $0xb8;
	[tilespmem:$0x1F900] =	vst v63  }
0xaa: {  	s30 =	simm.s32 $0xF900  }
0xab: {  	[tilespmem:s30], [sflag:$0x8] =	stream.indirect.gather [hbm4b:s6+s24], $0x40, s29, s24, $0xb8;
	[tilespmem:$0x1F900] =	vst v63  }
0xac: {  	_ =	swait.ge [sflag:s7], $0x2000  }
0xad: {  	[sflag:s7] =	ssyncset.done $0x0  }
0xae: {  	[sflag:s7] =	ssyncadd.s32 $0xFFFFE000  }
0xaf: {  	_ =	swait.ge [sflag:s23], $0x2000  }
0xb0: {  	[sflag:s23] =	ssyncset.done $0x0  }
0xb1: {  	s11 =	simm.s32 $0x0;
	[sflag:s23] =	ssyncadd.s32 $0xFFFFE000  }
0xb2: {  	v2 =	vld [tilespmem:s11+$0x7930]  }
0xb3: {  	v4 =	vld [tilespmem:s11+$0x11930]  }
0xb4: {  	v5 =	vld [tilespmem:s11+$0x7900]  }
0xb5: {  	v6 =	vld [tilespmem:s11+$0x11900]  }
0xb6: {  	v1 =	vld [tilespmem:s11+$0x7910]  }
0xb7: {  	v3 =	vld [tilespmem:s11+$0x11910]  }
0xb8: {  	v0 =	vld [tilespmem:s11+$0x7920];
	v7 =	vadd.f32 v4, v2  }
0xb9: {  	s20 =	simm.s32 $0x40;
	v4 =	vld [tilespmem:s11+$0x11920]  }
0xba: {  	s21 =	simm.s32 $0x200;
	v2 =	vld [tilespmem:s20+$0x7930];
	v5 =	vadd.f32 v6, v5;
	[tilespmem:s11+$0x1B930] =	vst v7  }
.LBB2_8:
0xbb: {  	p0 =	sne.s32 s21, $0x7F00;
	v6 =	vld [tilespmem:s20+$0x11930]  }
0xbc: {  	v7 =	vld [tilespmem:s20+$0x7900];
	[tilespmem:s11+$0x1B900] =	vst v5;
	v3 =	vadd.f32 v3, v1  }
0xbd: {  	v5 =	vld [tilespmem:s20+$0x11900]  }
.Ltmp3:
0xbe: {  	v1 =	vld [tilespmem:s20+$0x7910];
	[tilespmem:s11+$0x1B910] =	vst v3;
	v4 =	vadd.f32 v4, v0;
	(pc) =	sbr.rel @p0 .LBB2_8-.Ltmp3, $4  }
0xbf: {  	v3 =	vld [tilespmem:s20+$0x11910]  }
0xc0: {  	v0 =	vld [tilespmem:s20+$0x7920];
	v6 =	vadd.f32 v6, v2;
	[tilespmem:s11+$0x1B920] =	vst v4;
	s11 =	smov.u32 s20  }
0xc1: {  	s20 =	sshra.s32 s21, $0x2;
	v4 =	vld [tilespmem:s11+$0x11920]  }
0xc2: {  	s21 =	sadd.s32 $0x100, s21;
	v2 =	vld [tilespmem:s20+$0x7930];
	v5 =	vadd.f32 v5, v7;
	[tilespmem:s11+$0x1B930] =	vst v6  }
0xc3: {  	v6 =	vld [tilespmem:s20+$0x11930]  }
0xc4: {  	v7 =	vld [tilespmem:s20+$0x7900];
	[tilespmem:s11+$0x1B900] =	vst v5;
	v1 =	vadd.f32 v3, v1  }
0xc5: {  	v3 =	vld [tilespmem:s20+$0x11900]  }
0xc6: {  	v5 =	vld [tilespmem:s20+$0x7910];
	[tilespmem:s11+$0x1B910] =	vst v1;
	v0 =	vadd.f32 v4, v0  }
0xc7: {  	v1 =	vld [tilespmem:s20+$0x11910]  }
0xc8: {  	v4 =	vld [tilespmem:s20+$0x7920];
	[tilespmem:s11+$0x1B920] =	vst v0  }
0xc9: {  	v0 =	vld [tilespmem:s20+$0x11920];
	_ =	sdelay $0x1  }
0xca: {  	v2 =	vadd.f32 v6, v2  }
0xcb: {  	v3 =	vadd.f32 v3, v7  }
0xcc: {  	[tilespmem:s20+$0x1B930] =	vst v2;
	v1 =	vadd.f32 v1, v5  }
0xcd: {  	[tilespmem:s20+$0x1B900] =	vst v3;
	v0 =	vadd.f32 v0, v4  }
0xce: {  	[tilespmem:s20+$0x1B910] =	vst v1  }
0xcf: {  	s29 =	simm.s32 $0x0;
	s30 =	rddreg [dreg:$0x7];
	s21 =	simm.s32 $0x1B900;
	[tilespmem:s20+$0x1B920] =	vst v0  }
0xd0: {  	[hbm4b:s30+s29] =	stream.linear.scatter [tilespmem:s21], [sflag:$0xE], $0x2000, $0x38;
	[tilespmem:$0x1F900] =	vst v63  }
0xd1: {  	s25 =	simm.s32 $0x7900;
	s29 =	simm.s32 $0x400  }
0xd2: {  	[tilespmem:s25], [sflag:$0x4] =	stream.indirect.gather [hbm4b:s5+s24], $0x40, s29, s24, $0xb8;
	[tilespmem:$0x1F900] =	vst v63  }
0xd3: {  	s30 =	simm.s32 $0x11900  }
0xd4: {  	[tilespmem:s30], [sflag:$0x9] =	stream.indirect.gather [hbm4b:s6+s24], $0x40, s29, s24, $0xb8;
	[tilespmem:$0x1F900] =	vst v63  }
0xd5: {  	_ =	swait.ge [sflag:s26], $0x2000  }
0xd6: {  	[sflag:s26] =	ssyncset.done $0x0  }
0xd7: {  	[sflag:s26] =	ssyncadd.s32 $0xFFFFE000  }
0xd8: {  	_ =	swait.ge [sflag:s28], $0x2000  }
0xd9: {  	[sflag:s28] =	ssyncset.done $0x0  }
0xda: {  	s11 =	simm.s32 $0x0;
	[sflag:s28] =	ssyncadd.s32 $0xFFFFE000  }
0xdb: {  	v2 =	vld [tilespmem:s11+$0x9930]  }
0xdc: {  	v4 =	vld [tilespmem:s11+$0x13930]  }
0xdd: {  	v5 =	vld [tilespmem:s11+$0x9900]  }
0xde: {  	v6 =	vld [tilespmem:s11+$0x13900]  }
0xdf: {  	v1 =	vld [tilespmem:s11+$0x9910]  }
0xe0: {  	v3 =	vld [tilespmem:s11+$0x13910]  }
0xe1: {  	v0 =	vld [tilespmem:s11+$0x9920];
	v7 =	vadd.f32 v4, v2  }
0xe2: {  	s20 =	simm.s32 $0x40;
	v4 =	vld [tilespmem:s11+$0x13920]  }
0xe3: {  	s21 =	simm.s32 $0x200;
	v2 =	vld [tilespmem:s20+$0x9930];
	v5 =	vadd.f32 v6, v5;
	[tilespmem:s11+$0x1D930] =	vst v7  }
.LBB2_10:
0xe4: {  	p0 =	sne.s32 s21, $0x7F00;
	v6 =	vld [tilespmem:s20+$0x13930]  }
0xe5: {  	v7 =	vld [tilespmem:s20+$0x9900];
	[tilespmem:s11+$0x1D900] =	vst v5;
	v3 =	vadd.f32 v3, v1  }
0xe6: {  	v5 =	vld [tilespmem:s20+$0x13900]  }
.Ltmp4:
0xe7: {  	v1 =	vld [tilespmem:s20+$0x9910];
	[tilespmem:s11+$0x1D910] =	vst v3;
	v4 =	vadd.f32 v4, v0;
	(pc) =	sbr.rel @p0 .LBB2_10-.Ltmp4, $4  }
0xe8: {  	v3 =	vld [tilespmem:s20+$0x13910]  }
0xe9: {  	v0 =	vld [tilespmem:s20+$0x9920];
	v6 =	vadd.f32 v6, v2;
	[tilespmem:s11+$0x1D920] =	vst v4;
	s11 =	smov.u32 s20  }
0xea: {  	s20 =	sshra.s32 s21, $0x2;
	v4 =	vld [tilespmem:s11+$0x13920]  }
0xeb: {  	s21 =	sadd.s32 $0x100, s21;
	v2 =	vld [tilespmem:s20+$0x9930];
	v5 =	vadd.f32 v5, v7;
	[tilespmem:s11+$0x1D930] =	vst v6  }
0xec: {  	v6 =	vld [tilespmem:s20+$0x13930]  }
0xed: {  	v7 =	vld [tilespmem:s20+$0x9900];
	[tilespmem:s11+$0x1D900] =	vst v5;
	v1 =	vadd.f32 v3, v1  }
0xee: {  	v62 =	vld [tilespmem:s20+$0x13900]  }
0xef: {  	v5 =	vld [tilespmem:s20+$0x9910];
	[tilespmem:s11+$0x1D910] =	vst v1;
	v0 =	vadd.f32 v4, v0  }
0xf0: {  	v1 =	vld [tilespmem:s20+$0x13910]  }
0xf1: {  	v63 =	vld [tilespmem:s20+$0x9920];
	[tilespmem:s11+$0x1D920] =	vst v0  }
0xf2: {  	v0 =	vld [tilespmem:s20+$0x13920];
	_ =	sdelay $0x1  }
0xf3: {  	v2 =	vadd.f32 v6, v2  }
0xf4: {  	v3 =	vadd.f32 v62, v7  }
0xf5: {  	[tilespmem:s20+$0x1D930] =	vst v2;
	v1 =	vadd.f32 v1, v5  }
0xf6: {  	[tilespmem:s20+$0x1D900] =	vst v3;
	v0 =	vadd.f32 v0, v63  }
0xf7: {  	[tilespmem:s20+$0x1D910] =	vst v1  }
0xf8: {  	s21 =	simm.s32 $0x1D900;
	[tilespmem:s20+$0x1D920] =	vst v0;
	s20 =	rddreg [dreg:$0x8]  }
0xf9: {  	[hbm4b:s20+s3] =	stream.linear.scatter [tilespmem:s21], [sflag:$0xF], $0x2000, $0x38;
	[tilespmem:$0x1F900] =	vst v63  }
0xfa: {  	s25 =	simm.s32 $0x9900;
	s29 =	simm.s32 $0x480  }
0xfb: {  	[tilespmem:s25], [sflag:$0x5] =	stream.indirect.gather [hbm4b:s5+s24], $0x40, s29, s24, $0xb8;
	[tilespmem:$0x1F900] =	vst v63  }
0xfc: {  	s30 =	simm.s32 $0x13900;
	s11 =	simm.s32 $0x1  }
0xfd: {  	[tilespmem:s30], [sflag:$0xA] =	stream.indirect.gather [hbm4b:s6+s24], $0x40, s29, s24, $0xb8;
	[tilespmem:$0x1F900] =	vst v63  }
.LBB2_12:
0xfe: {  	_ =	swait.ge [sflag:s12], $0x2000  }
0xff: {  	[sflag:s12] =	ssyncset.done $0x0  }
0x100: {  	[sflag:s12] =	ssyncadd.s32 $0xFFFFE000  }
0x101: {  	_ =	swait.ge [sflag:s0], $0x2000  }
0x102: {  	[sflag:s0] =	ssyncset.done $0x0  }
0x103: {  	[sflag:s0] =	ssyncadd.s32 $0xFFFFE000  }
0x104: {  	_ =	swait.ge [sflag:s31], $0x2000  }
0x105: {  	[sflag:s31] =	ssyncset.done $0x0  }
0x106: {  	s21 =	simm.s32 $0x0;
	[sflag:s31] =	ssyncadd.s32 $0xFFFFE000  }
0x107: {  	v2 =	vld [tilespmem:s21+$0x1930]  }
0x108: {  	v4 =	vld [tilespmem:s21+$0xB930]  }
0x109: {  	v5 =	vld [tilespmem:s21+$0x1900]  }
0x10a: {  	v6 =	vld [tilespmem:s21+$0xB900]  }
0x10b: {  	v1 =	vld [tilespmem:s21+$0x1910]  }
0x10c: {  	v3 =	vld [tilespmem:s21+$0xB910]  }
0x10d: {  	v0 =	vld [tilespmem:s21+$0x1920];
	v7 =	vadd.f32 v4, v2  }
0x10e: {  	s20 =	simm.s32 $0x40;
	v4 =	vld [tilespmem:s21+$0xB920]  }
0x10f: {  	s25 =	simm.s32 $0x200;
	v2 =	vld [tilespmem:s20+$0x1930];
	v5 =	vadd.f32 v6, v5;
	[tilespmem:s21+$0x15930] =	vst v7  }
.LBB2_13:
0x110: {  	p0 =	sne.s32 s25, $0x7F00;
	v6 =	vld [tilespmem:s20+$0xB930]  }
0x111: {  	v7 =	vld [tilespmem:s20+$0x1900];
	[tilespmem:s21+$0x15900] =	vst v5;
	v3 =	vadd.f32 v3, v1  }
0x112: {  	v5 =	vld [tilespmem:s20+$0xB900]  }
.Ltmp5:
0x113: {  	v1 =	vld [tilespmem:s20+$0x1910];
	[tilespmem:s21+$0x15910] =	vst v3;
	v4 =	vadd.f32 v4, v0;
	(pc) =	sbr.rel @p0 .LBB2_13-.Ltmp5, $4  }
0x114: {  	v3 =	vld [tilespmem:s20+$0xB910]  }
0x115: {  	v0 =	vld [tilespmem:s20+$0x1920];
	v6 =	vadd.f32 v6, v2;
	[tilespmem:s21+$0x15920] =	vst v4;
	s21 =	smov.u32 s20  }
0x116: {  	s20 =	sshra.s32 s25, $0x2;
	v4 =	vld [tilespmem:s21+$0xB920]  }
0x117: {  	s25 =	sadd.s32 $0x100, s25;
	v2 =	vld [tilespmem:s20+$0x1930];
	v5 =	vadd.f32 v5, v7;
	[tilespmem:s21+$0x15930] =	vst v6  }
0x118: {  	v6 =	vld [tilespmem:s20+$0xB930]  }
0x119: {  	v7 =	vld [tilespmem:s20+$0x1900];
	[tilespmem:s21+$0x15900] =	vst v5;
	v1 =	vadd.f32 v3, v1  }
0x11a: {  	v3 =	vld [tilespmem:s20+$0xB900]  }
0x11b: {  	v5 =	vld [tilespmem:s20+$0x1910];
	[tilespmem:s21+$0x15910] =	vst v1;
	v0 =	vadd.f32 v4, v0  }
0x11c: {  	v1 =	vld [tilespmem:s20+$0xB910]  }
0x11d: {  	v4 =	vld [tilespmem:s20+$0x1920];
	[tilespmem:s21+$0x15920] =	vst v0  }
0x11e: {  	v0 =	vld [tilespmem:s20+$0xB920];
	_ =	sdelay $0x1  }
0x11f: {  	s30 =	smul.u32 $0x280, s11;
	v2 =	vadd.f32 v6, v2  }
0x120: {  	v3 =	vadd.f32 v3, v7  }
0x121: {  	s25 =	sadd.s32 s4, s30;
	[tilespmem:s20+$0x15930] =	vst v2;
	v1 =	vadd.f32 v1, v5  }
0x122: {  	s21 =	sshll.u32 s25, $0x3;
	[tilespmem:s20+$0x15900] =	vst v3;
	v0 =	vadd.f32 v0, v4  }
0x123: {  	s29 =	simm.s32 $0x15900;
	s21 =	sand.u32 $0x1FFFFC00, s21;
	[tilespmem:s20+$0x15910] =	vst v1  }
0x124: {  	s25 =	smul.u32 $0xA00, s11;
	[tilespmem:s20+$0x15920] =	vst v0;
	s20 =	sadd.s32 s2, s21;
	s21 =	simm.s32 $0x0  }
0x125: {  	[hbm4b:s20+s21] =	stream.linear.scatter [tilespmem:s29], [sflag:$0xB], $0x2000, $0x38;
	[tilespmem:$0x1F900] =	vst v63  }
0x126: {  	s20 =	sshra.s32 s25, $0x2  }
0x127: {  	s25 =	simm.s32 $0x1900;
	s21 =	sadd.s32 $0x280, s20  }
0x128: {  	[tilespmem:s25], [sflag:$0x1] =	stream.indirect.gather [hbm4b:s5+s24], $0x40, s21, s24, $0xb8;
	[tilespmem:$0x1F900] =	vst v63  }
0x129: {  	s25 =	simm.s32 $0xB900  }
0x12a: {  	[tilespmem:s25], [sflag:$0x6] =	stream.indirect.gather [hbm4b:s6+s24], $0x40, s21, s24, $0xb8;
	[tilespmem:$0x1F900] =	vst v63  }
0x12b: {  	_ =	swait.ge [sflag:s18], $0x2000  }
0x12c: {  	[sflag:s18] =	ssyncset.done $0x0  }
0x12d: {  	[sflag:s18] =	ssyncadd.s32 $0xFFFFE000  }
0x12e: {  	_ =	swait.ge [sflag:s19], $0x2000  }
0x12f: {  	[sflag:s19] =	ssyncset.done $0x0  }
0x130: {  	[sflag:s19] =	ssyncadd.s32 $0xFFFFE000  }
0x131: {  	_ =	swait.ge [sflag:s1], $0x2000  }
0x132: {  	[sflag:s1] =	ssyncset.done $0x0  }
0x133: {  	s25 =	simm.s32 $0x0;
	[sflag:s1] =	ssyncadd.s32 $0xFFFFE000  }
0x134: {  	v2 =	vld [tilespmem:s25+$0x3930]  }
0x135: {  	v4 =	vld [tilespmem:s25+$0xD930]  }
0x136: {  	v5 =	vld [tilespmem:s25+$0x3900]  }
0x137: {  	v6 =	vld [tilespmem:s25+$0xD900]  }
0x138: {  	v1 =	vld [tilespmem:s25+$0x3910]  }
0x139: {  	v3 =	vld [tilespmem:s25+$0xD910]  }
0x13a: {  	v0 =	vld [tilespmem:s25+$0x3920];
	v7 =	vadd.f32 v4, v2  }
0x13b: {  	s21 =	simm.s32 $0x40;
	v4 =	vld [tilespmem:s25+$0xD920]  }
0x13c: {  	s29 =	simm.s32 $0x200;
	v2 =	vld [tilespmem:s21+$0x3930];
	v5 =	vadd.f32 v6, v5;
	[tilespmem:s25+$0x17930] =	vst v7  }
.LBB2_15:
0x13d: {  	p0 =	sne.s32 s29, $0x7F00;
	v6 =	vld [tilespmem:s21+$0xD930]  }
0x13e: {  	v7 =	vld [tilespmem:s21+$0x3900];
	[tilespmem:s25+$0x17900] =	vst v5;
	v3 =	vadd.f32 v3, v1  }
0x13f: {  	v5 =	vld [tilespmem:s21+$0xD900]  }
.Ltmp6:
0x140: {  	v1 =	vld [tilespmem:s21+$0x3910];
	[tilespmem:s25+$0x17910] =	vst v3;
	v4 =	vadd.f32 v4, v0;
	(pc) =	sbr.rel @p0 .LBB2_15-.Ltmp6, $4  }
0x141: {  	v3 =	vld [tilespmem:s21+$0xD910]  }
0x142: {  	v0 =	vld [tilespmem:s21+$0x3920];
	v6 =	vadd.f32 v6, v2;
	[tilespmem:s25+$0x17920] =	vst v4;
	s25 =	smov.u32 s21  }
0x143: {  	s21 =	sshra.s32 s29, $0x2;
	v4 =	vld [tilespmem:s25+$0xD920]  }
0x144: {  	s29 =	sadd.s32 $0x100, s29;
	v2 =	vld [tilespmem:s21+$0x3930];
	v5 =	vadd.f32 v5, v7;
	[tilespmem:s25+$0x17930] =	vst v6  }
0x145: {  	v6 =	vld [tilespmem:s21+$0xD930]  }
0x146: {  	v7 =	vld [tilespmem:s21+$0x3900];
	[tilespmem:s25+$0x17900] =	vst v5;
	v1 =	vadd.f32 v3, v1  }
0x147: {  	v3 =	vld [tilespmem:s21+$0xD900]  }
0x148: {  	v5 =	vld [tilespmem:s21+$0x3910];
	[tilespmem:s25+$0x17910] =	vst v1;
	v0 =	vadd.f32 v4, v0  }
0x149: {  	v1 =	vld [tilespmem:s21+$0xD910]  }
0x14a: {  	v4 =	vld [tilespmem:s21+$0x3920];
	[tilespmem:s25+$0x17920] =	vst v0  }
0x14b: {  	v0 =	vld [tilespmem:s21+$0xD920];
	_ =	sdelay $0x1  }
0x14c: {  	v2 =	vadd.f32 v6, v2  }
0x14d: {  	v3 =	vadd.f32 v3, v7  }
0x14e: {  	s25 =	sadd.s32 s30, s13;
	[tilespmem:s21+$0x17930] =	vst v2;
	v1 =	vadd.f32 v1, v5  }
0x14f: {  	s25 =	sshll.u32 s25, $0x3;
	[tilespmem:s21+$0x17900] =	vst v3;
	v0 =	vadd.f32 v0, v4  }
0x150: {  	s25 =	sand.u32 $0x1FFFFC00, s25;
	[tilespmem:s21+$0x17910] =	vst v1  }
0x151: {  	s29 =	simm.s32 $0x17900;
	[tilespmem:s21+$0x17920] =	vst v0;
	s21 =	sadd.s32 s2, s25;
	s25 =	simm.s32 $0x0  }
0x152: {  	[hbm4b:s21+s25] =	stream.linear.scatter [tilespmem:s29], [sflag:$0xC], $0x2000, $0x38;
	[tilespmem:$0x1F900] =	vst v63  }
0x153: {  	s21 =	sadd.s32 $0x300, s20;
	s25 =	simm.s32 $0x3900  }
0x154: {  	[tilespmem:s25], [sflag:$0x2] =	stream.indirect.gather [hbm4b:s5+s24], $0x40, s21, s24, $0xb8;
	[tilespmem:$0x1F900] =	vst v63  }
0x155: {  	s25 =	simm.s32 $0xD900  }
0x156: {  	[tilespmem:s25], [sflag:$0x7] =	stream.indirect.gather [hbm4b:s6+s24], $0x40, s21, s24, $0xb8;
	[tilespmem:$0x1F900] =	vst v63  }
0x157: {  	_ =	swait.ge [sflag:s17], $0x2000  }
0x158: {  	[sflag:s17] =	ssyncset.done $0x0  }
0x159: {  	[sflag:s17] =	ssyncadd.s32 $0xFFFFE000  }
0x15a: {  	_ =	swait.ge [sflag:s22], $0x2000  }
0x15b: {  	[sflag:s22] =	ssyncset.done $0x0  }
0x15c: {  	[sflag:s22] =	ssyncadd.s32 $0xFFFFE000  }
0x15d: {  	_ =	swait.ge [sflag:s8], $0x2000  }
0x15e: {  	[sflag:s8] =	ssyncset.done $0x0  }
0x15f: {  	s25 =	simm.s32 $0x0;
	[sflag:s8] =	ssyncadd.s32 $0xFFFFE000  }
0x160: {  	v2 =	vld [tilespmem:s25+$0x5930]  }
0x161: {  	v4 =	vld [tilespmem:s25+$0xF930]  }
0x162: {  	v5 =	vld [tilespmem:s25+$0x5900]  }
0x163: {  	v6 =	vld [tilespmem:s25+$0xF900]  }
0x164: {  	v1 =	vld [tilespmem:s25+$0x5910]  }
0x165: {  	v3 =	vld [tilespmem:s25+$0xF910]  }
0x166: {  	v0 =	vld [tilespmem:s25+$0x5920];
	v7 =	vadd.f32 v4, v2  }
0x167: {  	s21 =	simm.s32 $0x40;
	v4 =	vld [tilespmem:s25+$0xF920]  }
0x168: {  	s29 =	simm.s32 $0x200;
	v2 =	vld [tilespmem:s21+$0x5930];
	v5 =	vadd.f32 v6, v5;
	[tilespmem:s25+$0x19930] =	vst v7  }
.LBB2_17:
0x169: {  	p0 =	sne.s32 s29, $0x7F00;
	v6 =	vld [tilespmem:s21+$0xF930]  }
0x16a: {  	v7 =	vld [tilespmem:s21+$0x5900];
	[tilespmem:s25+$0x19900] =	vst v5;
	v3 =	vadd.f32 v3, v1  }
0x16b: {  	v5 =	vld [tilespmem:s21+$0xF900]  }
.Ltmp7:
0x16c: {  	v1 =	vld [tilespmem:s21+$0x5910];
	[tilespmem:s25+$0x19910] =	vst v3;
	v4 =	vadd.f32 v4, v0;
	(pc) =	sbr.rel @p0 .LBB2_17-.Ltmp7, $4  }
0x16d: {  	v3 =	vld [tilespmem:s21+$0xF910]  }
0x16e: {  	v0 =	vld [tilespmem:s21+$0x5920];
	v6 =	vadd.f32 v6, v2;
	[tilespmem:s25+$0x19920] =	vst v4;
	s25 =	smov.u32 s21  }
0x16f: {  	s21 =	sshra.s32 s29, $0x2;
	v4 =	vld [tilespmem:s25+$0xF920]  }
0x170: {  	s29 =	sadd.s32 $0x100, s29;
	v2 =	vld [tilespmem:s21+$0x5930];
	v5 =	vadd.f32 v5, v7;
	[tilespmem:s25+$0x19930] =	vst v6  }
0x171: {  	v6 =	vld [tilespmem:s21+$0xF930]  }
0x172: {  	v7 =	vld [tilespmem:s21+$0x5900];
	[tilespmem:s25+$0x19900] =	vst v5;
	v1 =	vadd.f32 v3, v1  }
0x173: {  	v3 =	vld [tilespmem:s21+$0xF900]  }
0x174: {  	v5 =	vld [tilespmem:s21+$0x5910];
	[tilespmem:s25+$0x19910] =	vst v1;
	v0 =	vadd.f32 v4, v0  }
0x175: {  	v1 =	vld [tilespmem:s21+$0xF910]  }
0x176: {  	v4 =	vld [tilespmem:s21+$0x5920];
	[tilespmem:s25+$0x19920] =	vst v0  }
0x177: {  	v0 =	vld [tilespmem:s21+$0xF920];
	_ =	sdelay $0x1  }
0x178: {  	v2 =	vadd.f32 v6, v2  }
0x179: {  	v3 =	vadd.f32 v3, v7  }
0x17a: {  	s25 =	sadd.s32 s30, s14;
	[tilespmem:s21+$0x19930] =	vst v2;
	v1 =	vadd.f32 v1, v5  }
0x17b: {  	s25 =	sshll.u32 s25, $0x3;
	[tilespmem:s21+$0x19900] =	vst v3;
	v0 =	vadd.f32 v0, v4  }
0x17c: {  	s25 =	sand.u32 $0x1FFFFC00, s25;
	[tilespmem:s21+$0x19910] =	vst v1  }
0x17d: {  	s29 =	simm.s32 $0x19900;
	[tilespmem:s21+$0x19920] =	vst v0;
	s21 =	sadd.s32 s2, s25;
	s25 =	simm.s32 $0x0  }
0x17e: {  	[hbm4b:s21+s25] =	stream.linear.scatter [tilespmem:s29], [sflag:$0xD], $0x2000, $0x38;
	[tilespmem:$0x1F900] =	vst v63  }
0x17f: {  	s21 =	sadd.s32 $0x380, s20;
	s25 =	simm.s32 $0x5900  }
0x180: {  	[tilespmem:s25], [sflag:$0x3] =	stream.indirect.gather [hbm4b:s5+s24], $0x40, s21, s24, $0xb8;
	[tilespmem:$0x1F900] =	vst v63  }
0x181: {  	s25 =	simm.s32 $0xF900  }
0x182: {  	[tilespmem:s25], [sflag:$0x8] =	stream.indirect.gather [hbm4b:s6+s24], $0x40, s21, s24, $0xb8;
	[tilespmem:$0x1F900] =	vst v63  }
0x183: {  	_ =	swait.ge [sflag:s7], $0x2000  }
0x184: {  	[sflag:s7] =	ssyncset.done $0x0  }
0x185: {  	[sflag:s7] =	ssyncadd.s32 $0xFFFFE000  }
0x186: {  	_ =	swait.ge [sflag:s23], $0x2000  }
0x187: {  	[sflag:s23] =	ssyncset.done $0x0  }
0x188: {  	[sflag:s23] =	ssyncadd.s32 $0xFFFFE000  }
0x189: {  	_ =	swait.ge [sflag:s9], $0x2000  }
0x18a: {  	[sflag:s9] =	ssyncset.done $0x0  }
0x18b: {  	s25 =	simm.s32 $0x0;
	[sflag:s9] =	ssyncadd.s32 $0xFFFFE000  }
0x18c: {  	v2 =	vld [tilespmem:s25+$0x7930]  }
0x18d: {  	v4 =	vld [tilespmem:s25+$0x11930]  }
0x18e: {  	v5 =	vld [tilespmem:s25+$0x7900]  }
0x18f: {  	v6 =	vld [tilespmem:s25+$0x11900]  }
0x190: {  	v1 =	vld [tilespmem:s25+$0x7910]  }
0x191: {  	v3 =	vld [tilespmem:s25+$0x11910]  }
0x192: {  	v0 =	vld [tilespmem:s25+$0x7920];
	v7 =	vadd.f32 v4, v2  }
0x193: {  	s21 =	simm.s32 $0x40;
	v4 =	vld [tilespmem:s25+$0x11920]  }
0x194: {  	s29 =	simm.s32 $0x200;
	v2 =	vld [tilespmem:s21+$0x7930];
	v5 =	vadd.f32 v6, v5;
	[tilespmem:s25+$0x1B930] =	vst v7  }
.LBB2_19:
0x195: {  	p0 =	sne.s32 s29, $0x7F00;
	v6 =	vld [tilespmem:s21+$0x11930]  }
0x196: {  	v7 =	vld [tilespmem:s21+$0x7900];
	[tilespmem:s25+$0x1B900] =	vst v5;
	v3 =	vadd.f32 v3, v1  }
0x197: {  	v5 =	vld [tilespmem:s21+$0x11900]  }
.Ltmp8:
0x198: {  	v1 =	vld [tilespmem:s21+$0x7910];
	[tilespmem:s25+$0x1B910] =	vst v3;
	v4 =	vadd.f32 v4, v0;
	(pc) =	sbr.rel @p0 .LBB2_19-.Ltmp8, $4  }
0x199: {  	v3 =	vld [tilespmem:s21+$0x11910]  }
0x19a: {  	v0 =	vld [tilespmem:s21+$0x7920];
	v6 =	vadd.f32 v6, v2;
	[tilespmem:s25+$0x1B920] =	vst v4;
	s25 =	smov.u32 s21  }
0x19b: {  	s21 =	sshra.s32 s29, $0x2;
	v4 =	vld [tilespmem:s25+$0x11920]  }
0x19c: {  	s29 =	sadd.s32 $0x100, s29;
	v2 =	vld [tilespmem:s21+$0x7930];
	v5 =	vadd.f32 v5, v7;
	[tilespmem:s25+$0x1B930] =	vst v6  }
0x19d: {  	v6 =	vld [tilespmem:s21+$0x11930]  }
0x19e: {  	v7 =	vld [tilespmem:s21+$0x7900];
	[tilespmem:s25+$0x1B900] =	vst v5;
	v1 =	vadd.f32 v3, v1  }
0x19f: {  	v3 =	vld [tilespmem:s21+$0x11900]  }
0x1a0: {  	v5 =	vld [tilespmem:s21+$0x7910];
	[tilespmem:s25+$0x1B910] =	vst v1;
	v0 =	vadd.f32 v4, v0  }
0x1a1: {  	v1 =	vld [tilespmem:s21+$0x11910]  }
0x1a2: {  	v4 =	vld [tilespmem:s21+$0x7920];
	[tilespmem:s25+$0x1B920] =	vst v0  }
0x1a3: {  	v0 =	vld [tilespmem:s21+$0x11920];
	_ =	sdelay $0x1  }
0x1a4: {  	v2 =	vadd.f32 v6, v2  }
0x1a5: {  	v3 =	vadd.f32 v3, v7  }
0x1a6: {  	s25 =	sadd.s32 s30, s15;
	[tilespmem:s21+$0x1B930] =	vst v2;
	v1 =	vadd.f32 v1, v5  }
0x1a7: {  	s25 =	sshll.u32 s25, $0x3;
	[tilespmem:s21+$0x1B900] =	vst v3;
	v0 =	vadd.f32 v0, v4  }
0x1a8: {  	s25 =	sand.u32 $0x1FFFFC00, s25;
	[tilespmem:s21+$0x1B910] =	vst v1  }
0x1a9: {  	s29 =	simm.s32 $0x1B900;
	[tilespmem:s21+$0x1B920] =	vst v0;
	s21 =	sadd.s32 s2, s25;
	s25 =	simm.s32 $0x0  }
0x1aa: {  	[hbm4b:s21+s25] =	stream.linear.scatter [tilespmem:s29], [sflag:$0xE], $0x2000, $0x38;
	[tilespmem:$0x1F900] =	vst v63  }
0x1ab: {  	s21 =	sadd.s32 $0x400, s20;
	s25 =	simm.s32 $0x7900  }
0x1ac: {  	[tilespmem:s25], [sflag:$0x4] =	stream.indirect.gather [hbm4b:s5+s24], $0x40, s21, s24, $0xb8;
	[tilespmem:$0x1F900] =	vst v63  }
0x1ad: {  	s25 =	simm.s32 $0x11900  }
0x1ae: {  	[tilespmem:s25], [sflag:$0x9] =	stream.indirect.gather [hbm4b:s6+s24], $0x40, s21, s24, $0xb8;
	[tilespmem:$0x1F900] =	vst v63  }
0x1af: {  	_ =	swait.ge [sflag:s26], $0x2000  }
0x1b0: {  	[sflag:s26] =	ssyncset.done $0x0  }
0x1b1: {  	[sflag:s26] =	ssyncadd.s32 $0xFFFFE000  }
0x1b2: {  	_ =	swait.ge [sflag:s28], $0x2000  }
0x1b3: {  	[sflag:s28] =	ssyncset.done $0x0  }
0x1b4: {  	[sflag:s28] =	ssyncadd.s32 $0xFFFFE000  }
0x1b5: {  	_ =	swait.ge [sflag:s10], $0x2000  }
0x1b6: {  	[sflag:s10] =	ssyncset.done $0x0  }
0x1b7: {  	s25 =	simm.s32 $0x0;
	[sflag:s10] =	ssyncadd.s32 $0xFFFFE000  }
0x1b8: {  	v2 =	vld [tilespmem:s25+$0x9930]  }
0x1b9: {  	v4 =	vld [tilespmem:s25+$0x13930]  }
0x1ba: {  	v5 =	vld [tilespmem:s25+$0x9900]  }
0x1bb: {  	v6 =	vld [tilespmem:s25+$0x13900]  }
0x1bc: {  	v1 =	vld [tilespmem:s25+$0x9910]  }
0x1bd: {  	v3 =	vld [tilespmem:s25+$0x13910]  }
0x1be: {  	v0 =	vld [tilespmem:s25+$0x9920];
	v7 =	vadd.f32 v4, v2  }
0x1bf: {  	s21 =	simm.s32 $0x40;
	v4 =	vld [tilespmem:s25+$0x13920]  }
0x1c0: {  	s29 =	simm.s32 $0x200;
	v2 =	vld [tilespmem:s21+$0x9930];
	v5 =	vadd.f32 v6, v5;
	[tilespmem:s25+$0x1D930] =	vst v7  }
.LBB2_21:
0x1c1: {  	p0 =	sne.s32 s29, $0x7F00;
	v6 =	vld [tilespmem:s21+$0x13930]  }
0x1c2: {  	v7 =	vld [tilespmem:s21+$0x9900];
	[tilespmem:s25+$0x1D900] =	vst v5;
	v3 =	vadd.f32 v3, v1  }
0x1c3: {  	v5 =	vld [tilespmem:s21+$0x13900]  }
.Ltmp9:
0x1c4: {  	v1 =	vld [tilespmem:s21+$0x9910];
	[tilespmem:s25+$0x1D910] =	vst v3;
	v4 =	vadd.f32 v4, v0;
	(pc) =	sbr.rel @p0 .LBB2_21-.Ltmp9, $4  }
0x1c5: {  	v3 =	vld [tilespmem:s21+$0x13910]  }
0x1c6: {  	v0 =	vld [tilespmem:s21+$0x9920];
	v6 =	vadd.f32 v6, v2;
	[tilespmem:s25+$0x1D920] =	vst v4;
	s25 =	smov.u32 s21  }
0x1c7: {  	s21 =	sshra.s32 s29, $0x2;
	v4 =	vld [tilespmem:s25+$0x13920]  }
0x1c8: {  	s29 =	sadd.s32 $0x100, s29;
	v2 =	vld [tilespmem:s21+$0x9930];
	v5 =	vadd.f32 v5, v7;
	[tilespmem:s25+$0x1D930] =	vst v6  }
0x1c9: {  	v6 =	vld [tilespmem:s21+$0x13930]  }
0x1ca: {  	v7 =	vld [tilespmem:s21+$0x9900];
	[tilespmem:s25+$0x1D900] =	vst v5;
	v1 =	vadd.f32 v3, v1  }
0x1cb: {  	v62 =	vld [tilespmem:s21+$0x13900]  }
0x1cc: {  	v5 =	vld [tilespmem:s21+$0x9910];
	[tilespmem:s25+$0x1D910] =	vst v1;
	v0 =	vadd.f32 v4, v0  }
0x1cd: {  	v1 =	vld [tilespmem:s21+$0x13910]  }
0x1ce: {  	v63 =	vld [tilespmem:s21+$0x9920];
	[tilespmem:s25+$0x1D920] =	vst v0  }
0x1cf: {  	v0 =	vld [tilespmem:s21+$0x13920];
	_ =	sdelay $0x1  }
0x1d0: {  	v2 =	vadd.f32 v6, v2  }
0x1d1: {  	v3 =	vadd.f32 v62, v7  }
0x1d2: {  	s30 =	sadd.s32 s30, s16;
	[tilespmem:s21+$0x1D930] =	vst v2;
	v1 =	vadd.f32 v1, v5  }
0x1d3: {  	s25 =	sshll.u32 s30, $0x3;
	[tilespmem:s21+$0x1D900] =	vst v3;
	v0 =	vadd.f32 v0, v63  }
0x1d4: {  	s11 =	sadd.s32 $0x1, s11;
	s25 =	sand.u32 $0x1FFFFC00, s25;
	[tilespmem:s21+$0x1D910] =	vst v1  }
0x1d5: {  	p0 =	sne.s32 s11, $0x9;
	s30 =	simm.s32 $0x1D900;
	s29 =	sadd.s32 s2, s25;
	[tilespmem:s21+$0x1D920] =	vst v0  }
0x1d6: {  	[hbm4b:s29+s3] =	stream.linear.scatter [tilespmem:s30], [sflag:$0xF], $0x2000, $0x38;
	[tilespmem:$0x1F900] =	vst v63  }
.Ltmp10:
0x1d7: {  	_ = 	snop;
	(pc) =	sbr.rel @p0 .LBB2_12-.Ltmp10, $4  }
0x1d8: {  	s20 =	sadd.s32 $0x480, s20;
	s29 =	simm.s32 $0x9900  }
0x1d9: {  	[tilespmem:s29], [sflag:$0x5] =	stream.indirect.gather [hbm4b:s5+s24], $0x40, s20, s24, $0xb8;
	[tilespmem:$0x1F900] =	vst v63  }
0x1da: {  	s30 =	simm.s32 $0x13900  }
0x1db: {  	[tilespmem:s30], [sflag:$0xA] =	stream.indirect.gather [hbm4b:s6+s24], $0x40, s20, s24, $0xb8;
	[tilespmem:$0x1F900] =	vst v63  }
0x1dc: {  	_ =	swait.ge [sflag:s12], $0x2000  }
0x1dd: {  	[sflag:s12] =	ssyncset.done $0x0  }
0x1de: {  	[sflag:s12] =	ssyncadd.s32 $0xFFFFE000  }
0x1df: {  	_ =	swait.ge [sflag:s0], $0x2000  }
0x1e0: {  	[sflag:s0] =	ssyncset.done $0x0  }
0x1e1: {  	[sflag:s0] =	ssyncadd.s32 $0xFFFFE000  }
0x1e2: {  	_ =	swait.ge [sflag:s31], $0x2000  }
0x1e3: {  	[sflag:s31] =	ssyncset.done $0x0  }
0x1e4: {  	s11 =	simm.s32 $0x0;
	[sflag:s31] =	ssyncadd.s32 $0xFFFFE000  }
0x1e5: {  	v2 =	vld [tilespmem:s11+$0x1930]  }
0x1e6: {  	v4 =	vld [tilespmem:s11+$0xB930]  }
0x1e7: {  	v5 =	vld [tilespmem:s11+$0x1900]  }
0x1e8: {  	v6 =	vld [tilespmem:s11+$0xB900]  }
0x1e9: {  	v1 =	vld [tilespmem:s11+$0x1910]  }
0x1ea: {  	v3 =	vld [tilespmem:s11+$0xB910]  }
0x1eb: {  	v0 =	vld [tilespmem:s11+$0x1920];
	v7 =	vadd.f32 v4, v2  }
0x1ec: {  	s20 =	simm.s32 $0x40;
	v4 =	vld [tilespmem:s11+$0xB920]  }
0x1ed: {  	s21 =	simm.s32 $0x200;
	v2 =	vld [tilespmem:s20+$0x1930];
	v5 =	vadd.f32 v6, v5;
	[tilespmem:s11+$0x15930] =	vst v7  }
.LBB2_24:
0x1ee: {  	p0 =	sne.s32 s21, $0x7F00;
	v6 =	vld [tilespmem:s20+$0xB930]  }
0x1ef: {  	v7 =	vld [tilespmem:s20+$0x1900];
	[tilespmem:s11+$0x15900] =	vst v5;
	v3 =	vadd.f32 v3, v1  }
0x1f0: {  	v5 =	vld [tilespmem:s20+$0xB900]  }
.Ltmp11:
0x1f1: {  	v1 =	vld [tilespmem:s20+$0x1910];
	[tilespmem:s11+$0x15910] =	vst v3;
	v4 =	vadd.f32 v4, v0;
	(pc) =	sbr.rel @p0 .LBB2_24-.Ltmp11, $4  }
0x1f2: {  	v3 =	vld [tilespmem:s20+$0xB910]  }
0x1f3: {  	v0 =	vld [tilespmem:s20+$0x1920];
	v6 =	vadd.f32 v6, v2;
	[tilespmem:s11+$0x15920] =	vst v4;
	s11 =	smov.u32 s20  }
0x1f4: {  	s20 =	sshra.s32 s21, $0x2;
	v4 =	vld [tilespmem:s11+$0xB920]  }
0x1f5: {  	s21 =	sadd.s32 $0x100, s21;
	v2 =	vld [tilespmem:s20+$0x1930];
	v5 =	vadd.f32 v5, v7;
	[tilespmem:s11+$0x15930] =	vst v6  }
0x1f6: {  	v6 =	vld [tilespmem:s20+$0xB930]  }
0x1f7: {  	v7 =	vld [tilespmem:s20+$0x1900];
	[tilespmem:s11+$0x15900] =	vst v5;
	v1 =	vadd.f32 v3, v1  }
0x1f8: {  	v3 =	vld [tilespmem:s20+$0xB900]  }
0x1f9: {  	v5 =	vld [tilespmem:s20+$0x1910];
	[tilespmem:s11+$0x15910] =	vst v1;
	v0 =	vadd.f32 v4, v0  }
0x1fa: {  	v1 =	vld [tilespmem:s20+$0xB910]  }
0x1fb: {  	v4 =	vld [tilespmem:s20+$0x1920];
	[tilespmem:s11+$0x15920] =	vst v0  }
0x1fc: {  	v0 =	vld [tilespmem:s20+$0xB920];
	_ =	sdelay $0x1  }
0x1fd: {  	v2 =	vadd.f32 v6, v2  }
0x1fe: {  	v3 =	vadd.f32 v3, v7  }
0x1ff: {  	[tilespmem:s20+$0x15930] =	vst v2;
	v1 =	vadd.f32 v1, v5  }
0x200: {  	[tilespmem:s20+$0x15900] =	vst v3;
	v0 =	vadd.f32 v0, v4  }
0x201: {  	[tilespmem:s20+$0x15910] =	vst v1  }
0x202: {  	s29 =	simm.s32 $0x0;
	s30 =	rddreg [dreg:$0x9];
	s21 =	simm.s32 $0x15900;
	[tilespmem:s20+$0x15920] =	vst v0  }
0x203: {  	[hbm4b:s30+s29] =	stream.linear.scatter [tilespmem:s21], [sflag:$0xB], $0x2000, $0x38;
	[tilespmem:$0x1F900] =	vst v63  }
0x204: {  	_ =	swait.ge [sflag:s18], $0x2000  }
0x205: {  	[sflag:s18] =	ssyncset.done $0x0  }
0x206: {  	[sflag:s18] =	ssyncadd.s32 $0xFFFFE000  }
0x207: {  	_ =	swait.ge [sflag:s19], $0x2000  }
0x208: {  	[sflag:s19] =	ssyncset.done $0x0  }
0x209: {  	[sflag:s19] =	ssyncadd.s32 $0xFFFFE000  }
0x20a: {  	_ =	swait.ge [sflag:s1], $0x2000  }
0x20b: {  	[sflag:s1] =	ssyncset.done $0x0  }
0x20c: {  	s11 =	simm.s32 $0x0;
	[sflag:s1] =	ssyncadd.s32 $0xFFFFE000  }
0x20d: {  	v2 =	vld [tilespmem:s11+$0x3930]  }
0x20e: {  	v4 =	vld [tilespmem:s11+$0xD930]  }
0x20f: {  	v5 =	vld [tilespmem:s11+$0x3900]  }
0x210: {  	v6 =	vld [tilespmem:s11+$0xD900]  }
0x211: {  	v1 =	vld [tilespmem:s11+$0x3910]  }
0x212: {  	v3 =	vld [tilespmem:s11+$0xD910]  }
0x213: {  	v0 =	vld [tilespmem:s11+$0x3920];
	v7 =	vadd.f32 v4, v2  }
0x214: {  	s20 =	simm.s32 $0x40;
	v4 =	vld [tilespmem:s11+$0xD920]  }
0x215: {  	s21 =	simm.s32 $0x200;
	v2 =	vld [tilespmem:s20+$0x3930];
	v5 =	vadd.f32 v6, v5;
	[tilespmem:s11+$0x17930] =	vst v7  }
.LBB2_26:
0x216: {  	p0 =	sne.s32 s21, $0x7F00;
	v6 =	vld [tilespmem:s20+$0xD930]  }
0x217: {  	v7 =	vld [tilespmem:s20+$0x3900];
	[tilespmem:s11+$0x17900] =	vst v5;
	v3 =	vadd.f32 v3, v1  }
0x218: {  	v5 =	vld [tilespmem:s20+$0xD900]  }
.Ltmp12:
0x219: {  	v1 =	vld [tilespmem:s20+$0x3910];
	[tilespmem:s11+$0x17910] =	vst v3;
	v4 =	vadd.f32 v4, v0;
	(pc) =	sbr.rel @p0 .LBB2_26-.Ltmp12, $4  }
0x21a: {  	v3 =	vld [tilespmem:s20+$0xD910]  }
0x21b: {  	v0 =	vld [tilespmem:s20+$0x3920];
	v6 =	vadd.f32 v6, v2;
	[tilespmem:s11+$0x17920] =	vst v4;
	s11 =	smov.u32 s20  }
0x21c: {  	s20 =	sshra.s32 s21, $0x2;
	v4 =	vld [tilespmem:s11+$0xD920]  }
0x21d: {  	s21 =	sadd.s32 $0x100, s21;
	v2 =	vld [tilespmem:s20+$0x3930];
	v5 =	vadd.f32 v5, v7;
	[tilespmem:s11+$0x17930] =	vst v6  }
0x21e: {  	v6 =	vld [tilespmem:s20+$0xD930]  }
0x21f: {  	v7 =	vld [tilespmem:s20+$0x3900];
	[tilespmem:s11+$0x17900] =	vst v5;
	v1 =	vadd.f32 v3, v1  }
0x220: {  	v3 =	vld [tilespmem:s20+$0xD900]  }
0x221: {  	v5 =	vld [tilespmem:s20+$0x3910];
	[tilespmem:s11+$0x17910] =	vst v1;
	v0 =	vadd.f32 v4, v0  }
0x222: {  	v1 =	vld [tilespmem:s20+$0xD910]  }
0x223: {  	v4 =	vld [tilespmem:s20+$0x3920];
	[tilespmem:s11+$0x17920] =	vst v0  }
0x224: {  	v0 =	vld [tilespmem:s20+$0xD920];
	_ =	sdelay $0x1  }
0x225: {  	v2 =	vadd.f32 v6, v2  }
0x226: {  	v3 =	vadd.f32 v3, v7  }
0x227: {  	[tilespmem:s20+$0x17930] =	vst v2;
	v1 =	vadd.f32 v1, v5  }
0x228: {  	[tilespmem:s20+$0x17900] =	vst v3;
	v0 =	vadd.f32 v0, v4  }
0x229: {  	[tilespmem:s20+$0x17910] =	vst v1  }
0x22a: {  	s29 =	simm.s32 $0x0;
	s30 =	rddreg [dreg:$0xa];
	s21 =	simm.s32 $0x17900;
	[tilespmem:s20+$0x17920] =	vst v0  }
0x22b: {  	[hbm4b:s30+s29] =	stream.linear.scatter [tilespmem:s21], [sflag:$0xC], $0x2000, $0x38;
	[tilespmem:$0x1F900] =	vst v63  }
0x22c: {  	_ =	swait.ge [sflag:s17], $0x2000  }
0x22d: {  	[sflag:s17] =	ssyncset.done $0x0  }
0x22e: {  	[sflag:s17] =	ssyncadd.s32 $0xFFFFE000  }
0x22f: {  	_ =	swait.ge [sflag:s22], $0x2000  }
0x230: {  	[sflag:s22] =	ssyncset.done $0x0  }
0x231: {  	[sflag:s22] =	ssyncadd.s32 $0xFFFFE000  }
0x232: {  	_ =	swait.ge [sflag:s8], $0x2000  }
0x233: {  	[sflag:s8] =	ssyncset.done $0x0  }
0x234: {  	s11 =	simm.s32 $0x0;
	[sflag:s8] =	ssyncadd.s32 $0xFFFFE000  }
0x235: {  	v2 =	vld [tilespmem:s11+$0x5930]  }
0x236: {  	v4 =	vld [tilespmem:s11+$0xF930]  }
0x237: {  	v5 =	vld [tilespmem:s11+$0x5900]  }
0x238: {  	v6 =	vld [tilespmem:s11+$0xF900]  }
0x239: {  	v1 =	vld [tilespmem:s11+$0x5910]  }
0x23a: {  	v3 =	vld [tilespmem:s11+$0xF910]  }
0x23b: {  	v0 =	vld [tilespmem:s11+$0x5920];
	v7 =	vadd.f32 v4, v2  }
0x23c: {  	s20 =	simm.s32 $0x40;
	v4 =	vld [tilespmem:s11+$0xF920]  }
0x23d: {  	s21 =	simm.s32 $0x200;
	v2 =	vld [tilespmem:s20+$0x5930];
	v5 =	vadd.f32 v6, v5;
	[tilespmem:s11+$0x19930] =	vst v7  }
.LBB2_28:
0x23e: {  	p0 =	sne.s32 s21, $0x7F00;
	v6 =	vld [tilespmem:s20+$0xF930]  }
0x23f: {  	v7 =	vld [tilespmem:s20+$0x5900];
	[tilespmem:s11+$0x19900] =	vst v5;
	v3 =	vadd.f32 v3, v1  }
0x240: {  	v5 =	vld [tilespmem:s20+$0xF900]  }
.Ltmp13:
0x241: {  	v1 =	vld [tilespmem:s20+$0x5910];
	[tilespmem:s11+$0x19910] =	vst v3;
	v4 =	vadd.f32 v4, v0;
	(pc) =	sbr.rel @p0 .LBB2_28-.Ltmp13, $4  }
0x242: {  	v3 =	vld [tilespmem:s20+$0xF910]  }
0x243: {  	v0 =	vld [tilespmem:s20+$0x5920];
	v6 =	vadd.f32 v6, v2;
	[tilespmem:s11+$0x19920] =	vst v4;
	s11 =	smov.u32 s20  }
0x244: {  	s20 =	sshra.s32 s21, $0x2;
	v4 =	vld [tilespmem:s11+$0xF920]  }
0x245: {  	s21 =	sadd.s32 $0x100, s21;
	v2 =	vld [tilespmem:s20+$0x5930];
	v5 =	vadd.f32 v5, v7;
	[tilespmem:s11+$0x19930] =	vst v6  }
0x246: {  	v6 =	vld [tilespmem:s20+$0xF930]  }
0x247: {  	v7 =	vld [tilespmem:s20+$0x5900];
	[tilespmem:s11+$0x19900] =	vst v5;
	v1 =	vadd.f32 v3, v1  }
0x248: {  	v3 =	vld [tilespmem:s20+$0xF900]  }
0x249: {  	v5 =	vld [tilespmem:s20+$0x5910];
	[tilespmem:s11+$0x19910] =	vst v1;
	v0 =	vadd.f32 v4, v0  }
0x24a: {  	v1 =	vld [tilespmem:s20+$0xF910]  }
0x24b: {  	v4 =	vld [tilespmem:s20+$0x5920];
	[tilespmem:s11+$0x19920] =	vst v0  }
0x24c: {  	v0 =	vld [tilespmem:s20+$0xF920];
	_ =	sdelay $0x1  }
0x24d: {  	v2 =	vadd.f32 v6, v2  }
0x24e: {  	v3 =	vadd.f32 v3, v7  }
0x24f: {  	[tilespmem:s20+$0x19930] =	vst v2;
	v1 =	vadd.f32 v1, v5  }
0x250: {  	[tilespmem:s20+$0x19900] =	vst v3;
	v0 =	vadd.f32 v0, v4  }
0x251: {  	[tilespmem:s20+$0x19910] =	vst v1  }
0x252: {  	s29 =	simm.s32 $0x0;
	s30 =	rddreg [dreg:$0xb];
	s21 =	simm.s32 $0x19900;
	[tilespmem:s20+$0x19920] =	vst v0  }
0x253: {  	[hbm4b:s30+s29] =	stream.linear.scatter [tilespmem:s21], [sflag:$0xD], $0x2000, $0x38;
	[tilespmem:$0x1F900] =	vst v63  }
0x254: {  	_ =	swait.ge [sflag:s7], $0x2000  }
0x255: {  	[sflag:s7] =	ssyncset.done $0x0  }
0x256: {  	[sflag:s7] =	ssyncadd.s32 $0xFFFFE000  }
0x257: {  	_ =	swait.ge [sflag:s23], $0x2000  }
0x258: {  	[sflag:s23] =	ssyncset.done $0x0  }
0x259: {  	[sflag:s23] =	ssyncadd.s32 $0xFFFFE000  }
0x25a: {  	_ =	swait.ge [sflag:s9], $0x2000  }
0x25b: {  	[sflag:s9] =	ssyncset.done $0x0  }
0x25c: {  	s11 =	simm.s32 $0x0;
	[sflag:s9] =	ssyncadd.s32 $0xFFFFE000  }
0x25d: {  	v2 =	vld [tilespmem:s11+$0x7930]  }
0x25e: {  	v4 =	vld [tilespmem:s11+$0x11930]  }
0x25f: {  	v5 =	vld [tilespmem:s11+$0x7900]  }
0x260: {  	v6 =	vld [tilespmem:s11+$0x11900]  }
0x261: {  	v1 =	vld [tilespmem:s11+$0x7910]  }
0x262: {  	v3 =	vld [tilespmem:s11+$0x11910]  }
0x263: {  	v0 =	vld [tilespmem:s11+$0x7920];
	v7 =	vadd.f32 v4, v2  }
0x264: {  	s20 =	simm.s32 $0x40;
	v4 =	vld [tilespmem:s11+$0x11920]  }
0x265: {  	s21 =	simm.s32 $0x200;
	v2 =	vld [tilespmem:s20+$0x7930];
	v5 =	vadd.f32 v6, v5;
	[tilespmem:s11+$0x1B930] =	vst v7  }
.LBB2_30:
0x266: {  	p0 =	sne.s32 s21, $0x7F00;
	v6 =	vld [tilespmem:s20+$0x11930]  }
0x267: {  	v7 =	vld [tilespmem:s20+$0x7900];
	[tilespmem:s11+$0x1B900] =	vst v5;
	v3 =	vadd.f32 v3, v1  }
0x268: {  	v5 =	vld [tilespmem:s20+$0x11900]  }
.Ltmp14:
0x269: {  	v1 =	vld [tilespmem:s20+$0x7910];
	[tilespmem:s11+$0x1B910] =	vst v3;
	v4 =	vadd.f32 v4, v0;
	(pc) =	sbr.rel @p0 .LBB2_30-.Ltmp14, $4  }
0x26a: {  	v3 =	vld [tilespmem:s20+$0x11910]  }
0x26b: {  	v0 =	vld [tilespmem:s20+$0x7920];
	v6 =	vadd.f32 v6, v2;
	[tilespmem:s11+$0x1B920] =	vst v4;
	s11 =	smov.u32 s20  }
0x26c: {  	s20 =	sshra.s32 s21, $0x2;
	v4 =	vld [tilespmem:s11+$0x11920]  }
0x26d: {  	s21 =	sadd.s32 $0x100, s21;
	v2 =	vld [tilespmem:s20+$0x7930];
	v5 =	vadd.f32 v5, v7;
	[tilespmem:s11+$0x1B930] =	vst v6  }
0x26e: {  	v6 =	vld [tilespmem:s20+$0x11930]  }
0x26f: {  	v7 =	vld [tilespmem:s20+$0x7900];
	[tilespmem:s11+$0x1B900] =	vst v5;
	v1 =	vadd.f32 v3, v1  }
0x270: {  	v3 =	vld [tilespmem:s20+$0x11900]  }
0x271: {  	v5 =	vld [tilespmem:s20+$0x7910];
	[tilespmem:s11+$0x1B910] =	vst v1;
	v0 =	vadd.f32 v4, v0  }
0x272: {  	v1 =	vld [tilespmem:s20+$0x11910]  }
0x273: {  	v4 =	vld [tilespmem:s20+$0x7920];
	[tilespmem:s11+$0x1B920] =	vst v0  }
0x274: {  	v0 =	vld [tilespmem:s20+$0x11920];
	_ =	sdelay $0x1  }
0x275: {  	v2 =	vadd.f32 v6, v2  }
0x276: {  	v3 =	vadd.f32 v3, v7  }
0x277: {  	[tilespmem:s20+$0x1B930] =	vst v2;
	v1 =	vadd.f32 v1, v5  }
0x278: {  	[tilespmem:s20+$0x1B900] =	vst v3;
	v0 =	vadd.f32 v0, v4  }
0x279: {  	[tilespmem:s20+$0x1B910] =	vst v1  }
0x27a: {  	s29 =	simm.s32 $0x0;
	s30 =	rddreg [dreg:$0xc];
	s21 =	simm.s32 $0x1B900;
	[tilespmem:s20+$0x1B920] =	vst v0  }
0x27b: {  	[hbm4b:s30+s29] =	stream.linear.scatter [tilespmem:s21], [sflag:$0xE], $0x2000, $0x38;
	[tilespmem:$0x1F900] =	vst v63  }
0x27c: {  	_ =	swait.ge [sflag:s26], $0x2000  }
0x27d: {  	[sflag:s26] =	ssyncset.done $0x0  }
0x27e: {  	[sflag:s26] =	ssyncadd.s32 $0xFFFFE000  }
0x27f: {  	_ =	swait.ge [sflag:s28], $0x2000  }
0x280: {  	[sflag:s28] =	ssyncset.done $0x0  }
0x281: {  	[sflag:s28] =	ssyncadd.s32 $0xFFFFE000  }
0x282: {  	_ =	swait.ge [sflag:s10], $0x2000  }
0x283: {  	[sflag:s10] =	ssyncset.done $0x0  }
0x284: {  	s11 =	simm.s32 $0x0;
	[sflag:s10] =	ssyncadd.s32 $0xFFFFE000  }
0x285: {  	v2 =	vld [tilespmem:s11+$0x9930]  }
0x286: {  	v4 =	vld [tilespmem:s11+$0x13930]  }
0x287: {  	v5 =	vld [tilespmem:s11+$0x9900]  }
0x288: {  	v6 =	vld [tilespmem:s11+$0x13900]  }
0x289: {  	v1 =	vld [tilespmem:s11+$0x9910]  }
0x28a: {  	v3 =	vld [tilespmem:s11+$0x13910]  }
0x28b: {  	v0 =	vld [tilespmem:s11+$0x9920];
	v7 =	vadd.f32 v4, v2  }
0x28c: {  	s20 =	simm.s32 $0x40;
	v4 =	vld [tilespmem:s11+$0x13920]  }
0x28d: {  	s21 =	simm.s32 $0x200;
	v2 =	vld [tilespmem:s20+$0x9930];
	v5 =	vadd.f32 v6, v5;
	[tilespmem:s11+$0x1D930] =	vst v7  }
.LBB2_32:
0x28e: {  	p0 =	sne.s32 s21, $0x7F00;
	v6 =	vld [tilespmem:s20+$0x13930]  }
0x28f: {  	v7 =	vld [tilespmem:s20+$0x9900];
	[tilespmem:s11+$0x1D900] =	vst v5;
	v3 =	vadd.f32 v3, v1  }
0x290: {  	v5 =	vld [tilespmem:s20+$0x13900]  }
.Ltmp15:
0x291: {  	v1 =	vld [tilespmem:s20+$0x9910];
	[tilespmem:s11+$0x1D910] =	vst v3;
	v4 =	vadd.f32 v4, v0;
	(pc) =	sbr.rel @p0 .LBB2_32-.Ltmp15, $4  }
0x292: {  	v3 =	vld [tilespmem:s20+$0x13910]  }
0x293: {  	v0 =	vld [tilespmem:s20+$0x9920];
	v6 =	vadd.f32 v6, v2;
	[tilespmem:s11+$0x1D920] =	vst v4;
	s11 =	smov.u32 s20  }
0x294: {  	s20 =	sshra.s32 s21, $0x2;
	v4 =	vld [tilespmem:s11+$0x13920]  }
0x295: {  	s21 =	sadd.s32 $0x100, s21;
	v2 =	vld [tilespmem:s20+$0x9930];
	v5 =	vadd.f32 v5, v7;
	[tilespmem:s11+$0x1D930] =	vst v6  }
0x296: {  	v6 =	vld [tilespmem:s20+$0x13930]  }
0x297: {  	v7 =	vld [tilespmem:s20+$0x9900];
	[tilespmem:s11+$0x1D900] =	vst v5;
	v1 =	vadd.f32 v3, v1  }
0x298: {  	v62 =	vld [tilespmem:s20+$0x13900]  }
0x299: {  	v5 =	vld [tilespmem:s20+$0x9910];
	[tilespmem:s11+$0x1D910] =	vst v1;
	v0 =	vadd.f32 v4, v0  }
0x29a: {  	v1 =	vld [tilespmem:s20+$0x13910]  }
0x29b: {  	v63 =	vld [tilespmem:s20+$0x9920];
	[tilespmem:s11+$0x1D920] =	vst v0  }
0x29c: {  	v0 =	vld [tilespmem:s20+$0x13920];
	_ =	sdelay $0x1  }
0x29d: {  	v2 =	vadd.f32 v6, v2  }
0x29e: {  	v3 =	vadd.f32 v62, v7  }
0x29f: {  	[tilespmem:s20+$0x1D930] =	vst v2;
	v1 =	vadd.f32 v1, v5  }
0x2a0: {  	[tilespmem:s20+$0x1D900] =	vst v3;
	v0 =	vadd.f32 v0, v63  }
0x2a1: {  	[tilespmem:s20+$0x1D910] =	vst v1  }
0x2a2: {  	s21 =	rddreg [dreg:$0xd];
	s25 =	simm.s32 $0x1D900;
	[tilespmem:s20+$0x1D920] =	vst v0  }
0x2a3: {  	[hbm4b:s21+s3] =	stream.linear.scatter [tilespmem:s25], [sflag:$0xF], $0x2000, $0x38;
	[tilespmem:$0x1F900] =	vst v63  }
0x2a4: {  	_ =	swait.ge [sflag:s31], $0x2000  }
0x2a5: {  	[sflag:s31] =	ssyncset.done $0x0  }
0x2a6: {  	[sflag:s31] =	ssyncadd.s32 $0xFFFFE000  }
0x2a7: {  	_ =	swait.ge [sflag:s1], $0x2000  }
0x2a8: {  	[sflag:s1] =	ssyncset.done $0x0  }
0x2a9: {  	[sflag:s1] =	ssyncadd.s32 $0xFFFFE000  }
0x2aa: {  	_ =	swait.ge [sflag:s8], $0x2000  }
0x2ab: {  	[sflag:s8] =	ssyncset.done $0x0  }
0x2ac: {  	[sflag:s8] =	ssyncadd.s32 $0xFFFFE000  }
0x2ad: {  	_ =	swait.ge [sflag:s9], $0x2000  }
0x2ae: {  	[sflag:s9] =	ssyncset.done $0x0  }
0x2af: {  	[sflag:s9] =	ssyncadd.s32 $0xFFFFE000  }
0x2b0: {  	_ =	swait.ge [sflag:s10], $0x2000  }
0x2b1: {  	s29 =	rddreg [dreg:$0xf]  }
0x2b2: {  	s30 =	rddreg [dreg:$0xe];
	s20 =	sadd.s32 $0x1, s29  }
0x2b3: {  	p0 =	sne.s32 s20, s30  }
.Ltmp16:
0x2b4: {  	_ = 	snop;
	(pc) =	sbr.rel @p0 .LBB2_1-.Ltmp16, $3  }
0x2b5: {  	_ =	sdelay $0x1  }
0x2b6: {  	[sflag:s10] =	ssyncset.done $0x0  }
0x2b7: {  	[sflag:s10] =	ssyncadd.s32 $0xFFFFE000  }
0x2b8: {  	_ =	sfence.sel $0x180000  }
0x2b9: {  	[bflag:$0x0] =	sbarrier.arrive $0xFFFF  }
0x2ba: {  	_ =	strace $0x90000047  }
0x2bb: {  	s0 =	stileid.u32;
	[bflag:$0x2] =	sbarrier.arrive $0xFFFF  }
0x2bc: {  	p0 =	sne.s32 s0, $0x0;
	s0 =	rddreg [dreg:$0x2]  }
0x2bd: {  	s0 =	sadd.s32 @!p0 $0x100000, s0  }
0x2be: {  	[sflag:s0] =	ssyncadd.tile.s32 @!p0 $0x1;
	_ =	shalt  }
.Lfunc_end2:
_tile_overlayer_lowered:
.L_overlay_start_2:
0x2bf: {  	(tag) =	ssettag $0x2  }
0x2c0: {  	s0 =	rddreg [dreg:$0x0];
	s2 =	stileid.u32  }
0x2c1: {  	s1 =	rddreg [dreg:$0x1];
	p0 =	sne.s32 s2, $0x0  }
0x2c2: {  	s3 =	rddreg [dreg:$0x2];
	[bflag:$0x3] =	sbarrier.arrive $0xFFFF;
	s2 =	simm.s32 @!p0 $0x1C10  }
0x2c3: {  	[timem:s3], [sflag:s2] =	dma.local @!p0 [hbm:s0], s1  }
0x2c4: {  	s0 =	simm.s32 @!p0 $0x10  }
0x2c5: {  	_ =	swait.ge @!p0 [sflag:s0], s1  }
0x2c6: {  	s1 =	ssub.s32 @!p0 $0x0, s1;
	[sflag:s0] =	ssyncset.done @!p0 $0x0  }
0x2c7: {  	[sflag:s0] =	ssyncadd.s32 @!p0 s1  }
0x2c8: {  	[bflag:$0x3] =	sbarrier.arrive $0xFFFF  }
0x2c9: {  	_ =	shalt  }

// kernel: sparse-core-data-format-call.cloned.1.call-start
scs
called_computation_lowered:
.L_overlay_start_0:
0x0: {  	s2 =	sld [smem:$0x3FD9]  }
0x1: {  	s3 =	sld [smem:$0x3FFE];
	_ =	sdelay $0x1  }
0x2: {  	s1 =	srdreg.scid  }
0x3: {  	s0 =	sand.u32 $0x1, s1  }
0x4: {  	s18 =	sshll.u32 s0, $0xA;
	s2 =	sadd.s32 s3, s2  }
0x5: {  	s2 =	sadd.s32 s2, s18  }
0x6: {  	[smem:$0x3FC5] =	sst s2  }
0x7: {  	_ = 	snop  }
0x8: {  	s2 =	sld [smem:$0x3FD0];
	(tm) =	ssettm $0x1  }
0x9: {  	s19 =	sld [smem:$0x3FFB];
	_ =	sdelay $0x3  }
0xa: {  	_ =	strace s19  }
0xb: {  	s3 =	sld [smem:$0x3FFC];
	_ =	sdelay $0x3  }
0xc: {  	_ =	strace s3  }
0xd: {  	s3 =	sld [smem:$0x3FFD];
	_ =	sdelay $0x3  }
0xe: {  	_ =	strace s3  }
0xf: {  	_ =	strace $0x8FFFFFFF  }
0x10: {  	s20 =	sld [smem:$0x3FDB];
	_ =	sdelay $0x1  }
0x11: {  	s4 =	simm.s32 $_scs_section_size  }
0x12: {  	s5 =	simm.s32 $_size__tile_overlayer_lowered;
	s6 =	simm.s32 $_tile_overlayer_lowered  }
0x13: {  	s23 =	simm.s32 $0x1BFF;
	s22 =	sshll.u32 s6, $0x1;
	s3 =	sadd.s32 s4, s20  }
0x14: {  	s7 =	simm.s32 $0x0;
	s21 =	sshll.u32 s5, $0x1;
	s5 =	sadd.s32 s22, s3  }
0x15: {  	[timem:s7], [sflag:s23] =	dma.local [hbm:s5], s21  }
0x16: {  	_ =	swait.ge [sflag:s23], s21  }
0x17: {  	s4 =	ssub.s32 $0x0, s21;
	[sflag:s23] =	ssyncset.done $0x0  }
0x18: {  	[sflag:s23] =	ssyncadd.s32 s4;
	_ =	sdelay $0x1  }
0x19: {  	s24 =	simm.s32 $0x1B8B  }
0x1a: {  	_ =	swait.ge [sflag:s24], $0x1  }
0x1b: {  	[sflag:s24] =	ssyncset.done $0x0  }
0x1c: {  	s26 =	simm.s32 $0x1B8E;
	s25 =	sld [smem:$0x3FFE];
	[sflag:s24] =	ssyncadd.s32 $0xFFFFFFFF  }
0x1d: {  	s27 =	simm.s32 $execute0_lowered;
	[smem:$0x3FD2] =	sst s26  }
0x1e: {  	s5 =	sshll.u32 s27, $0x1;
	_ =	strace $0x80000049;
	[dreg:$0x1] =	wrdreg $0xFFFFFFFF  }
0x1f: {  	s28 =	simm.s32 $_size_execute0_lowered;
	s3 =	sadd.s32 s3, s5;
	[dreg:$0x0] =	wrdreg $0x0  }
0x20: {  	s5 =	sshll.u32 s28, $0x1;
	[dreg:$0x2] =	wrdreg s3  }
0x21: {  	[dreg:$0x3] =	wrdreg s5  }
0x22: {  	[dreg:$0x4] =	wrdreg $0xC0  }
0x23: {  	_ =	task [dreg:s7], $0x5FFFF  }
0x24: {  	[dreg:$0x1] =	wrdreg $0xFFFFFFFF  }
0x25: {  	[dreg:$0x0] =	wrdreg $0x60  }
0x26: {  	[dreg:$0x2] =	wrdreg s25  }
0x27: {  	[dreg:$0x3] =	wrdreg s2  }
0x28: {  	[dreg:$0x4] =	wrdreg $0x9  }
0x29: {  	_ =	task.clear_ibuf [dreg:s7], $0x5FFFF;
	_ =	strace $0x90000049  }
0x2a: {  	s29 =	simm.s32 $0x9;
	_ =	strace $0x8000004B  }
0x2b: {  	_ =	swait.ge [sflag:s29], $0x1  }
0x2c: {  	[sflag:s29] =	ssyncadd.s32 $0xFFFFFFFF  }
0x2d: {  	_ =	strace $0x9000004B  }
0x2e: {  	_ =	sfence  }
0x2f: {  	s30 =	sld [smem:$0x0];
	_ =	sdelay $0x2  }
0x30: {  	s31 =	sshll.u32 s1, $0xD;
	s1 =	sshrl.u32 s1, $0x2  }
0x31: {  	s3 =	sand.u32 $0x4000, s31;
	s1 =	sadd.s32 s1, s30  }
0x32: {  	s0 =	sor.u32 s3, s0;
	s1 =	sshll.u32 s1, $0x11  }
0x33: {  	s0 =	sor.u32 s1, s0  }
0x34: {  	s0 =	sadd.s32 $0x8F2B, s0  }
0x35: {  	[sflag:s0] =	ssyncadd.remote.s32 $0x1  }
0x36: {  	_ =	sfence.sel $0xFFFF  }
0x37: {  	[dreg:$0x0] =	wrdreg $0xFFFFFFFF;
	(pc) =	sbr.abs _section_cstart, $3  }
0x38: {  	[dreg:$0x1] =	wrdreg $0xFFFFFFFF  }
0x39: {  	_ =	task.clear_ibuf [dreg:s7], $0x2FFFF;
	_ =	strace $0x9FFFFFFF  }
0x3a: {  	(tm) =	ssettm $0x7FFFFFFF  }
0x3b: {  	_ =	shalt  }
tec
execute0_lowered:
.L_overlay_start_1:
0x0: {  	(tag) =	ssettag $0x1  }
0x1: {  	s0 =	srdreg.scid  }
0x2: {  	s1 =	sshll.u32 s0, $0x4  }
0x3: {  	s4 =	rddreg [dreg:$0x0];
	s0 =	stileid.u32;
	s1 =	sand.u32 $0x10, s1  }
0x4: {  	s2 =	rddreg [dreg:$0x1];
	s7 =	simm.s32 $0x1;
	s1 =	sor.u32 s0, s1  }
0x5: {  	s8 =	simm.s32 $0x2;
	s11 =	simm.s32 $0x0;
	s3 =	sshll.u32 s1, $0x7  }
0x6: {  	s10 =	simm.s32 $0x0;
	s4 =	sadd.s32 $0xA00, s4;
	s6 =	ssub.s32 $0x32000, s3  }
.Ltmp0:
0x7: {  	s1 =	rddreg [dreg:$0x2];
	s5 =	sand.u32 $0xF80, s6;
	(pc) =	sbr.rel .LBB1_1-.Ltmp0, $4  }
0x8: {  	_ =	strace $0x8000004A;
	s9 =	smov.u32 s3;
	p0 =	sne.s32 s5, $0x0  }
0x9: {  	s6 =	sshrl.u32 s6, $0xC;
	s5 =	simm.s32 $0x1;
	s7 =	simm.s32 @!p0 $0x0  }
0xa: {  	[sflag:s5] =	ssyncpa.u1 $0x0;
	p0 =	por $0x0, $0x0;
	s6 =	sadd.s32 s7, s6  }
0xb: {  	[sflag:s8] =	ssyncpa.u1 $0x0;
	s8 =	simm.s32 $0x190000;
	s7 =	sadd.s32 $0x1, s6  }
.LBB1_4:
0xc: {  	s14 =	sshll.u32 s11, $0x3  }
0xd: {  	s30 =	sand.u32 $0x7F, s11;
	s15 =	sand.u32 $0xFFFFFC00, s14  }
0xe: {  	s11 =	sor.u32 s30, s15  }
0xf: {  	s15 =	smulhi.u32 $0x51EB851F, s11  }
0x10: {  	s14 =	smulhi.u32 $0x51EB851F, s14  }
0x11: {  	s15 =	sshrl.u32 s15, $0x10  }
0x12: {  	s14 =	sshrl.u32 s14, $0x10;
	s15 =	smul.u32 $0x32000, s15  }
0x13: {  	s14 =	sand.u32 $0x3F, s14  }
0x14: {  	s14 =	smul.u32 $0x6400, s14;
	s11 =	ssub.s32 s11, s15  }
0x15: {  	[tilespmem:s13+$0x810 ss:$0x81] =	vst.msk $0xffff, v2;
	s15 =	sand.u32 $0x7, s11  }
0x16: {  	[tilespmem:s13+$0x1020 ss:$0x81] =	vst.msk $0xffff, v0;
	s14 =	sadd.s32 s2, s14;
	s11 =	sshrl.u32 s11, $0x3;
	s15 =	sshll.u32 s15, $0x12  }
0x17: {  	[tilespmem:s13+$0x0 ss:$0x81] =	vst.msk $0xffff, v1;
	s11 =	sadd.s32 s11, s14;
	s31 =	sor.u32 $0x400, s15  }
0x18: {  	[hbm4b:s11+s31] =	stream.strided.scatter [tilespmem:s12], [sflag:$0x2], $0x2000, s8, s31, $0x20;
	[tilespmem:$0x8080] =	vst v63  }
.LBB1_5:
0x19: {  	s13 =	sadd.s32 $0x1000, s9  }
0x1a: {  	p2 =	sgt.s32 s13, $0x31FFF  }
0x1b: {  	s13 =	smov.u32 @p2 s3;
	p2 =	sne.s32 s10, s7  }
.Ltmp1:
0x1c: {  	p1 =	slt.u32 s10, $0x2;
	(pc) =	sbr.rel @!p2 .LBB1_6-.Ltmp1, $4  }
0x1d: {  	s12 =	simm.s32 @!p1 $0x2  }
0x1e: {  	s14 =	sadd.s32 $0x1, s10;
	_ =	swait.ge @!p1 [sflag:s12], $0x2000  }
0x1f: {  	s11 =	smov.u32 s9;
	p0 =	por !p0, !p0;
	[sflag:s12] =	ssyncset.done @!p1 $0x0  }
0x20: {  	s10 =	smov.u32 s14;
	s9 =	smov.u32 s13;
	[sflag:s12] =	ssyncadd.s32 @!p1 $0xFFFFE000  }
.LBB1_1:
0x21: {  	p1 =	sge.u32 s10, s6  }
0x22: {  	s12 =	sand.u32 @!p1 $0x1FFFFFF, s9  }
0x23: {  	s13 =	smulhi.u32 @!p1 $0x147AE15, s12;
	_ =	sdelay $0x1  }
0x24: {  	s13 =	sshrl.u32 @!p1 s13, $0xA  }
0x25: {  	s13 =	smul.u32 @!p1 $0x32000, s13;
	_ =	sdelay $0x1  }
0x26: {  	s31 =	sadd.s32 $0xFFFFFFFF, s10;
	s14 =	sxor.u32 @!p1 $0xFFFFFFFF, s10;
	s12 =	ssub.s32 @!p1 s12, s13  }
0x27: {  	s15 =	simm.s32 @!p1 $0x80;
	s14 =	sshll.u32 @!p1 s14, $0xD;
	s12 =	sshll.u32 @!p1 s12, $0x4  }
0x28: {  	s13 =	sand.u32 @!p1 $0x2000, s14;
	s14 =	simm.s32 @!p1 $0x40;
	s12 =	sadd.s32 @!p1 s4, s12  }
0x29: {  	[tilespmem:s13], [sflag:$0x1] =	stream.strided.gather @!p1 [hbm4b:s12+s14], $0x2000, s15, s14, $0x38;
	[tilespmem:$0x8080] =	vst v63  }
0x2a: {  	p1 =	sge.u32 s31, s6  }
.Ltmp2:
0x2b: {  	_ = 	snop;
	(pc) =	sbr.rel @p1 .LBB1_5-.Ltmp2, $1  }
0x2c: {  	_ =	sdelay $0x3  }
0x2d: {  	s12 =	simm.s32 $0x1  }
0x2e: {  	_ =	swait.ge [sflag:s5], $0x2000;
	s12 =	simm.s32 @!p0 $0x0  }
0x2f: {  	[sflag:s5] =	ssyncset.done $0x0;
	s13 =	sshll.u32 s12, $0xD  }
0x30: {  	[sflag:s5] =	ssyncadd.s32 $0xFFFFE000;
	s16 =	sor.u32 $0x20, s13  }
0x31: {  	s12 =	smul.u32 $0x8100, s12;
	v3 =	vld [tilespmem:s16+$0x10]  }
0x32: {  	s30 =	sand.u32 $0x1, s10;
	v2 =	vld [tilespmem:s16+$0xFFFFFFF0]  }
0x33: {  	s13 =	smul.u32 $0x8100, s30;
	s12 =	sshrl.u32 s12, $0x2;
	v0 =	vld [tilespmem:s16+$0x0]  }
0x34: {  	v1 =	vld [tilespmem:s16+$0xFFFFFFE0];
	s14 =	sor.u32 $0x4000, s12  }
0x35: {  	s31 =	sshrl.u32 s13, $0x2;
	s13 =	sadd.s32 $0x0, s14  }
0x36: {  	s15 =	simm.s32 $0x4;
	s16 =	sadd.s32 $0x40, s16;
	s12 =	sor.u32 $0x4000, s31;
	[tilespmem:s13+$0x1830 ss:$0x81] =	vst.msk $0xffff, v3  }
.LBB1_3:
0x37: {  	v3 =	vld [tilespmem:s16+$0x10];
	p1 =	sne.s32 s15, $0x1FC;
	[tilespmem:s13+$0x810 ss:$0x81] =	vst.msk $0xffff, v2;
	s17 =	smov.u32 s15;
	s15 =	sadd.s32 $0x4, s15  }
.Ltmp3:
0x38: {  	v2 =	vld [tilespmem:s16+$0xFFFFFFF0];
	[tilespmem:s13+$0x1020 ss:$0x81] =	vst.msk $0xffff, v0;
	(pc) =	sbr.rel @p1 .LBB1_3-.Ltmp3, $4  }
0x39: {  	v0 =	vld [tilespmem:s16+$0x0];
	[tilespmem:s13+$0x0 ss:$0x81] =	vst.msk $0xffff, v1  }
0x3a: {  	s13 =	sshra.s32 s17, $0x2;
	v1 =	vld [tilespmem:s16+$0xFFFFFFE0]  }
0x3b: {  	s13 =	sadd.s32 s13, s14  }
0x3c: {  	s16 =	sadd.s32 $0x40, s16;
	[tilespmem:s13+$0x1830 ss:$0x81] =	vst.msk $0xffff, v3  }
.Ltmp4:
0x3d: {  	_ = 	snop;
	(pc) =	sbr.rel .LBB1_4-.Ltmp4, $1  }
0x3e: {  	_ =	sdelay $0x3  }
.LBB1_6:
0x3f: {  	_ =	sfence.sel $0x180000  }
0x40: {  	s2 =	simm.s32 $0x1;
	[bflag:$0x0] =	sbarrier.arrive $0xFFFF  }
0x41: {  	s31 =	simm.s32 $0x2;
	[sflag:s2] =	ssyncpa.u1 $0x1  }
0x42: {  	[sflag:s31] =	ssyncpa.u1 $0x1  }
0x43: {  	p0 =	sne.s32 s0, $0x0;
	_ =	strace $0x9000004A  }
0x44: {  	s0 =	sadd.s32 @!p0 $0x100000, s1;
	[bflag:$0x2] =	sbarrier.arrive $0xFFFF  }
0x45: {  	[sflag:s0] =	ssyncadd.tile.s32 @!p0 $0x1;
	_ =	shalt  }
.Lfunc_end1:
_tile_overlayer_lowered:
.L_overlay_start_2:
0x46: {  	(tag) =	ssettag $0x2  }
0x47: {  	s0 =	rddreg [dreg:$0x0];
	s2 =	stileid.u32  }
0x48: {  	s1 =	rddreg [dreg:$0x1];
	p0 =	sne.s32 s2, $0x0  }
0x49: {  	s3 =	rddreg [dreg:$0x2];
	[bflag:$0x3] =	sbarrier.arrive $0xFFFF;
	s2 =	simm.s32 @!p0 $0x1C01  }
0x4a: {  	[timem:s3], [sflag:s2] =	dma.local @!p0 [hbm:s0], s1  }
0x4b: {  	s0 =	simm.s32 @!p0 $0x1  }
0x4c: {  	_ =	swait.ge @!p0 [sflag:s0], s1  }
0x4d: {  	s1 =	ssub.s32 @!p0 $0x0, s1;
	[sflag:s0] =	ssyncset.done @!p0 $0x0  }
0x4e: {  	[sflag:s0] =	ssyncadd.s32 @!p0 s1  }
0x4f: {  	[bflag:$0x3] =	sbarrier.arrive $0xFFFF  }
0x50: {  	_ =	shalt  }

</sc_bundles>
